<compile_context>
chip_gen: v7x
topology: tpu7x:2x2x1
jax: 0.10.2.dev20260603
libtpu: 0.0.44.dev20260713+nightly
codegen_flags: <defaults>
</compile_context>

<pallas_src>
import jax
import jax.numpy as jnp
from jax import lax
from jax.experimental import pallas as pl
from jax.experimental.pallas import tpu as pltpu
from jax.experimental.pallas import tpu_sc as plsc

_VB = 2048
_IDX_CHUNK = 128


def _gather_mean_sc(x, emb, batch, win):
    vocab, edim = emb.shape
    rows128 = vocab * edim // 128
    per_row = 128 // edim
    shift = per_row.bit_length() - 1
    emb128 = emb.reshape(rows128, 128)
    xf = x.reshape(-1)

    info = plsc.get_sparse_core_info()
    nc, ns = info.num_cores, info.num_subcores
    nw = nc * ns
    b_per_w = batch // nw
    rows_per_w = b_per_w * win
    mesh = plsc.VectorSubcoreMesh(core_axis_name="c", subcore_axis_name="s")

    ch_b = 8
    ch_r = ch_b * win
    n_ch = b_per_w // ch_b

    def body(xf_hbm, emb_hbm, out_hbm, xf_v, idx_v, rows0,
             rows1, acc_v, sem0, sem1):
        wid = lax.axis_index("s") * nc + lax.axis_index("c")
        base = wid * rows_per_w
        pltpu.sync_copy(xf_hbm.at[pl.ds(base, rows_per_w)], xf_v)
        iota16 = lax.iota(jnp.int32, 16)

        def shift_chunk(t, carry):
            idx_v[pl.ds(t * 16, 16)] = lax.shift_right_logical(
                xf_v[pl.ds(t * 16, 16)], shift)
            return carry

        lax.fori_loop(0, rows_per_w // 16, shift_chunk, 0)
        rows = (rows0, rows1)
        sems = (sem0, sem1)

        def fire(c):
            cbase, off, hs = c * ch_r, 0, []
            while off < ch_r:
                ln = min(_IDX_CHUNK, ch_r - off)
                hs.append(pltpu.async_copy(
                    emb_hbm.at[idx_v.at[pl.ds(cbase + off, ln)]],
                    rows[c % 2].at[pl.ds(off, ln)],
                    sems[c % 2]))
                off += ln
            return hs

        pending = {0: fire(0)}
        for c in range(n_ch):
            for h in pending.pop(c):
                h.wait()
            if c + 1 < n_ch:
                pending[c + 1] = fire(c + 1)
            rv = rows[c % 2]

            def pool_one(i, carry, c=c, rv=rv):
                lr0 = i * win
                gr0 = c * ch_r + lr0

                def one_row(j):
                    xv = plsc.load_gather(
                        xf_v, [jnp.full((16,), gr0 + j, jnp.int32)])
                    lane = (xv & (per_row - 1)) * edim + iota16
                    return plsc.load_gather(
                        rv, [jnp.full((16,), lr0 + j, jnp.int32), lane])

                acc = one_row(0)
                for j in range(1, win):
                    acc = acc + one_row(j)
                acc_v[c * ch_b + i, :] = acc * (1.0 / win)
                return carry

            lax.fori_loop(0, ch_b, pool_one, 0)
        pltpu.sync_copy(acc_v, out_hbm.at[pl.ds(wid * b_per_w, b_per_w)])

    kfn = pl.kernel(
        body,
        mesh=mesh,
        compiler_params=pltpu.CompilerParams(needs_layout_passes=False),
        out_type=jax.ShapeDtypeStruct((batch, edim), jnp.float32),
        scratch_types=[
            pltpu.VMEM((rows_per_w,), jnp.int32),
            pltpu.VMEM((rows_per_w,), jnp.int32),
            pltpu.VMEM((ch_r, 128), jnp.float32),
            pltpu.VMEM((ch_r, 128), jnp.float32),
            pltpu.VMEM((b_per_w, edim), jnp.float32),
            pltpu.SemaphoreType.DMA,
            pltpu.SemaphoreType.DMA,
        ],
    )
    return kfn(xf, emb128)


def _lse_tc(vb, wbt):
    batch, k = vb.shape
    vb1 = 2 * _VB if wbt.shape[1] % (2 * _VB) == 0 else _VB
    nv = wbt.shape[1] // vb1

    def body(wbt_ref, vb_ref, lse_ref, s_s):
        iv = pl.program_id(0)
        logits = lax.dot_general(wbt_ref[:], vb_ref[:], (((0,), (1,)), ((), ())),
                                 preferred_element_type=jnp.float32)
        e = jnp.exp(jnp.minimum(logits, 60.0))
        ssum = lax.dot_general(jnp.ones((1, vb1), jnp.float32), e,
                               (((1,), (0,)), ((), ())),
                               preferred_element_type=jnp.float32)

        @pl.when(iv == 0)
        def _():
            s_s[:] = ssum

        @pl.when(iv != 0)
        def _():
            s_s[:] = s_s[:] + ssum

        @pl.when(iv == nv - 1)
        def _():
            lse_ref[:] = jnp.log(s_s[:])

    return pl.pallas_call(
        body,
        grid=(nv,),
        in_specs=[
            pl.BlockSpec((k, vb1), lambda i: (0, i)),
            pl.BlockSpec((batch, k), lambda i: (0, 0)),
        ],
        out_specs=pl.BlockSpec((1, batch), lambda i: (0, 0)),
        out_shape=jax.ShapeDtypeStruct((1, batch), jnp.float32),
        scratch_shapes=[
            pltpu.VMEM((1, batch), jnp.float32),
        ],
    )(wbt, vb)


def _logsoftmax_out_tc(vb, wbt, lse, vocab):
    batch, k = vb.shape
    nv = pl.cdiv(vocab, _VB)

    def body(wbt_ref, vb_ref, lse_ref, o_ref):
        logits = lax.dot_general(wbt_ref[:], vb_ref[:], (((0,), (1,)), ((), ())),
                                 preferred_element_type=jnp.float32)
        o_ref[:] = logits - lse_ref[:]

    return pl.pallas_call(
        body,
        grid=(nv,),
        in_specs=[
            pl.BlockSpec((k, _VB), lambda i: (0, i)),
            pl.BlockSpec((batch, k), lambda i: (0, 0)),
            pl.BlockSpec((1, batch), lambda i: (0, 0)),
        ],
        out_specs=pl.BlockSpec((_VB, batch), lambda i: (i, 0)),
        out_shape=jax.ShapeDtypeStruct((vocab, batch), jnp.float32),
    )(wbt, vb, lse)


def kernel(x, emb, W, b):
    batch, win = x.shape
    vocab, edim = W.shape
    v = _gather_mean_sc(x, emb, batch, win)
    extra = 2 * _VB * pl.cdiv(vocab, 2 * _VB) - vocab
    wbt = jnp.concatenate(
        [jnp.concatenate([W.T, b[None, :]], axis=0),
         jnp.concatenate([jnp.zeros((edim, extra), jnp.float32),
                          jnp.full((1, extra), -1e30, jnp.float32)], axis=0)],
        axis=1)
    vb = jnp.concatenate([v, jnp.ones((batch, 1), jnp.float32)], axis=1)
    lse = _lse_tc(vb, wbt)
    out_t = _logsoftmax_out_tc(vb, wbt, lse, vocab)
    return out_t.T

# --- scband reference (transcript-rebuilt; emitter-appended) ---
"""Pipeline reference for scband-cbow-37580963840753 (READ-ONLY COPY).

The authoritative reference and input builder live on the scoring server;
editing this copy changes nothing except your own understanding.
"""

import jax, jax.numpy as jnp
import numpy as np

VOCAB = 100000
EMBED = 16
BATCH = 1024
WIN = 20

def setup_inputs(seed: int = 0) -> dict:
    key = jax.random.key(seed)
    k1, k2, k3 = jax.random.split(key, 3)
    x = jax.random.randint(k1, (BATCH, WIN), 0, VOCAB, dtype=jnp.int32)
    emb = jax.random.normal(k2, (VOCAB, EMBED), dtype=jnp.float32) * 0.02
    W = jax.random.normal(k3, (VOCAB, EMBED), dtype=jnp.float32) * 0.02
    b = jnp.zeros((VOCAB,), dtype=jnp.float32)
    return {"x": x, "emb": emb, "W": W, "b": b}

def reference(x, emb, W, b):
    # v = self.emb(x).mean(dim=1)
    v = jnp.take(emb, x, axis=0).mean(axis=1)
    # logits = self.lin(v)  (nn.Linear: v @ W.T + b)
    logits = v @ W.T + b
    # log_softmax over vocab dim
    return jax.nn.log_softmax(logits, axis=1)

if __name__ == "__main__":
    import jax
    _d = setup_inputs()
    print(jax.jit(kernel)(*tuple(_d.values())))

</pallas_src>

<mosaic_0001>
#map = affine_map<(d0, d1) -> (0)>
#map1 = affine_map<(d0, d1) -> (0, 0)>
module attributes {stable_mosaic.version = 14 : i64} {
  func.func @body(%arg0: i32, %arg1: i32, %arg2: memref<20480xi32, #tpu.memory_space<hbm>>, %arg3: memref<12500x128xf32, #tpu.memory_space<hbm>>, %arg4: memref<1024x16xf32, #tpu.memory_space<hbm>>, %arg5: memref<640xi32, #tpu.memory_space<vmem>>, %arg6: memref<640xi32, #tpu.memory_space<vmem>>, %arg7: memref<160x128xf32, #tpu.memory_space<vmem>>, %arg8: memref<160x128xf32, #tpu.memory_space<vmem>>, %arg9: memref<32x16xf32, #tpu.memory_space<vmem>>, %arg10: memref<!tpu.dma_semaphore, #tpu.memory_space<semaphore_mem>>, %arg11: memref<!tpu.dma_semaphore, #tpu.memory_space<semaphore_mem>>) attributes {dimension_semantics = [#tpu.dimension_semantics<core_parallel>, #tpu.dimension_semantics<subcore_parallel>], iteration_bounds = array<i64: 2, 16>, scalar_prefetch = 0 : i64, scratch_operands = 7 : i64, tpu.core_type = #tpu.core_type<sc_vector_subcore>, window_params = [{transform_indices = #map}, {transform_indices = #map1}, {transform_indices = #map1}]} {
    %mul3A = arith.constant 2 : i32
    %mul3A_0 = arith.muli %arg1, %mul3A : i32
    %add3A = arith.addi %mul3A_0, %arg0 : i32
    %mul3A_1 = arith.constant 640 : i32
    %mul3A_2 = arith.muli %add3A, %mul3A_1 : i32
    "tpu.region"() ({
      %run_scoped3A = tpu.sem_alloc : memref<!tpu.dma_semaphore, #tpu.memory_space<semaphore_mem>>
      %dma_start3A_160 = tpu.memref_slice %arg2[%mul3A_2] : memref<20480xi32, #tpu.memory_space<hbm>> -> memref<640xi32, #tpu.memory_space<hbm>>
      %dma_start3A_161 = tpu.memref_slice %arg2[%mul3A_2] : memref<20480xi32, #tpu.memory_space<hbm>> -> memref<640xi32, #tpu.memory_space<hbm>>
      tpu.enqueue_dma source(%dma_start3A_161 : memref<640xi32, #tpu.memory_space<hbm>>) target(%arg5 : memref<640xi32, #tpu.memory_space<vmem>>) target_semaphore(%run_scoped3A : memref<!tpu.dma_semaphore, #tpu.memory_space<semaphore_mem>>)
      %dma_wait3A_162 = tpu.memref_slice %arg2[%mul3A_2] : memref<20480xi32, #tpu.memory_space<hbm>> -> memref<640xi32, #tpu.memory_space<hbm>>
      %dma_wait3A_163 = tpu.memref_slice %arg2[%mul3A_2] : memref<20480xi32, #tpu.memory_space<hbm>> -> memref<640xi32, #tpu.memory_space<hbm>>
      tpu.wait_dma2 semaphore(%run_scoped3A : memref<!tpu.dma_semaphore, #tpu.memory_space<semaphore_mem>>) src(%dma_wait3A_163 : memref<640xi32, #tpu.memory_space<hbm>>) dst(%arg5 : memref<640xi32, #tpu.memory_space<vmem>>)
      tpu.yield
    }) : () -> ()
    %iota3A = tpu.iota {dimensions = array<i32: 0>} : vector<16xi32>
    %scan3A = arith.constant 0 : i32
    %scan3A_3 = arith.constant 0 : i32
    %scan3A_4 = arith.constant 40 : i32
    %scan3A_5 = arith.addi %scan3A_3, %scan3A_4 : i32
    %scan3A_6 = arith.constant 1 : i32
    scf.for %scan3A_160 = %scan3A_3 to %scan3A_5 step %scan3A_6  : i32 {
      %mul3A_161 = arith.constant 16 : i32
      %mul3A_162 = arith.muli %scan3A_160, %mul3A_161 : i32
      %get3A = arith.index_cast %mul3A_162 : i32 to index
      %get3A_163 = tpu.vector_load %arg5[%get3A] {strides = array<i32>} : memref<640xi32, #tpu.memory_space<vmem>>, vector<16xi32>,
      %shift_right_logical3A = arith.constant 3 : i32
      %shift_right_logical3A_164 = vector.broadcast %shift_right_logical3A : i32 to vector<16xi32>
      %shift_right_logical3A_165 = arith.shrui %get3A_163, %shift_right_logical3A_164 : vector<16xi32>
      %mul3A_166 = arith.constant 16 : i32
      %mul3A_167 = arith.muli %scan3A_160, %mul3A_166 : i32
      %swap3A = arith.index_cast %mul3A_167 : i32 to index
      %swap3A_168 = tpu.vector_load %arg6[%swap3A] {strides = array<i32>} : memref<640xi32, #tpu.memory_space<vmem>>, vector<16xi32>,
      tpu.vector_store %arg6[%swap3A], %shift_right_logical3A_165 {strides = array<i32>} : memref<640xi32, #tpu.memory_space<vmem>>, vector<16xi32>,
    }
    %scan3A_7 = arith.constant 40 : i32
    %dma_start3A = arith.constant 0 : i32
    %dma_start3A_8 = arith.constant 0 : i32
    %dma_start3A_9 = tpu.memref_slice %arg7[%dma_start3A, %dma_start3A_8] : memref<160x128xf32, #tpu.memory_space<vmem>> -> memref<128x128xf32, #tpu.memory_space<vmem>>
    %dma_start3A_10 = arith.constant 0 : i32
    %dma_start3A_11 = tpu.memref_slice %arg6[%dma_start3A_10] : memref<640xi32, #tpu.memory_space<vmem>> -> memref<128xi32, #tpu.memory_space<vmem>>
    %dma_start3A_12 = arith.constant 0 : i32
    %dma_start3A_13 = arith.constant 0 : i32
    %dma_start3A_14 = tpu.memref_slice %arg3[%dma_start3A_12, %dma_start3A_13] : memref<12500x128xf32, #tpu.memory_space<hbm>> -> memref<12500x128xf32, #tpu.memory_space<hbm>>
    tpu.enqueue_indirect_dma source(%dma_start3A_14 : memref<12500x128xf32, #tpu.memory_space<hbm>>) target(%dma_start3A_9 : memref<128x128xf32, #tpu.memory_space<vmem>>) offsets(%dma_start3A_11 : memref<128xi32, #tpu.memory_space<vmem>>) semaphore(%arg10 : memref<!tpu.dma_semaphore, #tpu.memory_space<semaphore_mem>>)
    %dma_start3A_15 = arith.constant 128 : i32
    %dma_start3A_16 = arith.constant 0 : i32
    %dma_start3A_17 = tpu.memref_slice %arg7[%dma_start3A_15, %dma_start3A_16] : memref<160x128xf32, #tpu.memory_space<vmem>> -> memref<32x128xf32, #tpu.memory_space<vmem>>
    %dma_start3A_18 = arith.constant 128 : i32
    %dma_start3A_19 = tpu.memref_slice %arg6[%dma_start3A_18] : memref<640xi32, #tpu.memory_space<vmem>> -> memref<32xi32, #tpu.memory_space<vmem>>
    %dma_start3A_20 = arith.constant 0 : i32
    %dma_start3A_21 = arith.constant 0 : i32
    %dma_start3A_22 = tpu.memref_slice %arg3[%dma_start3A_20, %dma_start3A_21] : memref<12500x128xf32, #tpu.memory_space<hbm>> -> memref<12500x128xf32, #tpu.memory_space<hbm>>
    tpu.enqueue_indirect_dma source(%dma_start3A_22 : memref<12500x128xf32, #tpu.memory_space<hbm>>) target(%dma_start3A_17 : memref<32x128xf32, #tpu.memory_space<vmem>>) offsets(%dma_start3A_19 : memref<32xi32, #tpu.memory_space<vmem>>) semaphore(%arg10 : memref<!tpu.dma_semaphore, #tpu.memory_space<semaphore_mem>>)
    %dma_wait3A = arith.constant 0 : i32
    %dma_wait3A_23 = arith.constant 0 : i32
    %dma_wait3A_24 = tpu.memref_slice %arg7[%dma_wait3A, %dma_wait3A_23] : memref<160x128xf32, #tpu.memory_space<vmem>> -> memref<128x128xf32, #tpu.memory_space<vmem>>
    %dma_wait3A_25 = arith.constant 0 : i32
    %dma_wait3A_26 = tpu.memref_slice %arg6[%dma_wait3A_25] : memref<640xi32, #tpu.memory_space<vmem>> -> memref<128xi32, #tpu.memory_space<vmem>>
    %dma_wait3A_27 = arith.constant 0 : i32
    %dma_wait3A_28 = arith.constant 0 : i32
    %dma_wait3A_29 = tpu.memref_slice %arg3[%dma_wait3A_27, %dma_wait3A_28] : memref<12500x128xf32, #tpu.memory_space<hbm>> -> memref<12500x128xf32, #tpu.memory_space<hbm>>
    tpu.wait_indirect_dma semaphore(%arg10 : memref<!tpu.dma_semaphore, #tpu.memory_space<semaphore_mem>>) src(%dma_wait3A_29 : memref<12500x128xf32, #tpu.memory_space<hbm>>) dst(%dma_wait3A_24 : memref<128x128xf32, #tpu.memory_space<vmem>>)
    %dma_wait3A_30 = arith.constant 128 : i32
    %dma_wait3A_31 = arith.constant 0 : i32
    %dma_wait3A_32 = tpu.memref_slice %arg7[%dma_wait3A_30, %dma_wait3A_31] : memref<160x128xf32, #tpu.memory_space<vmem>> -> memref<32x128xf32, #tpu.memory_space<vmem>>
    %dma_wait3A_33 = arith.constant 128 : i32
    %dma_wait3A_34 = tpu.memref_slice %arg6[%dma_wait3A_33] : memref<640xi32, #tpu.memory_space<vmem>> -> memref<32xi32, #tpu.memory_space<vmem>>
    %dma_wait3A_35 = arith.constant 0 : i32
    %dma_wait3A_36 = arith.constant 0 : i32
    %dma_wait3A_37 = tpu.memref_slice %arg3[%dma_wait3A_35, %dma_wait3A_36] : memref<12500x128xf32, #tpu.memory_space<hbm>> -> memref<12500x128xf32, #tpu.memory_space<hbm>>
    tpu.wait_indirect_dma semaphore(%arg10 : memref<!tpu.dma_semaphore, #tpu.memory_space<semaphore_mem>>) src(%dma_wait3A_37 : memref<12500x128xf32, #tpu.memory_space<hbm>>) dst(%dma_wait3A_32 : memref<32x128xf32, #tpu.memory_space<vmem>>)
    %dma_start3A_38 = arith.constant 0 : i32
    %dma_start3A_39 = arith.constant 0 : i32
    %dma_start3A_40 = tpu.memref_slice %arg8[%dma_start3A_38, %dma_start3A_39] : memref<160x128xf32, #tpu.memory_space<vmem>> -> memref<128x128xf32, #tpu.memory_space<vmem>>
    %dma_start3A_41 = arith.constant 160 : i32
    %dma_start3A_42 = tpu.memref_slice %arg6[%dma_start3A_41] : memref<640xi32, #tpu.memory_space<vmem>> -> memref<128xi32, #tpu.memory_space<vmem>>
    %dma_start3A_43 = arith.constant 0 : i32
    %dma_start3A_44 = arith.constant 0 : i32
    %dma_start3A_45 = tpu.memref_slice %arg3[%dma_start3A_43, %dma_start3A_44] : memref<12500x128xf32, #tpu.memory_space<hbm>> -> memref<12500x128xf32, #tpu.memory_space<hbm>>
    tpu.enqueue_indirect_dma source(%dma_start3A_45 : memref<12500x128xf32, #tpu.memory_space<hbm>>) target(%dma_start3A_40 : memref<128x128xf32, #tpu.memory_space<vmem>>) offsets(%dma_start3A_42 : memref<128xi32, #tpu.memory_space<vmem>>) semaphore(%arg11 : memref<!tpu.dma_semaphore, #tpu.memory_space<semaphore_mem>>)
    %dma_start3A_46 = arith.constant 128 : i32
    %dma_start3A_47 = arith.constant 0 : i32
    %dma_start3A_48 = tpu.memref_slice %arg8[%dma_start3A_46, %dma_start3A_47] : memref<160x128xf32, #tpu.memory_space<vmem>> -> memref<32x128xf32, #tpu.memory_space<vmem>>
    %dma_start3A_49 = arith.constant 288 : i32
    %dma_start3A_50 = tpu.memref_slice %arg6[%dma_start3A_49] : memref<640xi32, #tpu.memory_space<vmem>> -> memref<32xi32, #tpu.memory_space<vmem>>
    %dma_start3A_51 = arith.constant 0 : i32
    %dma_start3A_52 = arith.constant 0 : i32
    %dma_start3A_53 = tpu.memref_slice %arg3[%dma_start3A_51, %dma_start3A_52] : memref<12500x128xf32, #tpu.memory_space<hbm>> -> memref<12500x128xf32, #tpu.memory_space<hbm>>
    tpu.enqueue_indirect_dma source(%dma_start3A_53 : memref<12500x128xf32, #tpu.memory_space<hbm>>) target(%dma_start3A_48 : memref<32x128xf32, #tpu.memory_space<vmem>>) offsets(%dma_start3A_50 : memref<32xi32, #tpu.memory_space<vmem>>) semaphore(%arg11 : memref<!tpu.dma_semaphore, #tpu.memory_space<semaphore_mem>>)
    %scan3A_54 = arith.constant 0 : i32
    %scan3A_55 = arith.constant 0 : i32
    %scan3A_56 = arith.constant 8 : i32
    %scan3A_57 = arith.addi %scan3A_55, %scan3A_56 : i32
    %scan3A_58 = arith.constant 1 : i32
    scf.for %scan3A_160 = %scan3A_55 to %scan3A_57 step %scan3A_58  : i32 {
      %mul3A_161 = arith.constant 20 : i32
      %mul3A_162 = arith.muli %scan3A_160, %mul3A_161 : i32
      %add3A_163 = arith.constant 0 : i32
      %add3A_164 = arith.addi %add3A_163, %mul3A_162 : i32
      %add3A_165 = arith.constant 0 : i32
      %add3A_166 = arith.addi %add3A_164, %add3A_165 : i32
      %broadcast_in_dim3A = vector.broadcast %add3A_166 : i32 to vector<16xi32>
      %gather3A = tpu.vector_load_idx %arg5[%broadcast_in_dim3A] : memref<640xi32, #tpu.memory_space<vmem>>[vector<16xi32>], vector<16xi32>,
      %and3A = arith.constant 7 : i32
      %and3A_167 = vector.broadcast %and3A : i32 to vector<16xi32>
      %and3A_168 = arith.andi %gather3A, %and3A_167 : vector<16xi32>
      %mul3A_169 = arith.constant 16 : i32
      %mul3A_170 = vector.broadcast %mul3A_169 : i32 to vector<16xi32>
      %mul3A_171 = arith.muli %and3A_168, %mul3A_170 : vector<16xi32>
      %add3A_172 = arith.addi %mul3A_171, %iota3A : vector<16xi32>
      %add3A_173 = arith.constant 0 : i32
      %add3A_174 = arith.addi %mul3A_162, %add3A_173 : i32
      %broadcast_in_dim3A_175 = vector.broadcast %add3A_174 : i32 to vector<16xi32>
      %gather3A_176 = tpu.vector_load_idx %arg7[%broadcast_in_dim3A_175, %add3A_172] : memref<160x128xf32, #tpu.memory_space<vmem>>[vector<16xi32>, vector<16xi32>], vector<16xf32>,
      %add3A_177 = arith.constant 1 : i32
      %add3A_178 = arith.addi %add3A_164, %add3A_177 : i32
      %broadcast_in_dim3A_179 = vector.broadcast %add3A_178 : i32 to vector<16xi32>
      %gather3A_180 = tpu.vector_load_idx %arg5[%broadcast_in_dim3A_179] : memref<640xi32, #tpu.memory_space<vmem>>[vector<16xi32>], vector<16xi32>,
      %and3A_181 = arith.constant 7 : i32
      %and3A_182 = vector.broadcast %and3A_181 : i32 to vector<16xi32>
      %and3A_183 = arith.andi %gather3A_180, %and3A_182 : vector<16xi32>
      %mul3A_184 = arith.constant 16 : i32
      %mul3A_185 = vector.broadcast %mul3A_184 : i32 to vector<16xi32>
      %mul3A_186 = arith.muli %and3A_183, %mul3A_185 : vector<16xi32>
      %add3A_187 = arith.addi %mul3A_186, %iota3A : vector<16xi32>
      %add3A_188 = arith.constant 1 : i32
      %add3A_189 = arith.addi %mul3A_162, %add3A_188 : i32
      %broadcast_in_dim3A_190 = vector.broadcast %add3A_189 : i32 to vector<16xi32>
      %gather3A_191 = tpu.vector_load_idx %arg7[%broadcast_in_dim3A_190, %add3A_187] : memref<160x128xf32, #tpu.memory_space<vmem>>[vector<16xi32>, vector<16xi32>], vector<16xf32>,
      %add3A_192 = arith.addf %gather3A_176, %gather3A_191 : vector<16xf32>
      %add3A_193 = arith.constant 2 : i32
      %add3A_194 = arith.addi %add3A_164, %add3A_193 : i32
      %broadcast_in_dim3A_195 = vector.broadcast %add3A_194 : i32 to vector<16xi32>
      %gather3A_196 = tpu.vector_load_idx %arg5[%broadcast_in_dim3A_195] : memref<640xi32, #tpu.memory_space<vmem>>[vector<16xi32>], vector<16xi32>,
      %and3A_197 = arith.constant 7 : i32
      %and3A_198 = vector.broadcast %and3A_197 : i32 to vector<16xi32>
      %and3A_199 = arith.andi %gather3A_196, %and3A_198 : vector<16xi32>
      %mul3A_200 = arith.constant 16 : i32
      %mul3A_201 = vector.broadcast %mul3A_200 : i32 to vector<16xi32>
      %mul3A_202 = arith.muli %and3A_199, %mul3A_201 : vector<16xi32>
      %add3A_203 = arith.addi %mul3A_202, %iota3A : vector<16xi32>
      %add3A_204 = arith.constant 2 : i32
      %add3A_205 = arith.addi %mul3A_162, %add3A_204 : i32
      %broadcast_in_dim3A_206 = vector.broadcast %add3A_205 : i32 to vector<16xi32>
      %gather3A_207 = tpu.vector_load_idx %arg7[%broadcast_in_dim3A_206, %add3A_203] : memref<160x128xf32, #tpu.memory_space<vmem>>[vector<16xi32>, vector<16xi32>], vector<16xf32>,
      %add3A_208 = arith.addf %add3A_192, %gather3A_207 : vector<16xf32>
      %add3A_209 = arith.constant 3 : i32
      %add3A_210 = arith.addi %add3A_164, %add3A_209 : i32
      %broadcast_in_dim3A_211 = vector.broadcast %add3A_210 : i32 to vector<16xi32>
      %gather3A_212 = tpu.vector_load_idx %arg5[%broadcast_in_dim3A_211] : memref<640xi32, #tpu.memory_space<vmem>>[vector<16xi32>], vector<16xi32>,
      %and3A_213 = arith.constant 7 : i32
      %and3A_214 = vector.broadcast %and3A_213 : i32 to vector<16xi32>
      %and3A_215 = arith.andi %gather3A_212, %and3A_214 : vector<16xi32>
      %mul3A_216 = arith.constant 16 : i32
      %mul3A_217 = vector.broadcast %mul3A_216 : i32 to vector<16xi32>
      %mul3A_218 = arith.muli %and3A_215, %mul3A_217 : vector<16xi32>
      %add3A_219 = arith.addi %mul3A_218, %iota3A : vector<16xi32>
      %add3A_220 = arith.constant 3 : i32
      %add3A_221 = arith.addi %mul3A_162, %add3A_220 : i32
      %broadcast_in_dim3A_222 = vector.broadcast %add3A_221 : i32 to vector<16xi32>
      %gather3A_223 = tpu.vector_load_idx %arg7[%broadcast_in_dim3A_222, %add3A_219] : memref<160x128xf32, #tpu.memory_space<vmem>>[vector<16xi32>, vector<16xi32>], vector<16xf32>,
      %add3A_224 = arith.addf %add3A_208, %gather3A_223 : vector<16xf32>
      %add3A_225 = arith.constant 4 : i32
      %add3A_226 = arith.addi %add3A_164, %add3A_225 : i32
      %broadcast_in_dim3A_227 = vector.broadcast %add3A_226 : i32 to vector<16xi32>
      %gather3A_228 = tpu.vector_load_idx %arg5[%broadcast_in_dim3A_227] : memref<640xi32, #tpu.memory_space<vmem>>[vector<16xi32>], vector<16xi32>,
      %and3A_229 = arith.constant 7 : i32
      %and3A_230 = vector.broadcast %and3A_229 : i32 to vector<16xi32>
      %and3A_231 = arith.andi %gather3A_228, %and3A_230 : vector<16xi32>
      %mul3A_232 = arith.constant 16 : i32
      %mul3A_233 = vector.broadcast %mul3A_232 : i32 to vector<16xi32>
      %mul3A_234 = arith.muli %and3A_231, %mul3A_233 : vector<16xi32>
      %add3A_235 = arith.addi %mul3A_234, %iota3A : vector<16xi32>
      %add3A_236 = arith.constant 4 : i32
      %add3A_237 = arith.addi %mul3A_162, %add3A_236 : i32
      %broadcast_in_dim3A_238 = vector.broadcast %add3A_237 : i32 to vector<16xi32>
      %gather3A_239 = tpu.vector_load_idx %arg7[%broadcast_in_dim3A_238, %add3A_235] : memref<160x128xf32, #tpu.memory_space<vmem>>[vector<16xi32>, vector<16xi32>], vector<16xf32>,
      %add3A_240 = arith.addf %add3A_224, %gather3A_239 : vector<16xf32>
      %add3A_241 = arith.constant 5 : i32
      %add3A_242 = arith.addi %add3A_164, %add3A_241 : i32
      %broadcast_in_dim3A_243 = vector.broadcast %add3A_242 : i32 to vector<16xi32>
      %gather3A_244 = tpu.vector_load_idx %arg5[%broadcast_in_dim3A_243] : memref<640xi32, #tpu.memory_space<vmem>>[vector<16xi32>], vector<16xi32>,
      %and3A_245 = arith.constant 7 : i32
      %and3A_246 = vector.broadcast %and3A_245 : i32 to vector<16xi32>
      %and3A_247 = arith.andi %gather3A_244, %and3A_246 : vector<16xi32>
      %mul3A_248 = arith.constant 16 : i32
      %mul3A_249 = vector.broadcast %mul3A_248 : i32 to vector<16xi32>
      %mul3A_250 = arith.muli %and3A_247, %mul3A_249 : vector<16xi32>
      %add3A_251 = arith.addi %mul3A_250, %iota3A : vector<16xi32>
      %add3A_252 = arith.constant 5 : i32
      %add3A_253 = arith.addi %mul3A_162, %add3A_252 : i32
      %broadcast_in_dim3A_254 = vector.broadcast %add3A_253 : i32 to vector<16xi32>
      %gather3A_255 = tpu.vector_load_idx %arg7[%broadcast_in_dim3A_254, %add3A_251] : memref<160x128xf32, #tpu.memory_space<vmem>>[vector<16xi32>, vector<16xi32>], vector<16xf32>,
      %add3A_256 = arith.addf %add3A_240, %gather3A_255 : vector<16xf32>
      %add3A_257 = arith.constant 6 : i32
      %add3A_258 = arith.addi %add3A_164, %add3A_257 : i32
      %broadcast_in_dim3A_259 = vector.broadcast %add3A_258 : i32 to vector<16xi32>
      %gather3A_260 = tpu.vector_load_idx %arg5[%broadcast_in_dim3A_259] : memref<640xi32, #tpu.memory_space<vmem>>[vector<16xi32>], vector<16xi32>,
      %and3A_261 = arith.constant 7 : i32
      %and3A_262 = vector.broadcast %and3A_261 : i32 to vector<16xi32>
      %and3A_263 = arith.andi %gather3A_260, %and3A_262 : vector<16xi32>
      %mul3A_264 = arith.constant 16 : i32
      %mul3A_265 = vector.broadcast %mul3A_264 : i32 to vector<16xi32>
      %mul3A_266 = arith.muli %and3A_263, %mul3A_265 : vector<16xi32>
      %add3A_267 = arith.addi %mul3A_266, %iota3A : vector<16xi32>
      %add3A_268 = arith.constant 6 : i32
      %add3A_269 = arith.addi %mul3A_162, %add3A_268 : i32
      %broadcast_in_dim3A_270 = vector.broadcast %add3A_269 : i32 to vector<16xi32>
      %gather3A_271 = tpu.vector_load_idx %arg7[%broadcast_in_dim3A_270, %add3A_267] : memref<160x128xf32, #tpu.memory_space<vmem>>[vector<16xi32>, vector<16xi32>], vector<16xf32>,
      %add3A_272 = arith.addf %add3A_256, %gather3A_271 : vector<16xf32>
      %add3A_273 = arith.constant 7 : i32
      %add3A_274 = arith.addi %add3A_164, %add3A_273 : i32
      %broadcast_in_dim3A_275 = vector.broadcast %add3A_274 : i32 to vector<16xi32>
      %gather3A_276 = tpu.vector_load_idx %arg5[%broadcast_in_dim3A_275] : memref<640xi32, #tpu.memory_space<vmem>>[vector<16xi32>], vector<16xi32>,
      %and3A_277 = arith.constant 7 : i32
      %and3A_278 = vector.broadcast %and3A_277 : i32 to vector<16xi32>
      %and3A_279 = arith.andi %gather3A_276, %and3A_278 : vector<16xi32>
      %mul3A_280 = arith.constant 16 : i32
      %mul3A_281 = vector.broadcast %mul3A_280 : i32 to vector<16xi32>
      %mul3A_282 = arith.muli %and3A_279, %mul3A_281 : vector<16xi32>
      %add3A_283 = arith.addi %mul3A_282, %iota3A : vector<16xi32>
      %add3A_284 = arith.constant 7 : i32
      %add3A_285 = arith.addi %mul3A_162, %add3A_284 : i32
      %broadcast_in_dim3A_286 = vector.broadcast %add3A_285 : i32 to vector<16xi32>
      %gather3A_287 = tpu.vector_load_idx %arg7[%broadcast_in_dim3A_286, %add3A_283] : memref<160x128xf32, #tpu.memory_space<vmem>>[vector<16xi32>, vector<16xi32>], vector<16xf32>,
      %add3A_288 = arith.addf %add3A_272, %gather3A_287 : vector<16xf32>
      %add3A_289 = arith.constant 8 : i32
      %add3A_290 = arith.addi %add3A_164, %add3A_289 : i32
      %broadcast_in_dim3A_291 = vector.broadcast %add3A_290 : i32 to vector<16xi32>
      %gather3A_292 = tpu.vector_load_idx %arg5[%broadcast_in_dim3A_291] : memref<640xi32, #tpu.memory_space<vmem>>[vector<16xi32>], vector<16xi32>,
      %and3A_293 = arith.constant 7 : i32
      %and3A_294 = vector.broadcast %and3A_293 : i32 to vector<16xi32>
      %and3A_295 = arith.andi %gather3A_292, %and3A_294 : vector<16xi32>
      %mul3A_296 = arith.constant 16 : i32
      %mul3A_297 = vector.broadcast %mul3A_296 : i32 to vector<16xi32>
      %mul3A_298 = arith.muli %and3A_295, %mul3A_297 : vector<16xi32>
      %add3A_299 = arith.addi %mul3A_298, %iota3A : vector<16xi32>
      %add3A_300 = arith.constant 8 : i32
      %add3A_301 = arith.addi %mul3A_162, %add3A_300 : i32
      %broadcast_in_dim3A_302 = vector.broadcast %add3A_301 : i32 to vector<16xi32>
      %gather3A_303 = tpu.vector_load_idx %arg7[%broadcast_in_dim3A_302, %add3A_299] : memref<160x128xf32, #tpu.memory_space<vmem>>[vector<16xi32>, vector<16xi32>], vector<16xf32>,
      %add3A_304 = arith.addf %add3A_288, %gather3A_303 : vector<16xf32>
      %add3A_305 = arith.constant 9 : i32
      %add3A_306 = arith.addi %add3A_164, %add3A_305 : i32
      %broadcast_in_dim3A_307 = vector.broadcast %add3A_306 : i32 to vector<16xi32>
      %gather3A_308 = tpu.vector_load_idx %arg5[%broadcast_in_dim3A_307] : memref<640xi32, #tpu.memory_space<vmem>>[vector<16xi32>], vector<16xi32>,
      %and3A_309 = arith.constant 7 : i32
      %and3A_310 = vector.broadcast %and3A_309 : i32 to vector<16xi32>
      %and3A_311 = arith.andi %gather3A_308, %and3A_310 : vector<16xi32>
      %mul3A_312 = arith.constant 16 : i32
      %mul3A_313 = vector.broadcast %mul3A_312 : i32 to vector<16xi32>
      %mul3A_314 = arith.muli %and3A_311, %mul3A_313 : vector<16xi32>
      %add3A_315 = arith.addi %mul3A_314, %iota3A : vector<16xi32>
      %add3A_316 = arith.constant 9 : i32
      %add3A_317 = arith.addi %mul3A_162, %add3A_316 : i32
      %broadcast_in_dim3A_318 = vector.broadcast %add3A_317 : i32 to vector<16xi32>
      %gather3A_319 = tpu.vector_load_idx %arg7[%broadcast_in_dim3A_318, %add3A_315] : memref<160x128xf32, #tpu.memory_space<vmem>>[vector<16xi32>, vector<16xi32>], vector<16xf32>,
      %add3A_320 = arith.addf %add3A_304, %gather3A_319 : vector<16xf32>
      %add3A_321 = arith.constant 10 : i32
      %add3A_322 = arith.addi %add3A_164, %add3A_321 : i32
      %broadcast_in_dim3A_323 = vector.broadcast %add3A_322 : i32 to vector<16xi32>
      %gather3A_324 = tpu.vector_load_idx %arg5[%broadcast_in_dim3A_323] : memref<640xi32, #tpu.memory_space<vmem>>[vector<16xi32>], vector<16xi32>,
      %and3A_325 = arith.constant 7 : i32
      %and3A_326 = vector.broadcast %and3A_325 : i32 to vector<16xi32>
      %and3A_327 = arith.andi %gather3A_324, %and3A_326 : vector<16xi32>
      %mul3A_328 = arith.constant 16 : i32
      %mul3A_329 = vector.broadcast %mul3A_328 : i32 to vector<16xi32>
      %mul3A_330 = arith.muli %and3A_327, %mul3A_329 : vector<16xi32>
      %add3A_331 = arith.addi %mul3A_330, %iota3A : vector<16xi32>
      %add3A_332 = arith.constant 10 : i32
      %add3A_333 = arith.addi %mul3A_162, %add3A_332 : i32
      %broadcast_in_dim3A_334 = vector.broadcast %add3A_333 : i32 to vector<16xi32>
      %gather3A_335 = tpu.vector_load_idx %arg7[%broadcast_in_dim3A_334, %add3A_331] : memref<160x128xf32, #tpu.memory_space<vmem>>[vector<16xi32>, vector<16xi32>], vector<16xf32>,
      %add3A_336 = arith.addf %add3A_320, %gather3A_335 : vector<16xf32>
      %add3A_337 = arith.constant 11 : i32
      %add3A_338 = arith.addi %add3A_164, %add3A_337 : i32
      %broadcast_in_dim3A_339 = vector.broadcast %add3A_338 : i32 to vector<16xi32>
      %gather3A_340 = tpu.vector_load_idx %arg5[%broadcast_in_dim3A_339] : memref<640xi32, #tpu.memory_space<vmem>>[vector<16xi32>], vector<16xi32>,
      %and3A_341 = arith.constant 7 : i32
      %and3A_342 = vector.broadcast %and3A_341 : i32 to vector<16xi32>
      %and3A_343 = arith.andi %gather3A_340, %and3A_342 : vector<16xi32>
      %mul3A_344 = arith.constant 16 : i32
      %mul3A_345 = vector.broadcast %mul3A_344 : i32 to vector<16xi32>
      %mul3A_346 = arith.muli %and3A_343, %mul3A_345 : vector<16xi32>
      %add3A_347 = arith.addi %mul3A_346, %iota3A : vector<16xi32>
      %add3A_348 = arith.constant 11 : i32
      %add3A_349 = arith.addi %mul3A_162, %add3A_348 : i32
      %broadcast_in_dim3A_350 = vector.broadcast %add3A_349 : i32 to vector<16xi32>
      %gather3A_351 = tpu.vector_load_idx %arg7[%broadcast_in_dim3A_350, %add3A_347] : memref<160x128xf32, #tpu.memory_space<vmem>>[vector<16xi32>, vector<16xi32>], vector<16xf32>,
      %add3A_352 = arith.addf %add3A_336, %gather3A_351 : vector<16xf32>
      %add3A_353 = arith.constant 12 : i32
      %add3A_354 = arith.addi %add3A_164, %add3A_353 : i32
      %broadcast_in_dim3A_355 = vector.broadcast %add3A_354 : i32 to vector<16xi32>
      %gather3A_356 = tpu.vector_load_idx %arg5[%broadcast_in_dim3A_355] : memref<640xi32, #tpu.memory_space<vmem>>[vector<16xi32>], vector<16xi32>,
      %and3A_357 = arith.constant 7 : i32
      %and3A_358 = vector.broadcast %and3A_357 : i32 to vector<16xi32>
      %and3A_359 = arith.andi %gather3A_356, %and3A_358 : vector<16xi32>
      %mul3A_360 = arith.constant 16 : i32
      %mul3A_361 = vector.broadcast %mul3A_360 : i32 to vector<16xi32>
      %mul3A_362 = arith.muli %and3A_359, %mul3A_361 : vector<16xi32>
      %add3A_363 = arith.addi %mul3A_362, %iota3A : vector<16xi32>
      %add3A_364 = arith.constant 12 : i32
      %add3A_365 = arith.addi %mul3A_162, %add3A_364 : i32
      %broadcast_in_dim3A_366 = vector.broadcast %add3A_365 : i32 to vector<16xi32>
      %gather3A_367 = tpu.vector_load_idx %arg7[%broadcast_in_dim3A_366, %add3A_363] : memref<160x128xf32, #tpu.memory_space<vmem>>[vector<16xi32>, vector<16xi32>], vector<16xf32>,
      %add3A_368 = arith.addf %add3A_352, %gather3A_367 : vector<16xf32>
      %add3A_369 = arith.constant 13 : i32
      %add3A_370 = arith.addi %add3A_164, %add3A_369 : i32
      %broadcast_in_dim3A_371 = vector.broadcast %add3A_370 : i32 to vector<16xi32>
      %gather3A_372 = tpu.vector_load_idx %arg5[%broadcast_in_dim3A_371] : memref<640xi32, #tpu.memory_space<vmem>>[vector<16xi32>], vector<16xi32>,
      %and3A_373 = arith.constant 7 : i32
      %and3A_374 = vector.broadcast %and3A_373 : i32 to vector<16xi32>
      %and3A_375 = arith.andi %gather3A_372, %and3A_374 : vector<16xi32>
      %mul3A_376 = arith.constant 16 : i32
      %mul3A_377 = vector.broadcast %mul3A_376 : i32 to vector<16xi32>
      %mul3A_378 = arith.muli %and3A_375, %mul3A_377 : vector<16xi32>
      %add3A_379 = arith.addi %mul3A_378, %iota3A : vector<16xi32>
      %add3A_380 = arith.constant 13 : i32
      %add3A_381 = arith.addi %mul3A_162, %add3A_380 : i32
      %broadcast_in_dim3A_382 = vector.broadcast %add3A_381 : i32 to vector<16xi32>
      %gather3A_383 = tpu.vector_load_idx %arg7[%broadcast_in_dim3A_382, %add3A_379] : memref<160x128xf32, #tpu.memory_space<vmem>>[vector<16xi32>, vector<16xi32>], vector<16xf32>,
      %add3A_384 = arith.addf %add3A_368, %gather3A_383 : vector<16xf32>
      %add3A_385 = arith.constant 14 : i32
      %add3A_386 = arith.addi %add3A_164, %add3A_385 : i32
      %broadcast_in_dim3A_387 = vector.broadcast %add3A_386 : i32 to vector<16xi32>
      %gather3A_388 = tpu.vector_load_idx %arg5[%broadcast_in_dim3A_387] : memref<640xi32, #tpu.memory_space<vmem>>[vector<16xi32>], vector<16xi32>,
      %and3A_389 = arith.constant 7 : i32
      %and3A_390 = vector.broadcast %and3A_389 : i32 to vector<16xi32>
      %and3A_391 = arith.andi %gather3A_388, %and3A_390 : vector<16xi32>
      %mul3A_392 = arith.constant 16 : i32
      %mul3A_393 = vector.broadcast %mul3A_392 : i32 to vector<16xi32>
      %mul3A_394 = arith.muli %and3A_391, %mul3A_393 : vector<16xi32>
      %add3A_395 = arith.addi %mul3A_394, %iota3A : vector<16xi32>
      %add3A_396 = arith.constant 14 : i32
      %add3A_397 = arith.addi %mul3A_162, %add3A_396 : i32
      %broadcast_in_dim3A_398 = vector.broadcast %add3A_397 : i32 to vector<16xi32>
      %gather3A_399 = tpu.vector_load_idx %arg7[%broadcast_in_dim3A_398, %add3A_395] : memref<160x128xf32, #tpu.memory_space<vmem>>[vector<16xi32>, vector<16xi32>], vector<16xf32>,
      %add3A_400 = arith.addf %add3A_384, %gather3A_399 : vector<16xf32>
      %add3A_401 = arith.constant 15 : i32
      %add3A_402 = arith.addi %add3A_164, %add3A_401 : i32
      %broadcast_in_dim3A_403 = vector.broadcast %add3A_402 : i32 to vector<16xi32>
      %gather3A_404 = tpu.vector_load_idx %arg5[%broadcast_in_dim3A_403] : memref<640xi32, #tpu.memory_space<vmem>>[vector<16xi32>], vector<16xi32>,
      %and3A_405 = arith.constant 7 : i32
      %and3A_406 = vector.broadcast %and3A_405 : i32 to vector<16xi32>
      %and3A_407 = arith.andi %gather3A_404, %and3A_406 : vector<16xi32>
      %mul3A_408 = arith.constant 16 : i32
      %mul3A_409 = vector.broadcast %mul3A_408 : i32 to vector<16xi32>
      %mul3A_410 = arith.muli %and3A_407, %mul3A_409 : vector<16xi32>
      %add3A_411 = arith.addi %mul3A_410, %iota3A : vector<16xi32>
      %add3A_412 = arith.constant 15 : i32
      %add3A_413 = arith.addi %mul3A_162, %add3A_412 : i32
      %broadcast_in_dim3A_414 = vector.broadcast %add3A_413 : i32 to vector<16xi32>
      %gather3A_415 = tpu.vector_load_idx %arg7[%broadcast_in_dim3A_414, %add3A_411] : memref<160x128xf32, #tpu.memory_space<vmem>>[vector<16xi32>, vector<16xi32>], vector<16xf32>,
      %add3A_416 = arith.addf %add3A_400, %gather3A_415 : vector<16xf32>
      %add3A_417 = arith.constant 16 : i32
      %add3A_418 = arith.addi %add3A_164, %add3A_417 : i32
      %broadcast_in_dim3A_419 = vector.broadcast %add3A_418 : i32 to vector<16xi32>
      %gather3A_420 = tpu.vector_load_idx %arg5[%broadcast_in_dim3A_419] : memref<640xi32, #tpu.memory_space<vmem>>[vector<16xi32>], vector<16xi32>,
      %and3A_421 = arith.constant 7 : i32
      %and3A_422 = vector.broadcast %and3A_421 : i32 to vector<16xi32>
      %and3A_423 = arith.andi %gather3A_420, %and3A_422 : vector<16xi32>
      %mul3A_424 = arith.constant 16 : i32
      %mul3A_425 = vector.broadcast %mul3A_424 : i32 to vector<16xi32>
      %mul3A_426 = arith.muli %and3A_423, %mul3A_425 : vector<16xi32>
      %add3A_427 = arith.addi %mul3A_426, %iota3A : vector<16xi32>
      %add3A_428 = arith.constant 16 : i32
      %add3A_429 = arith.addi %mul3A_162, %add3A_428 : i32
      %broadcast_in_dim3A_430 = vector.broadcast %add3A_429 : i32 to vector<16xi32>
      %gather3A_431 = tpu.vector_load_idx %arg7[%broadcast_in_dim3A_430, %add3A_427] : memref<160x128xf32, #tpu.memory_space<vmem>>[vector<16xi32>, vector<16xi32>], vector<16xf32>,
      %add3A_432 = arith.addf %add3A_416, %gather3A_431 : vector<16xf32>
      %add3A_433 = arith.constant 17 : i32
      %add3A_434 = arith.addi %add3A_164, %add3A_433 : i32
      %broadcast_in_dim3A_435 = vector.broadcast %add3A_434 : i32 to vector<16xi32>
      %gather3A_436 = tpu.vector_load_idx %arg5[%broadcast_in_dim3A_435] : memref<640xi32, #tpu.memory_space<vmem>>[vector<16xi32>], vector<16xi32>,
      %and3A_437 = arith.constant 7 : i32
      %and3A_438 = vector.broadcast %and3A_437 : i32 to vector<16xi32>
      %and3A_439 = arith.andi %gather3A_436, %and3A_438 : vector<16xi32>
      %mul3A_440 = arith.constant 16 : i32
      %mul3A_441 = vector.broadcast %mul3A_440 : i32 to vector<16xi32>
      %mul3A_442 = arith.muli %and3A_439, %mul3A_441 : vector<16xi32>
      %add3A_443 = arith.addi %mul3A_442, %iota3A : vector<16xi32>
      %add3A_444 = arith.constant 17 : i32
      %add3A_445 = arith.addi %mul3A_162, %add3A_444 : i32
      %broadcast_in_dim3A_446 = vector.broadcast %add3A_445 : i32 to vector<16xi32>
      %gather3A_447 = tpu.vector_load_idx %arg7[%broadcast_in_dim3A_446, %add3A_443] : memref<160x128xf32, #tpu.memory_space<vmem>>[vector<16xi32>, vector<16xi32>], vector<16xf32>,
      %add3A_448 = arith.addf %add3A_432, %gather3A_447 : vector<16xf32>
      %add3A_449 = arith.constant 18 : i32
      %add3A_450 = arith.addi %add3A_164, %add3A_449 : i32
      %broadcast_in_dim3A_451 = vector.broadcast %add3A_450 : i32 to vector<16xi32>
      %gather3A_452 = tpu.vector_load_idx %arg5[%broadcast_in_dim3A_451] : memref<640xi32, #tpu.memory_space<vmem>>[vector<16xi32>], vector<16xi32>,
      %and3A_453 = arith.constant 7 : i32
      %and3A_454 = vector.broadcast %and3A_453 : i32 to vector<16xi32>
      %and3A_455 = arith.andi %gather3A_452, %and3A_454 : vector<16xi32>
      %mul3A_456 = arith.constant 16 : i32
      %mul3A_457 = vector.broadcast %mul3A_456 : i32 to vector<16xi32>
      %mul3A_458 = arith.muli %and3A_455, %mul3A_457 : vector<16xi32>
      %add3A_459 = arith.addi %mul3A_458, %iota3A : vector<16xi32>
      %add3A_460 = arith.constant 18 : i32
      %add3A_461 = arith.addi %mul3A_162, %add3A_460 : i32
      %broadcast_in_dim3A_462 = vector.broadcast %add3A_461 : i32 to vector<16xi32>
      %gather3A_463 = tpu.vector_load_idx %arg7[%broadcast_in_dim3A_462, %add3A_459] : memref<160x128xf32, #tpu.memory_space<vmem>>[vector<16xi32>, vector<16xi32>], vector<16xf32>,
      %add3A_464 = arith.addf %add3A_448, %gather3A_463 : vector<16xf32>
      %add3A_465 = arith.constant 19 : i32
      %add3A_466 = arith.addi %add3A_164, %add3A_465 : i32
      %broadcast_in_dim3A_467 = vector.broadcast %add3A_466 : i32 to vector<16xi32>
      %gather3A_468 = tpu.vector_load_idx %arg5[%broadcast_in_dim3A_467] : memref<640xi32, #tpu.memory_space<vmem>>[vector<16xi32>], vector<16xi32>,
      %and3A_469 = arith.constant 7 : i32
      %and3A_470 = vector.broadcast %and3A_469 : i32 to vector<16xi32>
      %and3A_471 = arith.andi %gather3A_468, %and3A_470 : vector<16xi32>
      %mul3A_472 = arith.constant 16 : i32
      %mul3A_473 = vector.broadcast %mul3A_472 : i32 to vector<16xi32>
      %mul3A_474 = arith.muli %and3A_471, %mul3A_473 : vector<16xi32>
      %add3A_475 = arith.addi %mul3A_474, %iota3A : vector<16xi32>
      %add3A_476 = arith.constant 19 : i32
      %add3A_477 = arith.addi %mul3A_162, %add3A_476 : i32
      %broadcast_in_dim3A_478 = vector.broadcast %add3A_477 : i32 to vector<16xi32>
      %gather3A_479 = tpu.vector_load_idx %arg7[%broadcast_in_dim3A_478, %add3A_475] : memref<160x128xf32, #tpu.memory_space<vmem>>[vector<16xi32>, vector<16xi32>], vector<16xf32>,
      %add3A_480 = arith.addf %add3A_464, %gather3A_479 : vector<16xf32>
      %mul3A_481 = arith.constant 5.000000e-02 : f32
      %mul3A_482 = vector.broadcast %mul3A_481 : f32 to vector<16xf32>
      %mul3A_483 = arith.mulf %add3A_480, %mul3A_482 : vector<16xf32>
      %add3A_484 = arith.constant 0 : i32
      %add3A_485 = arith.addi %add3A_484, %scan3A_160 : i32
      %swap3A = arith.index_cast %add3A_485 : i32 to index
      %swap3A_486 = arith.constant 0 : index
      %swap3A_487 = tpu.vector_load %arg9[%swap3A, %swap3A_486] {strides = array<i32>} : memref<32x16xf32, #tpu.memory_space<vmem>>, vector<16xf32>,
      tpu.vector_store %arg9[%swap3A, %swap3A_486], %mul3A_483 {strides = array<i32>} : memref<32x16xf32, #tpu.memory_space<vmem>>, vector<16xf32>,
    }
    %scan3A_59 = arith.constant 8 : i32
    %dma_wait3A_60 = arith.constant 0 : i32
    %dma_wait3A_61 = arith.constant 0 : i32
    %dma_wait3A_62 = tpu.memref_slice %arg8[%dma_wait3A_60, %dma_wait3A_61] : memref<160x128xf32, #tpu.memory_space<vmem>> -> memref<128x128xf32, #tpu.memory_space<vmem>>
    %dma_wait3A_63 = arith.constant 160 : i32
    %dma_wait3A_64 = tpu.memref_slice %arg6[%dma_wait3A_63] : memref<640xi32, #tpu.memory_space<vmem>> -> memref<128xi32, #tpu.memory_space<vmem>>
    %dma_wait3A_65 = arith.constant 0 : i32
    %dma_wait3A_66 = arith.constant 0 : i32
    %dma_wait3A_67 = tpu.memref_slice %arg3[%dma_wait3A_65, %dma_wait3A_66] : memref<12500x128xf32, #tpu.memory_space<hbm>> -> memref<12500x128xf32, #tpu.memory_space<hbm>>
    tpu.wait_indirect_dma semaphore(%arg11 : memref<!tpu.dma_semaphore, #tpu.memory_space<semaphore_mem>>) src(%dma_wait3A_67 : memref<12500x128xf32, #tpu.memory_space<hbm>>) dst(%dma_wait3A_62 : memref<128x128xf32, #tpu.memory_space<vmem>>)
    %dma_wait3A_68 = arith.constant 128 : i32
    %dma_wait3A_69 = arith.constant 0 : i32
    %dma_wait3A_70 = tpu.memref_slice %arg8[%dma_wait3A_68, %dma_wait3A_69] : memref<160x128xf32, #tpu.memory_space<vmem>> -> memref<32x128xf32, #tpu.memory_space<vmem>>
    %dma_wait3A_71 = arith.constant 288 : i32
    %dma_wait3A_72 = tpu.memref_slice %arg6[%dma_wait3A_71] : memref<640xi32, #tpu.memory_space<vmem>> -> memref<32xi32, #tpu.memory_space<vmem>>
    %dma_wait3A_73 = arith.constant 0 : i32
    %dma_wait3A_74 = arith.constant 0 : i32
    %dma_wait3A_75 = tpu.memref_slice %arg3[%dma_wait3A_73, %dma_wait3A_74] : memref<12500x128xf32, #tpu.memory_space<hbm>> -> memref<12500x128xf32, #tpu.memory_space<hbm>>
    tpu.wait_indirect_dma semaphore(%arg11 : memref<!tpu.dma_semaphore, #tpu.memory_space<semaphore_mem>>) src(%dma_wait3A_75 : memref<12500x128xf32, #tpu.memory_space<hbm>>) dst(%dma_wait3A_70 : memref<32x128xf32, #tpu.memory_space<vmem>>)
    %dma_start3A_76 = arith.constant 0 : i32
    %dma_start3A_77 = arith.constant 0 : i32
    %dma_start3A_78 = tpu.memref_slice %arg7[%dma_start3A_76, %dma_start3A_77] : memref<160x128xf32, #tpu.memory_space<vmem>> -> memref<128x128xf32, #tpu.memory_space<vmem>>
    %dma_start3A_79 = arith.constant 320 : i32
    %dma_start3A_80 = tpu.memref_slice %arg6[%dma_start3A_79] : memref<640xi32, #tpu.memory_space<vmem>> -> memref<128xi32, #tpu.memory_space<vmem>>
    %dma_start3A_81 = arith.constant 0 : i32
    %dma_start3A_82 = arith.constant 0 : i32
    %dma_start3A_83 = tpu.memref_slice %arg3[%dma_start3A_81, %dma_start3A_82] : memref<12500x128xf32, #tpu.memory_space<hbm>> -> memref<12500x128xf32, #tpu.memory_space<hbm>>
    tpu.enqueue_indirect_dma source(%dma_start3A_83 : memref<12500x128xf32, #tpu.memory_space<hbm>>) target(%dma_start3A_78 : memref<128x128xf32, #tpu.memory_space<vmem>>) offsets(%dma_start3A_80 : memref<128xi32, #tpu.memory_space<vmem>>) semaphore(%arg10 : memref<!tpu.dma_semaphore, #tpu.memory_space<semaphore_mem>>)
    %dma_start3A_84 = arith.constant 128 : i32
    %dma_start3A_85 = arith.constant 0 : i32
    %dma_start3A_86 = tpu.memref_slice %arg7[%dma_start3A_84, %dma_start3A_85] : memref<160x128xf32, #tpu.memory_space<vmem>> -> memref<32x128xf32, #tpu.memory_space<vmem>>
    %dma_start3A_87 = arith.constant 448 : i32
    %dma_start3A_88 = tpu.memref_slice %arg6[%dma_start3A_87] : memref<640xi32, #tpu.memory_space<vmem>> -> memref<32xi32, #tpu.memory_space<vmem>>
    %dma_start3A_89 = arith.constant 0 : i32
    %dma_start3A_90 = arith.constant 0 : i32
    %dma_start3A_91 = tpu.memref_slice %arg3[%dma_start3A_89, %dma_start3A_90] : memref<12500x128xf32, #tpu.memory_space<hbm>> -> memref<12500x128xf32, #tpu.memory_space<hbm>>
    tpu.enqueue_indirect_dma source(%dma_start3A_91 : memref<12500x128xf32, #tpu.memory_space<hbm>>) target(%dma_start3A_86 : memref<32x128xf32, #tpu.memory_space<vmem>>) offsets(%dma_start3A_88 : memref<32xi32, #tpu.memory_space<vmem>>) semaphore(%arg10 : memref<!tpu.dma_semaphore, #tpu.memory_space<semaphore_mem>>)
    %scan3A_92 = arith.constant 0 : i32
    %scan3A_93 = arith.constant 0 : i32
    %scan3A_94 = arith.constant 8 : i32
    %scan3A_95 = arith.addi %scan3A_93, %scan3A_94 : i32
    %scan3A_96 = arith.constant 1 : i32
    scf.for %scan3A_160 = %scan3A_93 to %scan3A_95 step %scan3A_96  : i32 {
      %mul3A_161 = arith.constant 20 : i32
      %mul3A_162 = arith.muli %scan3A_160, %mul3A_161 : i32
      %add3A_163 = arith.constant 160 : i32
      %add3A_164 = arith.addi %add3A_163, %mul3A_162 : i32
      %add3A_165 = arith.constant 0 : i32
      %add3A_166 = arith.addi %add3A_164, %add3A_165 : i32
      %broadcast_in_dim3A = vector.broadcast %add3A_166 : i32 to vector<16xi32>
      %gather3A = tpu.vector_load_idx %arg5[%broadcast_in_dim3A] : memref<640xi32, #tpu.memory_space<vmem>>[vector<16xi32>], vector<16xi32>,
      %and3A = arith.constant 7 : i32
      %and3A_167 = vector.broadcast %and3A : i32 to vector<16xi32>
      %and3A_168 = arith.andi %gather3A, %and3A_167 : vector<16xi32>
      %mul3A_169 = arith.constant 16 : i32
      %mul3A_170 = vector.broadcast %mul3A_169 : i32 to vector<16xi32>
      %mul3A_171 = arith.muli %and3A_168, %mul3A_170 : vector<16xi32>
      %add3A_172 = arith.addi %mul3A_171, %iota3A : vector<16xi32>
      %add3A_173 = arith.constant 0 : i32
      %add3A_174 = arith.addi %mul3A_162, %add3A_173 : i32
      %broadcast_in_dim3A_175 = vector.broadcast %add3A_174 : i32 to vector<16xi32>
      %gather3A_176 = tpu.vector_load_idx %arg8[%broadcast_in_dim3A_175, %add3A_172] : memref<160x128xf32, #tpu.memory_space<vmem>>[vector<16xi32>, vector<16xi32>], vector<16xf32>,
      %add3A_177 = arith.constant 1 : i32
      %add3A_178 = arith.addi %add3A_164, %add3A_177 : i32
      %broadcast_in_dim3A_179 = vector.broadcast %add3A_178 : i32 to vector<16xi32>
      %gather3A_180 = tpu.vector_load_idx %arg5[%broadcast_in_dim3A_179] : memref<640xi32, #tpu.memory_space<vmem>>[vector<16xi32>], vector<16xi32>,
      %and3A_181 = arith.constant 7 : i32
      %and3A_182 = vector.broadcast %and3A_181 : i32 to vector<16xi32>
      %and3A_183 = arith.andi %gather3A_180, %and3A_182 : vector<16xi32>
      %mul3A_184 = arith.constant 16 : i32
      %mul3A_185 = vector.broadcast %mul3A_184 : i32 to vector<16xi32>
      %mul3A_186 = arith.muli %and3A_183, %mul3A_185 : vector<16xi32>
      %add3A_187 = arith.addi %mul3A_186, %iota3A : vector<16xi32>
      %add3A_188 = arith.constant 1 : i32
      %add3A_189 = arith.addi %mul3A_162, %add3A_188 : i32
      %broadcast_in_dim3A_190 = vector.broadcast %add3A_189 : i32 to vector<16xi32>
      %gather3A_191 = tpu.vector_load_idx %arg8[%broadcast_in_dim3A_190, %add3A_187] : memref<160x128xf32, #tpu.memory_space<vmem>>[vector<16xi32>, vector<16xi32>], vector<16xf32>,
      %add3A_192 = arith.addf %gather3A_176, %gather3A_191 : vector<16xf32>
      %add3A_193 = arith.constant 2 : i32
      %add3A_194 = arith.addi %add3A_164, %add3A_193 : i32
      %broadcast_in_dim3A_195 = vector.broadcast %add3A_194 : i32 to vector<16xi32>
      %gather3A_196 = tpu.vector_load_idx %arg5[%broadcast_in_dim3A_195] : memref<640xi32, #tpu.memory_space<vmem>>[vector<16xi32>], vector<16xi32>,
      %and3A_197 = arith.constant 7 : i32
      %and3A_198 = vector.broadcast %and3A_197 : i32 to vector<16xi32>
      %and3A_199 = arith.andi %gather3A_196, %and3A_198 : vector<16xi32>
      %mul3A_200 = arith.constant 16 : i32
      %mul3A_201 = vector.broadcast %mul3A_200 : i32 to vector<16xi32>
      %mul3A_202 = arith.muli %and3A_199, %mul3A_201 : vector<16xi32>
      %add3A_203 = arith.addi %mul3A_202, %iota3A : vector<16xi32>
      %add3A_204 = arith.constant 2 : i32
      %add3A_205 = arith.addi %mul3A_162, %add3A_204 : i32
      %broadcast_in_dim3A_206 = vector.broadcast %add3A_205 : i32 to vector<16xi32>
      %gather3A_207 = tpu.vector_load_idx %arg8[%broadcast_in_dim3A_206, %add3A_203] : memref<160x128xf32, #tpu.memory_space<vmem>>[vector<16xi32>, vector<16xi32>], vector<16xf32>,
      %add3A_208 = arith.addf %add3A_192, %gather3A_207 : vector<16xf32>
      %add3A_209 = arith.constant 3 : i32
      %add3A_210 = arith.addi %add3A_164, %add3A_209 : i32
      %broadcast_in_dim3A_211 = vector.broadcast %add3A_210 : i32 to vector<16xi32>
      %gather3A_212 = tpu.vector_load_idx %arg5[%broadcast_in_dim3A_211] : memref<640xi32, #tpu.memory_space<vmem>>[vector<16xi32>], vector<16xi32>,
      %and3A_213 = arith.constant 7 : i32
      %and3A_214 = vector.broadcast %and3A_213 : i32 to vector<16xi32>
      %and3A_215 = arith.andi %gather3A_212, %and3A_214 : vector<16xi32>
      %mul3A_216 = arith.constant 16 : i32
      %mul3A_217 = vector.broadcast %mul3A_216 : i32 to vector<16xi32>
      %mul3A_218 = arith.muli %and3A_215, %mul3A_217 : vector<16xi32>
      %add3A_219 = arith.addi %mul3A_218, %iota3A : vector<16xi32>
      %add3A_220 = arith.constant 3 : i32
      %add3A_221 = arith.addi %mul3A_162, %add3A_220 : i32
      %broadcast_in_dim3A_222 = vector.broadcast %add3A_221 : i32 to vector<16xi32>
      %gather3A_223 = tpu.vector_load_idx %arg8[%broadcast_in_dim3A_222, %add3A_219] : memref<160x128xf32, #tpu.memory_space<vmem>>[vector<16xi32>, vector<16xi32>], vector<16xf32>,
      %add3A_224 = arith.addf %add3A_208, %gather3A_223 : vector<16xf32>
      %add3A_225 = arith.constant 4 : i32
      %add3A_226 = arith.addi %add3A_164, %add3A_225 : i32
      %broadcast_in_dim3A_227 = vector.broadcast %add3A_226 : i32 to vector<16xi32>
      %gather3A_228 = tpu.vector_load_idx %arg5[%broadcast_in_dim3A_227] : memref<640xi32, #tpu.memory_space<vmem>>[vector<16xi32>], vector<16xi32>,
      %and3A_229 = arith.constant 7 : i32
      %and3A_230 = vector.broadcast %and3A_229 : i32 to vector<16xi32>
      %and3A_231 = arith.andi %gather3A_228, %and3A_230 : vector<16xi32>
      %mul3A_232 = arith.constant 16 : i32
      %mul3A_233 = vector.broadcast %mul3A_232 : i32 to vector<16xi32>
      %mul3A_234 = arith.muli %and3A_231, %mul3A_233 : vector<16xi32>
      %add3A_235 = arith.addi %mul3A_234, %iota3A : vector<16xi32>
      %add3A_236 = arith.constant 4 : i32
      %add3A_237 = arith.addi %mul3A_162, %add3A_236 : i32
      %broadcast_in_dim3A_238 = vector.broadcast %add3A_237 : i32 to vector<16xi32>
      %gather3A_239 = tpu.vector_load_idx %arg8[%broadcast_in_dim3A_238, %add3A_235] : memref<160x128xf32, #tpu.memory_space<vmem>>[vector<16xi32>, vector<16xi32>], vector<16xf32>,
      %add3A_240 = arith.addf %add3A_224, %gather3A_239 : vector<16xf32>
      %add3A_241 = arith.constant 5 : i32
      %add3A_242 = arith.addi %add3A_164, %add3A_241 : i32
      %broadcast_in_dim3A_243 = vector.broadcast %add3A_242 : i32 to vector<16xi32>
      %gather3A_244 = tpu.vector_load_idx %arg5[%broadcast_in_dim3A_243] : memref<640xi32, #tpu.memory_space<vmem>>[vector<16xi32>], vector<16xi32>,
      %and3A_245 = arith.constant 7 : i32
      %and3A_246 = vector.broadcast %and3A_245 : i32 to vector<16xi32>
      %and3A_247 = arith.andi %gather3A_244, %and3A_246 : vector<16xi32>
      %mul3A_248 = arith.constant 16 : i32
      %mul3A_249 = vector.broadcast %mul3A_248 : i32 to vector<16xi32>
      %mul3A_250 = arith.muli %and3A_247, %mul3A_249 : vector<16xi32>
      %add3A_251 = arith.addi %mul3A_250, %iota3A : vector<16xi32>
      %add3A_252 = arith.constant 5 : i32
      %add3A_253 = arith.addi %mul3A_162, %add3A_252 : i32
      %broadcast_in_dim3A_254 = vector.broadcast %add3A_253 : i32 to vector<16xi32>
      %gather3A_255 = tpu.vector_load_idx %arg8[%broadcast_in_dim3A_254, %add3A_251] : memref<160x128xf32, #tpu.memory_space<vmem>>[vector<16xi32>, vector<16xi32>], vector<16xf32>,
      %add3A_256 = arith.addf %add3A_240, %gather3A_255 : vector<16xf32>
      %add3A_257 = arith.constant 6 : i32
      %add3A_258 = arith.addi %add3A_164, %add3A_257 : i32
      %broadcast_in_dim3A_259 = vector.broadcast %add3A_258 : i32 to vector<16xi32>
      %gather3A_260 = tpu.vector_load_idx %arg5[%broadcast_in_dim3A_259] : memref<640xi32, #tpu.memory_space<vmem>>[vector<16xi32>], vector<16xi32>,
      %and3A_261 = arith.constant 7 : i32
      %and3A_262 = vector.broadcast %and3A_261 : i32 to vector<16xi32>
      %and3A_263 = arith.andi %gather3A_260, %and3A_262 : vector<16xi32>
      %mul3A_264 = arith.constant 16 : i32
      %mul3A_265 = vector.broadcast %mul3A_264 : i32 to vector<16xi32>
      %mul3A_266 = arith.muli %and3A_263, %mul3A_265 : vector<16xi32>
      %add3A_267 = arith.addi %mul3A_266, %iota3A : vector<16xi32>
      %add3A_268 = arith.constant 6 : i32
      %add3A_269 = arith.addi %mul3A_162, %add3A_268 : i32
      %broadcast_in_dim3A_270 = vector.broadcast %add3A_269 : i32 to vector<16xi32>
      %gather3A_271 = tpu.vector_load_idx %arg8[%broadcast_in_dim3A_270, %add3A_267] : memref<160x128xf32, #tpu.memory_space<vmem>>[vector<16xi32>, vector<16xi32>], vector<16xf32>,
      %add3A_272 = arith.addf %add3A_256, %gather3A_271 : vector<16xf32>
      %add3A_273 = arith.constant 7 : i32
      %add3A_274 = arith.addi %add3A_164, %add3A_273 : i32
      %broadcast_in_dim3A_275 = vector.broadcast %add3A_274 : i32 to vector<16xi32>
      %gather3A_276 = tpu.vector_load_idx %arg5[%broadcast_in_dim3A_275] : memref<640xi32, #tpu.memory_space<vmem>>[vector<16xi32>], vector<16xi32>,
      %and3A_277 = arith.constant 7 : i32
      %and3A_278 = vector.broadcast %and3A_277 : i32 to vector<16xi32>
      %and3A_279 = arith.andi %gather3A_276, %and3A_278 : vector<16xi32>
      %mul3A_280 = arith.constant 16 : i32
      %mul3A_281 = vector.broadcast %mul3A_280 : i32 to vector<16xi32>
      %mul3A_282 = arith.muli %and3A_279, %mul3A_281 : vector<16xi32>
      %add3A_283 = arith.addi %mul3A_282, %iota3A : vector<16xi32>
      %add3A_284 = arith.constant 7 : i32
      %add3A_285 = arith.addi %mul3A_162, %add3A_284 : i32
      %broadcast_in_dim3A_286 = vector.broadcast %add3A_285 : i32 to vector<16xi32>
      %gather3A_287 = tpu.vector_load_idx %arg8[%broadcast_in_dim3A_286, %add3A_283] : memref<160x128xf32, #tpu.memory_space<vmem>>[vector<16xi32>, vector<16xi32>], vector<16xf32>,
      %add3A_288 = arith.addf %add3A_272, %gather3A_287 : vector<16xf32>
      %add3A_289 = arith.constant 8 : i32
      %add3A_290 = arith.addi %add3A_164, %add3A_289 : i32
      %broadcast_in_dim3A_291 = vector.broadcast %add3A_290 : i32 to vector<16xi32>
      %gather3A_292 = tpu.vector_load_idx %arg5[%broadcast_in_dim3A_291] : memref<640xi32, #tpu.memory_space<vmem>>[vector<16xi32>], vector<16xi32>,
      %and3A_293 = arith.constant 7 : i32
      %and3A_294 = vector.broadcast %and3A_293 : i32 to vector<16xi32>
      %and3A_295 = arith.andi %gather3A_292, %and3A_294 : vector<16xi32>
      %mul3A_296 = arith.constant 16 : i32
      %mul3A_297 = vector.broadcast %mul3A_296 : i32 to vector<16xi32>
      %mul3A_298 = arith.muli %and3A_295, %mul3A_297 : vector<16xi32>
      %add3A_299 = arith.addi %mul3A_298, %iota3A : vector<16xi32>
      %add3A_300 = arith.constant 8 : i32
      %add3A_301 = arith.addi %mul3A_162, %add3A_300 : i32
      %broadcast_in_dim3A_302 = vector.broadcast %add3A_301 : i32 to vector<16xi32>
      %gather3A_303 = tpu.vector_load_idx %arg8[%broadcast_in_dim3A_302, %add3A_299] : memref<160x128xf32, #tpu.memory_space<vmem>>[vector<16xi32>, vector<16xi32>], vector<16xf32>,
      %add3A_304 = arith.addf %add3A_288, %gather3A_303 : vector<16xf32>
      %add3A_305 = arith.constant 9 : i32
      %add3A_306 = arith.addi %add3A_164, %add3A_305 : i32
      %broadcast_in_dim3A_307 = vector.broadcast %add3A_306 : i32 to vector<16xi32>
      %gather3A_308 = tpu.vector_load_idx %arg5[%broadcast_in_dim3A_307] : memref<640xi32, #tpu.memory_space<vmem>>[vector<16xi32>], vector<16xi32>,
      %and3A_309 = arith.constant 7 : i32
      %and3A_310 = vector.broadcast %and3A_309 : i32 to vector<16xi32>
      %and3A_311 = arith.andi %gather3A_308, %and3A_310 : vector<16xi32>
      %mul3A_312 = arith.constant 16 : i32
      %mul3A_313 = vector.broadcast %mul3A_312 : i32 to vector<16xi32>
      %mul3A_314 = arith.muli %and3A_311, %mul3A_313 : vector<16xi32>
      %add3A_315 = arith.addi %mul3A_314, %iota3A : vector<16xi32>
      %add3A_316 = arith.constant 9 : i32
      %add3A_317 = arith.addi %mul3A_162, %add3A_316 : i32
      %broadcast_in_dim3A_318 = vector.broadcast %add3A_317 : i32 to vector<16xi32>
      %gather3A_319 = tpu.vector_load_idx %arg8[%broadcast_in_dim3A_318, %add3A_315] : memref<160x128xf32, #tpu.memory_space<vmem>>[vector<16xi32>, vector<16xi32>], vector<16xf32>,
      %add3A_320 = arith.addf %add3A_304, %gather3A_319 : vector<16xf32>
      %add3A_321 = arith.constant 10 : i32
      %add3A_322 = arith.addi %add3A_164, %add3A_321 : i32
      %broadcast_in_dim3A_323 = vector.broadcast %add3A_322 : i32 to vector<16xi32>
      %gather3A_324 = tpu.vector_load_idx %arg5[%broadcast_in_dim3A_323] : memref<640xi32, #tpu.memory_space<vmem>>[vector<16xi32>], vector<16xi32>,
      %and3A_325 = arith.constant 7 : i32
      %and3A_326 = vector.broadcast %and3A_325 : i32 to vector<16xi32>
      %and3A_327 = arith.andi %gather3A_324, %and3A_326 : vector<16xi32>
      %mul3A_328 = arith.constant 16 : i32
      %mul3A_329 = vector.broadcast %mul3A_328 : i32 to vector<16xi32>
      %mul3A_330 = arith.muli %and3A_327, %mul3A_329 : vector<16xi32>
      %add3A_331 = arith.addi %mul3A_330, %iota3A : vector<16xi32>
      %add3A_332 = arith.constant 10 : i32
      %add3A_333 = arith.addi %mul3A_162, %add3A_332 : i32
      %broadcast_in_dim3A_334 = vector.broadcast %add3A_333 : i32 to vector<16xi32>
      %gather3A_335 = tpu.vector_load_idx %arg8[%broadcast_in_dim3A_334, %add3A_331] : memref<160x128xf32, #tpu.memory_space<vmem>>[vector<16xi32>, vector<16xi32>], vector<16xf32>,
      %add3A_336 = arith.addf %add3A_320, %gather3A_335 : vector<16xf32>
      %add3A_337 = arith.constant 11 : i32
      %add3A_338 = arith.addi %add3A_164, %add3A_337 : i32
      %broadcast_in_dim3A_339 = vector.broadcast %add3A_338 : i32 to vector<16xi32>
      %gather3A_340 = tpu.vector_load_idx %arg5[%broadcast_in_dim3A_339] : memref<640xi32, #tpu.memory_space<vmem>>[vector<16xi32>], vector<16xi32>,
      %and3A_341 = arith.constant 7 : i32
      %and3A_342 = vector.broadcast %and3A_341 : i32 to vector<16xi32>
      %and3A_343 = arith.andi %gather3A_340, %and3A_342 : vector<16xi32>
      %mul3A_344 = arith.constant 16 : i32
      %mul3A_345 = vector.broadcast %mul3A_344 : i32 to vector<16xi32>
      %mul3A_346 = arith.muli %and3A_343, %mul3A_345 : vector<16xi32>
      %add3A_347 = arith.addi %mul3A_346, %iota3A : vector<16xi32>
      %add3A_348 = arith.constant 11 : i32
      %add3A_349 = arith.addi %mul3A_162, %add3A_348 : i32
      %broadcast_in_dim3A_350 = vector.broadcast %add3A_349 : i32 to vector<16xi32>
      %gather3A_351 = tpu.vector_load_idx %arg8[%broadcast_in_dim3A_350, %add3A_347] : memref<160x128xf32, #tpu.memory_space<vmem>>[vector<16xi32>, vector<16xi32>], vector<16xf32>,
      %add3A_352 = arith.addf %add3A_336, %gather3A_351 : vector<16xf32>
      %add3A_353 = arith.constant 12 : i32
      %add3A_354 = arith.addi %add3A_164, %add3A_353 : i32
      %broadcast_in_dim3A_355 = vector.broadcast %add3A_354 : i32 to vector<16xi32>
      %gather3A_356 = tpu.vector_load_idx %arg5[%broadcast_in_dim3A_355] : memref<640xi32, #tpu.memory_space<vmem>>[vector<16xi32>], vector<16xi32>,
      %and3A_357 = arith.constant 7 : i32
      %and3A_358 = vector.broadcast %and3A_357 : i32 to vector<16xi32>
      %and3A_359 = arith.andi %gather3A_356, %and3A_358 : vector<16xi32>
      %mul3A_360 = arith.constant 16 : i32
      %mul3A_361 = vector.broadcast %mul3A_360 : i32 to vector<16xi32>
      %mul3A_362 = arith.muli %and3A_359, %mul3A_361 : vector<16xi32>
      %add3A_363 = arith.addi %mul3A_362, %iota3A : vector<16xi32>
      %add3A_364 = arith.constant 12 : i32
      %add3A_365 = arith.addi %mul3A_162, %add3A_364 : i32
      %broadcast_in_dim3A_366 = vector.broadcast %add3A_365 : i32 to vector<16xi32>
      %gather3A_367 = tpu.vector_load_idx %arg8[%broadcast_in_dim3A_366, %add3A_363] : memref<160x128xf32, #tpu.memory_space<vmem>>[vector<16xi32>, vector<16xi32>], vector<16xf32>,
      %add3A_368 = arith.addf %add3A_352, %gather3A_367 : vector<16xf32>
      %add3A_369 = arith.constant 13 : i32
      %add3A_370 = arith.addi %add3A_164, %add3A_369 : i32
      %broadcast_in_dim3A_371 = vector.broadcast %add3A_370 : i32 to vector<16xi32>
      %gather3A_372 = tpu.vector_load_idx %arg5[%broadcast_in_dim3A_371] : memref<640xi32, #tpu.memory_space<vmem>>[vector<16xi32>], vector<16xi32>,
      %and3A_373 = arith.constant 7 : i32
      %and3A_374 = vector.broadcast %and3A_373 : i32 to vector<16xi32>
      %and3A_375 = arith.andi %gather3A_372, %and3A_374 : vector<16xi32>
      %mul3A_376 = arith.constant 16 : i32
      %mul3A_377 = vector.broadcast %mul3A_376 : i32 to vector<16xi32>
      %mul3A_378 = arith.muli %and3A_375, %mul3A_377 : vector<16xi32>
      %add3A_379 = arith.addi %mul3A_378, %iota3A : vector<16xi32>
      %add3A_380 = arith.constant 13 : i32
      %add3A_381 = arith.addi %mul3A_162, %add3A_380 : i32
      %broadcast_in_dim3A_382 = vector.broadcast %add3A_381 : i32 to vector<16xi32>
      %gather3A_383 = tpu.vector_load_idx %arg8[%broadcast_in_dim3A_382, %add3A_379] : memref<160x128xf32, #tpu.memory_space<vmem>>[vector<16xi32>, vector<16xi32>], vector<16xf32>,
      %add3A_384 = arith.addf %add3A_368, %gather3A_383 : vector<16xf32>
      %add3A_385 = arith.constant 14 : i32
      %add3A_386 = arith.addi %add3A_164, %add3A_385 : i32
      %broadcast_in_dim3A_387 = vector.broadcast %add3A_386 : i32 to vector<16xi32>
      %gather3A_388 = tpu.vector_load_idx %arg5[%broadcast_in_dim3A_387] : memref<640xi32, #tpu.memory_space<vmem>>[vector<16xi32>], vector<16xi32>,
      %and3A_389 = arith.constant 7 : i32
      %and3A_390 = vector.broadcast %and3A_389 : i32 to vector<16xi32>
      %and3A_391 = arith.andi %gather3A_388, %and3A_390 : vector<16xi32>
      %mul3A_392 = arith.constant 16 : i32
      %mul3A_393 = vector.broadcast %mul3A_392 : i32 to vector<16xi32>
      %mul3A_394 = arith.muli %and3A_391, %mul3A_393 : vector<16xi32>
      %add3A_395 = arith.addi %mul3A_394, %iota3A : vector<16xi32>
      %add3A_396 = arith.constant 14 : i32
      %add3A_397 = arith.addi %mul3A_162, %add3A_396 : i32
      %broadcast_in_dim3A_398 = vector.broadcast %add3A_397 : i32 to vector<16xi32>
      %gather3A_399 = tpu.vector_load_idx %arg8[%broadcast_in_dim3A_398, %add3A_395] : memref<160x128xf32, #tpu.memory_space<vmem>>[vector<16xi32>, vector<16xi32>], vector<16xf32>,
      %add3A_400 = arith.addf %add3A_384, %gather3A_399 : vector<16xf32>
      %add3A_401 = arith.constant 15 : i32
      %add3A_402 = arith.addi %add3A_164, %add3A_401 : i32
      %broadcast_in_dim3A_403 = vector.broadcast %add3A_402 : i32 to vector<16xi32>
      %gather3A_404 = tpu.vector_load_idx %arg5[%broadcast_in_dim3A_403] : memref<640xi32, #tpu.memory_space<vmem>>[vector<16xi32>], vector<16xi32>,
      %and3A_405 = arith.constant 7 : i32
      %and3A_406 = vector.broadcast %and3A_405 : i32 to vector<16xi32>
      %and3A_407 = arith.andi %gather3A_404, %and3A_406 : vector<16xi32>
      %mul3A_408 = arith.constant 16 : i32
      %mul3A_409 = vector.broadcast %mul3A_408 : i32 to vector<16xi32>
      %mul3A_410 = arith.muli %and3A_407, %mul3A_409 : vector<16xi32>
      %add3A_411 = arith.addi %mul3A_410, %iota3A : vector<16xi32>
      %add3A_412 = arith.constant 15 : i32
      %add3A_413 = arith.addi %mul3A_162, %add3A_412 : i32
      %broadcast_in_dim3A_414 = vector.broadcast %add3A_413 : i32 to vector<16xi32>
      %gather3A_415 = tpu.vector_load_idx %arg8[%broadcast_in_dim3A_414, %add3A_411] : memref<160x128xf32, #tpu.memory_space<vmem>>[vector<16xi32>, vector<16xi32>], vector<16xf32>,
      %add3A_416 = arith.addf %add3A_400, %gather3A_415 : vector<16xf32>
      %add3A_417 = arith.constant 16 : i32
      %add3A_418 = arith.addi %add3A_164, %add3A_417 : i32
      %broadcast_in_dim3A_419 = vector.broadcast %add3A_418 : i32 to vector<16xi32>
      %gather3A_420 = tpu.vector_load_idx %arg5[%broadcast_in_dim3A_419] : memref<640xi32, #tpu.memory_space<vmem>>[vector<16xi32>], vector<16xi32>,
      %and3A_421 = arith.constant 7 : i32
      %and3A_422 = vector.broadcast %and3A_421 : i32 to vector<16xi32>
      %and3A_423 = arith.andi %gather3A_420, %and3A_422 : vector<16xi32>
      %mul3A_424 = arith.constant 16 : i32
      %mul3A_425 = vector.broadcast %mul3A_424 : i32 to vector<16xi32>
      %mul3A_426 = arith.muli %and3A_423, %mul3A_425 : vector<16xi32>
      %add3A_427 = arith.addi %mul3A_426, %iota3A : vector<16xi32>
      %add3A_428 = arith.constant 16 : i32
      %add3A_429 = arith.addi %mul3A_162, %add3A_428 : i32
      %broadcast_in_dim3A_430 = vector.broadcast %add3A_429 : i32 to vector<16xi32>
      %gather3A_431 = tpu.vector_load_idx %arg8[%broadcast_in_dim3A_430, %add3A_427] : memref<160x128xf32, #tpu.memory_space<vmem>>[vector<16xi32>, vector<16xi32>], vector<16xf32>,
      %add3A_432 = arith.addf %add3A_416, %gather3A_431 : vector<16xf32>
      %add3A_433 = arith.constant 17 : i32
      %add3A_434 = arith.addi %add3A_164, %add3A_433 : i32
      %broadcast_in_dim3A_435 = vector.broadcast %add3A_434 : i32 to vector<16xi32>
      %gather3A_436 = tpu.vector_load_idx %arg5[%broadcast_in_dim3A_435] : memref<640xi32, #tpu.memory_space<vmem>>[vector<16xi32>], vector<16xi32>,
      %and3A_437 = arith.constant 7 : i32
      %and3A_438 = vector.broadcast %and3A_437 : i32 to vector<16xi32>
      %and3A_439 = arith.andi %gather3A_436, %and3A_438 : vector<16xi32>
      %mul3A_440 = arith.constant 16 : i32
      %mul3A_441 = vector.broadcast %mul3A_440 : i32 to vector<16xi32>
      %mul3A_442 = arith.muli %and3A_439, %mul3A_441 : vector<16xi32>
      %add3A_443 = arith.addi %mul3A_442, %iota3A : vector<16xi32>
      %add3A_444 = arith.constant 17 : i32
      %add3A_445 = arith.addi %mul3A_162, %add3A_444 : i32
      %broadcast_in_dim3A_446 = vector.broadcast %add3A_445 : i32 to vector<16xi32>
      %gather3A_447 = tpu.vector_load_idx %arg8[%broadcast_in_dim3A_446, %add3A_443] : memref<160x128xf32, #tpu.memory_space<vmem>>[vector<16xi32>, vector<16xi32>], vector<16xf32>,
      %add3A_448 = arith.addf %add3A_432, %gather3A_447 : vector<16xf32>
      %add3A_449 = arith.constant 18 : i32
      %add3A_450 = arith.addi %add3A_164, %add3A_449 : i32
      %broadcast_in_dim3A_451 = vector.broadcast %add3A_450 : i32 to vector<16xi32>
      %gather3A_452 = tpu.vector_load_idx %arg5[%broadcast_in_dim3A_451] : memref<640xi32, #tpu.memory_space<vmem>>[vector<16xi32>], vector<16xi32>,
      %and3A_453 = arith.constant 7 : i32
      %and3A_454 = vector.broadcast %and3A_453 : i32 to vector<16xi32>
      %and3A_455 = arith.andi %gather3A_452, %and3A_454 : vector<16xi32>
      %mul3A_456 = arith.constant 16 : i32
      %mul3A_457 = vector.broadcast %mul3A_456 : i32 to vector<16xi32>
      %mul3A_458 = arith.muli %and3A_455, %mul3A_457 : vector<16xi32>
      %add3A_459 = arith.addi %mul3A_458, %iota3A : vector<16xi32>
      %add3A_460 = arith.constant 18 : i32
      %add3A_461 = arith.addi %mul3A_162, %add3A_460 : i32
      %broadcast_in_dim3A_462 = vector.broadcast %add3A_461 : i32 to vector<16xi32>
      %gather3A_463 = tpu.vector_load_idx %arg8[%broadcast_in_dim3A_462, %add3A_459] : memref<160x128xf32, #tpu.memory_space<vmem>>[vector<16xi32>, vector<16xi32>], vector<16xf32>,
      %add3A_464 = arith.addf %add3A_448, %gather3A_463 : vector<16xf32>
      %add3A_465 = arith.constant 19 : i32
      %add3A_466 = arith.addi %add3A_164, %add3A_465 : i32
      %broadcast_in_dim3A_467 = vector.broadcast %add3A_466 : i32 to vector<16xi32>
      %gather3A_468 = tpu.vector_load_idx %arg5[%broadcast_in_dim3A_467] : memref<640xi32, #tpu.memory_space<vmem>>[vector<16xi32>], vector<16xi32>,
      %and3A_469 = arith.constant 7 : i32
      %and3A_470 = vector.broadcast %and3A_469 : i32 to vector<16xi32>
      %and3A_471 = arith.andi %gather3A_468, %and3A_470 : vector<16xi32>
      %mul3A_472 = arith.constant 16 : i32
      %mul3A_473 = vector.broadcast %mul3A_472 : i32 to vector<16xi32>
      %mul3A_474 = arith.muli %and3A_471, %mul3A_473 : vector<16xi32>
      %add3A_475 = arith.addi %mul3A_474, %iota3A : vector<16xi32>
      %add3A_476 = arith.constant 19 : i32
      %add3A_477 = arith.addi %mul3A_162, %add3A_476 : i32
      %broadcast_in_dim3A_478 = vector.broadcast %add3A_477 : i32 to vector<16xi32>
      %gather3A_479 = tpu.vector_load_idx %arg8[%broadcast_in_dim3A_478, %add3A_475] : memref<160x128xf32, #tpu.memory_space<vmem>>[vector<16xi32>, vector<16xi32>], vector<16xf32>,
      %add3A_480 = arith.addf %add3A_464, %gather3A_479 : vector<16xf32>
      %mul3A_481 = arith.constant 5.000000e-02 : f32
      %mul3A_482 = vector.broadcast %mul3A_481 : f32 to vector<16xf32>
      %mul3A_483 = arith.mulf %add3A_480, %mul3A_482 : vector<16xf32>
      %add3A_484 = arith.constant 8 : i32
      %add3A_485 = arith.addi %add3A_484, %scan3A_160 : i32
      %swap3A = arith.index_cast %add3A_485 : i32 to index
      %swap3A_486 = arith.constant 0 : index
      %swap3A_487 = tpu.vector_load %arg9[%swap3A, %swap3A_486] {strides = array<i32>} : memref<32x16xf32, #tpu.memory_space<vmem>>, vector<16xf32>,
      tpu.vector_store %arg9[%swap3A, %swap3A_486], %mul3A_483 {strides = array<i32>} : memref<32x16xf32, #tpu.memory_space<vmem>>, vector<16xf32>,
    }
    %scan3A_97 = arith.constant 8 : i32
    %dma_wait3A_98 = arith.constant 0 : i32
    %dma_wait3A_99 = arith.constant 0 : i32
    %dma_wait3A_100 = tpu.memref_slice %arg7[%dma_wait3A_98, %dma_wait3A_99] : memref<160x128xf32, #tpu.memory_space<vmem>> -> memref<128x128xf32, #tpu.memory_space<vmem>>
    %dma_wait3A_101 = arith.constant 320 : i32
    %dma_wait3A_102 = tpu.memref_slice %arg6[%dma_wait3A_101] : memref<640xi32, #tpu.memory_space<vmem>> -> memref<128xi32, #tpu.memory_space<vmem>>
    %dma_wait3A_103 = arith.constant 0 : i32
    %dma_wait3A_104 = arith.constant 0 : i32
    %dma_wait3A_105 = tpu.memref_slice %arg3[%dma_wait3A_103, %dma_wait3A_104] : memref<12500x128xf32, #tpu.memory_space<hbm>> -> memref<12500x128xf32, #tpu.memory_space<hbm>>
    tpu.wait_indirect_dma semaphore(%arg10 : memref<!tpu.dma_semaphore, #tpu.memory_space<semaphore_mem>>) src(%dma_wait3A_105 : memref<12500x128xf32, #tpu.memory_space<hbm>>) dst(%dma_wait3A_100 : memref<128x128xf32, #tpu.memory_space<vmem>>)
    %dma_wait3A_106 = arith.constant 128 : i32
    %dma_wait3A_107 = arith.constant 0 : i32
    %dma_wait3A_108 = tpu.memref_slice %arg7[%dma_wait3A_106, %dma_wait3A_107] : memref<160x128xf32, #tpu.memory_space<vmem>> -> memref<32x128xf32, #tpu.memory_space<vmem>>
    %dma_wait3A_109 = arith.constant 448 : i32
    %dma_wait3A_110 = tpu.memref_slice %arg6[%dma_wait3A_109] : memref<640xi32, #tpu.memory_space<vmem>> -> memref<32xi32, #tpu.memory_space<vmem>>
    %dma_wait3A_111 = arith.constant 0 : i32
    %dma_wait3A_112 = arith.constant 0 : i32
    %dma_wait3A_113 = tpu.memref_slice %arg3[%dma_wait3A_111, %dma_wait3A_112] : memref<12500x128xf32, #tpu.memory_space<hbm>> -> memref<12500x128xf32, #tpu.memory_space<hbm>>
    tpu.wait_indirect_dma semaphore(%arg10 : memref<!tpu.dma_semaphore, #tpu.memory_space<semaphore_mem>>) src(%dma_wait3A_113 : memref<12500x128xf32, #tpu.memory_space<hbm>>) dst(%dma_wait3A_108 : memref<32x128xf32, #tpu.memory_space<vmem>>)
    %dma_start3A_114 = arith.constant 0 : i32
    %dma_start3A_115 = arith.constant 0 : i32
    %dma_start3A_116 = tpu.memref_slice %arg8[%dma_start3A_114, %dma_start3A_115] : memref<160x128xf32, #tpu.memory_space<vmem>> -> memref<128x128xf32, #tpu.memory_space<vmem>>
    %dma_start3A_117 = arith.constant 480 : i32
    %dma_start3A_118 = tpu.memref_slice %arg6[%dma_start3A_117] : memref<640xi32, #tpu.memory_space<vmem>> -> memref<128xi32, #tpu.memory_space<vmem>>
    %dma_start3A_119 = arith.constant 0 : i32
    %dma_start3A_120 = arith.constant 0 : i32
    %dma_start3A_121 = tpu.memref_slice %arg3[%dma_start3A_119, %dma_start3A_120] : memref<12500x128xf32, #tpu.memory_space<hbm>> -> memref<12500x128xf32, #tpu.memory_space<hbm>>
    tpu.enqueue_indirect_dma source(%dma_start3A_121 : memref<12500x128xf32, #tpu.memory_space<hbm>>) target(%dma_start3A_116 : memref<128x128xf32, #tpu.memory_space<vmem>>) offsets(%dma_start3A_118 : memref<128xi32, #tpu.memory_space<vmem>>) semaphore(%arg11 : memref<!tpu.dma_semaphore, #tpu.memory_space<semaphore_mem>>)
    %dma_start3A_122 = arith.constant 128 : i32
    %dma_start3A_123 = arith.constant 0 : i32
    %dma_start3A_124 = tpu.memref_slice %arg8[%dma_start3A_122, %dma_start3A_123] : memref<160x128xf32, #tpu.memory_space<vmem>> -> memref<32x128xf32, #tpu.memory_space<vmem>>
    %dma_start3A_125 = arith.constant 608 : i32
    %dma_start3A_126 = tpu.memref_slice %arg6[%dma_start3A_125] : memref<640xi32, #tpu.memory_space<vmem>> -> memref<32xi32, #tpu.memory_space<vmem>>
    %dma_start3A_127 = arith.constant 0 : i32
    %dma_start3A_128 = arith.constant 0 : i32
    %dma_start3A_129 = tpu.memref_slice %arg3[%dma_start3A_127, %dma_start3A_128] : memref<12500x128xf32, #tpu.memory_space<hbm>> -> memref<12500x128xf32, #tpu.memory_space<hbm>>
    tpu.enqueue_indirect_dma source(%dma_start3A_129 : memref<12500x128xf32, #tpu.memory_space<hbm>>) target(%dma_start3A_124 : memref<32x128xf32, #tpu.memory_space<vmem>>) offsets(%dma_start3A_126 : memref<32xi32, #tpu.memory_space<vmem>>) semaphore(%arg11 : memref<!tpu.dma_semaphore, #tpu.memory_space<semaphore_mem>>)
    %scan3A_130 = arith.constant 0 : i32
    %scan3A_131 = arith.constant 0 : i32
    %scan3A_132 = arith.constant 8 : i32
    %scan3A_133 = arith.addi %scan3A_131, %scan3A_132 : i32
    %scan3A_134 = arith.constant 1 : i32
    scf.for %scan3A_160 = %scan3A_131 to %scan3A_133 step %scan3A_134  : i32 {
      %mul3A_161 = arith.constant 20 : i32
      %mul3A_162 = arith.muli %scan3A_160, %mul3A_161 : i32
      %add3A_163 = arith.constant 320 : i32
      %add3A_164 = arith.addi %add3A_163, %mul3A_162 : i32
      %add3A_165 = arith.constant 0 : i32
      %add3A_166 = arith.addi %add3A_164, %add3A_165 : i32
      %broadcast_in_dim3A = vector.broadcast %add3A_166 : i32 to vector<16xi32>
      %gather3A = tpu.vector_load_idx %arg5[%broadcast_in_dim3A] : memref<640xi32, #tpu.memory_space<vmem>>[vector<16xi32>], vector<16xi32>,
      %and3A = arith.constant 7 : i32
      %and3A_167 = vector.broadcast %and3A : i32 to vector<16xi32>
      %and3A_168 = arith.andi %gather3A, %and3A_167 : vector<16xi32>
      %mul3A_169 = arith.constant 16 : i32
      %mul3A_170 = vector.broadcast %mul3A_169 : i32 to vector<16xi32>
      %mul3A_171 = arith.muli %and3A_168, %mul3A_170 : vector<16xi32>
      %add3A_172 = arith.addi %mul3A_171, %iota3A : vector<16xi32>
      %add3A_173 = arith.constant 0 : i32
      %add3A_174 = arith.addi %mul3A_162, %add3A_173 : i32
      %broadcast_in_dim3A_175 = vector.broadcast %add3A_174 : i32 to vector<16xi32>
      %gather3A_176 = tpu.vector_load_idx %arg7[%broadcast_in_dim3A_175, %add3A_172] : memref<160x128xf32, #tpu.memory_space<vmem>>[vector<16xi32>, vector<16xi32>], vector<16xf32>,
      %add3A_177 = arith.constant 1 : i32
      %add3A_178 = arith.addi %add3A_164, %add3A_177 : i32
      %broadcast_in_dim3A_179 = vector.broadcast %add3A_178 : i32 to vector<16xi32>
      %gather3A_180 = tpu.vector_load_idx %arg5[%broadcast_in_dim3A_179] : memref<640xi32, #tpu.memory_space<vmem>>[vector<16xi32>], vector<16xi32>,
      %and3A_181 = arith.constant 7 : i32
      %and3A_182 = vector.broadcast %and3A_181 : i32 to vector<16xi32>
      %and3A_183 = arith.andi %gather3A_180, %and3A_182 : vector<16xi32>
      %mul3A_184 = arith.constant 16 : i32
      %mul3A_185 = vector.broadcast %mul3A_184 : i32 to vector<16xi32>
      %mul3A_186 = arith.muli %and3A_183, %mul3A_185 : vector<16xi32>
      %add3A_187 = arith.addi %mul3A_186, %iota3A : vector<16xi32>
      %add3A_188 = arith.constant 1 : i32
      %add3A_189 = arith.addi %mul3A_162, %add3A_188 : i32
      %broadcast_in_dim3A_190 = vector.broadcast %add3A_189 : i32 to vector<16xi32>
      %gather3A_191 = tpu.vector_load_idx %arg7[%broadcast_in_dim3A_190, %add3A_187] : memref<160x128xf32, #tpu.memory_space<vmem>>[vector<16xi32>, vector<16xi32>], vector<16xf32>,
      %add3A_192 = arith.addf %gather3A_176, %gather3A_191 : vector<16xf32>
      %add3A_193 = arith.constant 2 : i32
      %add3A_194 = arith.addi %add3A_164, %add3A_193 : i32
      %broadcast_in_dim3A_195 = vector.broadcast %add3A_194 : i32 to vector<16xi32>
      %gather3A_196 = tpu.vector_load_idx %arg5[%broadcast_in_dim3A_195] : memref<640xi32, #tpu.memory_space<vmem>>[vector<16xi32>], vector<16xi32>,
      %and3A_197 = arith.constant 7 : i32
      %and3A_198 = vector.broadcast %and3A_197 : i32 to vector<16xi32>
      %and3A_199 = arith.andi %gather3A_196, %and3A_198 : vector<16xi32>
      %mul3A_200 = arith.constant 16 : i32
      %mul3A_201 = vector.broadcast %mul3A_200 : i32 to vector<16xi32>
      %mul3A_202 = arith.muli %and3A_199, %mul3A_201 : vector<16xi32>
      %add3A_203 = arith.addi %mul3A_202, %iota3A : vector<16xi32>
      %add3A_204 = arith.constant 2 : i32
      %add3A_205 = arith.addi %mul3A_162, %add3A_204 : i32
      %broadcast_in_dim3A_206 = vector.broadcast %add3A_205 : i32 to vector<16xi32>
      %gather3A_207 = tpu.vector_load_idx %arg7[%broadcast_in_dim3A_206, %add3A_203] : memref<160x128xf32, #tpu.memory_space<vmem>>[vector<16xi32>, vector<16xi32>], vector<16xf32>,
      %add3A_208 = arith.addf %add3A_192, %gather3A_207 : vector<16xf32>
      %add3A_209 = arith.constant 3 : i32
      %add3A_210 = arith.addi %add3A_164, %add3A_209 : i32
      %broadcast_in_dim3A_211 = vector.broadcast %add3A_210 : i32 to vector<16xi32>
      %gather3A_212 = tpu.vector_load_idx %arg5[%broadcast_in_dim3A_211] : memref<640xi32, #tpu.memory_space<vmem>>[vector<16xi32>], vector<16xi32>,
      %and3A_213 = arith.constant 7 : i32
      %and3A_214 = vector.broadcast %and3A_213 : i32 to vector<16xi32>
      %and3A_215 = arith.andi %gather3A_212, %and3A_214 : vector<16xi32>
      %mul3A_216 = arith.constant 16 : i32
      %mul3A_217 = vector.broadcast %mul3A_216 : i32 to vector<16xi32>
      %mul3A_218 = arith.muli %and3A_215, %mul3A_217 : vector<16xi32>
      %add3A_219 = arith.addi %mul3A_218, %iota3A : vector<16xi32>
      %add3A_220 = arith.constant 3 : i32
      %add3A_221 = arith.addi %mul3A_162, %add3A_220 : i32
      %broadcast_in_dim3A_222 = vector.broadcast %add3A_221 : i32 to vector<16xi32>
      %gather3A_223 = tpu.vector_load_idx %arg7[%broadcast_in_dim3A_222, %add3A_219] : memref<160x128xf32, #tpu.memory_space<vmem>>[vector<16xi32>, vector<16xi32>], vector<16xf32>,
      %add3A_224 = arith.addf %add3A_208, %gather3A_223 : vector<16xf32>
      %add3A_225 = arith.constant 4 : i32
      %add3A_226 = arith.addi %add3A_164, %add3A_225 : i32
      %broadcast_in_dim3A_227 = vector.broadcast %add3A_226 : i32 to vector<16xi32>
      %gather3A_228 = tpu.vector_load_idx %arg5[%broadcast_in_dim3A_227] : memref<640xi32, #tpu.memory_space<vmem>>[vector<16xi32>], vector<16xi32>,
      %and3A_229 = arith.constant 7 : i32
      %and3A_230 = vector.broadcast %and3A_229 : i32 to vector<16xi32>
      %and3A_231 = arith.andi %gather3A_228, %and3A_230 : vector<16xi32>
      %mul3A_232 = arith.constant 16 : i32
      %mul3A_233 = vector.broadcast %mul3A_232 : i32 to vector<16xi32>
      %mul3A_234 = arith.muli %and3A_231, %mul3A_233 : vector<16xi32>
      %add3A_235 = arith.addi %mul3A_234, %iota3A : vector<16xi32>
      %add3A_236 = arith.constant 4 : i32
      %add3A_237 = arith.addi %mul3A_162, %add3A_236 : i32
      %broadcast_in_dim3A_238 = vector.broadcast %add3A_237 : i32 to vector<16xi32>
      %gather3A_239 = tpu.vector_load_idx %arg7[%broadcast_in_dim3A_238, %add3A_235] : memref<160x128xf32, #tpu.memory_space<vmem>>[vector<16xi32>, vector<16xi32>], vector<16xf32>,
      %add3A_240 = arith.addf %add3A_224, %gather3A_239 : vector<16xf32>
      %add3A_241 = arith.constant 5 : i32
      %add3A_242 = arith.addi %add3A_164, %add3A_241 : i32
      %broadcast_in_dim3A_243 = vector.broadcast %add3A_242 : i32 to vector<16xi32>
      %gather3A_244 = tpu.vector_load_idx %arg5[%broadcast_in_dim3A_243] : memref<640xi32, #tpu.memory_space<vmem>>[vector<16xi32>], vector<16xi32>,
      %and3A_245 = arith.constant 7 : i32
      %and3A_246 = vector.broadcast %and3A_245 : i32 to vector<16xi32>
      %and3A_247 = arith.andi %gather3A_244, %and3A_246 : vector<16xi32>
      %mul3A_248 = arith.constant 16 : i32
      %mul3A_249 = vector.broadcast %mul3A_248 : i32 to vector<16xi32>
      %mul3A_250 = arith.muli %and3A_247, %mul3A_249 : vector<16xi32>
      %add3A_251 = arith.addi %mul3A_250, %iota3A : vector<16xi32>
      %add3A_252 = arith.constant 5 : i32
      %add3A_253 = arith.addi %mul3A_162, %add3A_252 : i32
      %broadcast_in_dim3A_254 = vector.broadcast %add3A_253 : i32 to vector<16xi32>
      %gather3A_255 = tpu.vector_load_idx %arg7[%broadcast_in_dim3A_254, %add3A_251] : memref<160x128xf32, #tpu.memory_space<vmem>>[vector<16xi32>, vector<16xi32>], vector<16xf32>,
      %add3A_256 = arith.addf %add3A_240, %gather3A_255 : vector<16xf32>
      %add3A_257 = arith.constant 6 : i32
      %add3A_258 = arith.addi %add3A_164, %add3A_257 : i32
      %broadcast_in_dim3A_259 = vector.broadcast %add3A_258 : i32 to vector<16xi32>
      %gather3A_260 = tpu.vector_load_idx %arg5[%broadcast_in_dim3A_259] : memref<640xi32, #tpu.memory_space<vmem>>[vector<16xi32>], vector<16xi32>,
      %and3A_261 = arith.constant 7 : i32
      %and3A_262 = vector.broadcast %and3A_261 : i32 to vector<16xi32>
      %and3A_263 = arith.andi %gather3A_260, %and3A_262 : vector<16xi32>
      %mul3A_264 = arith.constant 16 : i32
      %mul3A_265 = vector.broadcast %mul3A_264 : i32 to vector<16xi32>
      %mul3A_266 = arith.muli %and3A_263, %mul3A_265 : vector<16xi32>
      %add3A_267 = arith.addi %mul3A_266, %iota3A : vector<16xi32>
      %add3A_268 = arith.constant 6 : i32
      %add3A_269 = arith.addi %mul3A_162, %add3A_268 : i32
      %broadcast_in_dim3A_270 = vector.broadcast %add3A_269 : i32 to vector<16xi32>
      %gather3A_271 = tpu.vector_load_idx %arg7[%broadcast_in_dim3A_270, %add3A_267] : memref<160x128xf32, #tpu.memory_space<vmem>>[vector<16xi32>, vector<16xi32>], vector<16xf32>,
      %add3A_272 = arith.addf %add3A_256, %gather3A_271 : vector<16xf32>
      %add3A_273 = arith.constant 7 : i32
      %add3A_274 = arith.addi %add3A_164, %add3A_273 : i32
      %broadcast_in_dim3A_275 = vector.broadcast %add3A_274 : i32 to vector<16xi32>
      %gather3A_276 = tpu.vector_load_idx %arg5[%broadcast_in_dim3A_275] : memref<640xi32, #tpu.memory_space<vmem>>[vector<16xi32>], vector<16xi32>,
      %and3A_277 = arith.constant 7 : i32
      %and3A_278 = vector.broadcast %and3A_277 : i32 to vector<16xi32>
      %and3A_279 = arith.andi %gather3A_276, %and3A_278 : vector<16xi32>
      %mul3A_280 = arith.constant 16 : i32
      %mul3A_281 = vector.broadcast %mul3A_280 : i32 to vector<16xi32>
      %mul3A_282 = arith.muli %and3A_279, %mul3A_281 : vector<16xi32>
      %add3A_283 = arith.addi %mul3A_282, %iota3A : vector<16xi32>
      %add3A_284 = arith.constant 7 : i32
      %add3A_285 = arith.addi %mul3A_162, %add3A_284 : i32
      %broadcast_in_dim3A_286 = vector.broadcast %add3A_285 : i32 to vector<16xi32>
      %gather3A_287 = tpu.vector_load_idx %arg7[%broadcast_in_dim3A_286, %add3A_283] : memref<160x128xf32, #tpu.memory_space<vmem>>[vector<16xi32>, vector<16xi32>], vector<16xf32>,
      %add3A_288 = arith.addf %add3A_272, %gather3A_287 : vector<16xf32>
      %add3A_289 = arith.constant 8 : i32
      %add3A_290 = arith.addi %add3A_164, %add3A_289 : i32
      %broadcast_in_dim3A_291 = vector.broadcast %add3A_290 : i32 to vector<16xi32>
      %gather3A_292 = tpu.vector_load_idx %arg5[%broadcast_in_dim3A_291] : memref<640xi32, #tpu.memory_space<vmem>>[vector<16xi32>], vector<16xi32>,
      %and3A_293 = arith.constant 7 : i32
      %and3A_294 = vector.broadcast %and3A_293 : i32 to vector<16xi32>
      %and3A_295 = arith.andi %gather3A_292, %and3A_294 : vector<16xi32>
      %mul3A_296 = arith.constant 16 : i32
      %mul3A_297 = vector.broadcast %mul3A_296 : i32 to vector<16xi32>
      %mul3A_298 = arith.muli %and3A_295, %mul3A_297 : vector<16xi32>
      %add3A_299 = arith.addi %mul3A_298, %iota3A : vector<16xi32>
      %add3A_300 = arith.constant 8 : i32
      %add3A_301 = arith.addi %mul3A_162, %add3A_300 : i32
      %broadcast_in_dim3A_302 = vector.broadcast %add3A_301 : i32 to vector<16xi32>
      %gather3A_303 = tpu.vector_load_idx %arg7[%broadcast_in_dim3A_302, %add3A_299] : memref<160x128xf32, #tpu.memory_space<vmem>>[vector<16xi32>, vector<16xi32>], vector<16xf32>,
      %add3A_304 = arith.addf %add3A_288, %gather3A_303 : vector<16xf32>
      %add3A_305 = arith.constant 9 : i32
      %add3A_306 = arith.addi %add3A_164, %add3A_305 : i32
      %broadcast_in_dim3A_307 = vector.broadcast %add3A_306 : i32 to vector<16xi32>
      %gather3A_308 = tpu.vector_load_idx %arg5[%broadcast_in_dim3A_307] : memref<640xi32, #tpu.memory_space<vmem>>[vector<16xi32>], vector<16xi32>,
      %and3A_309 = arith.constant 7 : i32
      %and3A_310 = vector.broadcast %and3A_309 : i32 to vector<16xi32>
      %and3A_311 = arith.andi %gather3A_308, %and3A_310 : vector<16xi32>
      %mul3A_312 = arith.constant 16 : i32
      %mul3A_313 = vector.broadcast %mul3A_312 : i32 to vector<16xi32>
      %mul3A_314 = arith.muli %and3A_311, %mul3A_313 : vector<16xi32>
      %add3A_315 = arith.addi %mul3A_314, %iota3A : vector<16xi32>
      %add3A_316 = arith.constant 9 : i32
      %add3A_317 = arith.addi %mul3A_162, %add3A_316 : i32
      %broadcast_in_dim3A_318 = vector.broadcast %add3A_317 : i32 to vector<16xi32>
      %gather3A_319 = tpu.vector_load_idx %arg7[%broadcast_in_dim3A_318, %add3A_315] : memref<160x128xf32, #tpu.memory_space<vmem>>[vector<16xi32>, vector<16xi32>], vector<16xf32>,
      %add3A_320 = arith.addf %add3A_304, %gather3A_319 : vector<16xf32>
      %add3A_321 = arith.constant 10 : i32
      %add3A_322 = arith.addi %add3A_164, %add3A_321 : i32
      %broadcast_in_dim3A_323 = vector.broadcast %add3A_322 : i32 to vector<16xi32>
      %gather3A_324 = tpu.vector_load_idx %arg5[%broadcast_in_dim3A_323] : memref<640xi32, #tpu.memory_space<vmem>>[vector<16xi32>], vector<16xi32>,
      %and3A_325 = arith.constant 7 : i32
      %and3A_326 = vector.broadcast %and3A_325 : i32 to vector<16xi32>
      %and3A_327 = arith.andi %gather3A_324, %and3A_326 : vector<16xi32>
      %mul3A_328 = arith.constant 16 : i32
      %mul3A_329 = vector.broadcast %mul3A_328 : i32 to vector<16xi32>
      %mul3A_330 = arith.muli %and3A_327, %mul3A_329 : vector<16xi32>
      %add3A_331 = arith.addi %mul3A_330, %iota3A : vector<16xi32>
      %add3A_332 = arith.constant 10 : i32
      %add3A_333 = arith.addi %mul3A_162, %add3A_332 : i32
      %broadcast_in_dim3A_334 = vector.broadcast %add3A_333 : i32 to vector<16xi32>
      %gather3A_335 = tpu.vector_load_idx %arg7[%broadcast_in_dim3A_334, %add3A_331] : memref<160x128xf32, #tpu.memory_space<vmem>>[vector<16xi32>, vector<16xi32>], vector<16xf32>,
      %add3A_336 = arith.addf %add3A_320, %gather3A_335 : vector<16xf32>
      %add3A_337 = arith.constant 11 : i32
      %add3A_338 = arith.addi %add3A_164, %add3A_337 : i32
      %broadcast_in_dim3A_339 = vector.broadcast %add3A_338 : i32 to vector<16xi32>
      %gather3A_340 = tpu.vector_load_idx %arg5[%broadcast_in_dim3A_339] : memref<640xi32, #tpu.memory_space<vmem>>[vector<16xi32>], vector<16xi32>,
      %and3A_341 = arith.constant 7 : i32
      %and3A_342 = vector.broadcast %and3A_341 : i32 to vector<16xi32>
      %and3A_343 = arith.andi %gather3A_340, %and3A_342 : vector<16xi32>
      %mul3A_344 = arith.constant 16 : i32
      %mul3A_345 = vector.broadcast %mul3A_344 : i32 to vector<16xi32>
      %mul3A_346 = arith.muli %and3A_343, %mul3A_345 : vector<16xi32>
      %add3A_347 = arith.addi %mul3A_346, %iota3A : vector<16xi32>
      %add3A_348 = arith.constant 11 : i32
      %add3A_349 = arith.addi %mul3A_162, %add3A_348 : i32
      %broadcast_in_dim3A_350 = vector.broadcast %add3A_349 : i32 to vector<16xi32>
      %gather3A_351 = tpu.vector_load_idx %arg7[%broadcast_in_dim3A_350, %add3A_347] : memref<160x128xf32, #tpu.memory_space<vmem>>[vector<16xi32>, vector<16xi32>], vector<16xf32>,
      %add3A_352 = arith.addf %add3A_336, %gather3A_351 : vector<16xf32>
      %add3A_353 = arith.constant 12 : i32
      %add3A_354 = arith.addi %add3A_164, %add3A_353 : i32
      %broadcast_in_dim3A_355 = vector.broadcast %add3A_354 : i32 to vector<16xi32>
      %gather3A_356 = tpu.vector_load_idx %arg5[%broadcast_in_dim3A_355] : memref<640xi32, #tpu.memory_space<vmem>>[vector<16xi32>], vector<16xi32>,
      %and3A_357 = arith.constant 7 : i32
      %and3A_358 = vector.broadcast %and3A_357 : i32 to vector<16xi32>
      %and3A_359 = arith.andi %gather3A_356, %and3A_358 : vector<16xi32>
      %mul3A_360 = arith.constant 16 : i32
      %mul3A_361 = vector.broadcast %mul3A_360 : i32 to vector<16xi32>
      %mul3A_362 = arith.muli %and3A_359, %mul3A_361 : vector<16xi32>
      %add3A_363 = arith.addi %mul3A_362, %iota3A : vector<16xi32>
      %add3A_364 = arith.constant 12 : i32
      %add3A_365 = arith.addi %mul3A_162, %add3A_364 : i32
      %broadcast_in_dim3A_366 = vector.broadcast %add3A_365 : i32 to vector<16xi32>
      %gather3A_367 = tpu.vector_load_idx %arg7[%broadcast_in_dim3A_366, %add3A_363] : memref<160x128xf32, #tpu.memory_space<vmem>>[vector<16xi32>, vector<16xi32>], vector<16xf32>,
      %add3A_368 = arith.addf %add3A_352, %gather3A_367 : vector<16xf32>
      %add3A_369 = arith.constant 13 : i32
      %add3A_370 = arith.addi %add3A_164, %add3A_369 : i32
      %broadcast_in_dim3A_371 = vector.broadcast %add3A_370 : i32 to vector<16xi32>
      %gather3A_372 = tpu.vector_load_idx %arg5[%broadcast_in_dim3A_371] : memref<640xi32, #tpu.memory_space<vmem>>[vector<16xi32>], vector<16xi32>,
      %and3A_373 = arith.constant 7 : i32
      %and3A_374 = vector.broadcast %and3A_373 : i32 to vector<16xi32>
      %and3A_375 = arith.andi %gather3A_372, %and3A_374 : vector<16xi32>
      %mul3A_376 = arith.constant 16 : i32
      %mul3A_377 = vector.broadcast %mul3A_376 : i32 to vector<16xi32>
      %mul3A_378 = arith.muli %and3A_375, %mul3A_377 : vector<16xi32>
      %add3A_379 = arith.addi %mul3A_378, %iota3A : vector<16xi32>
      %add3A_380 = arith.constant 13 : i32
      %add3A_381 = arith.addi %mul3A_162, %add3A_380 : i32
      %broadcast_in_dim3A_382 = vector.broadcast %add3A_381 : i32 to vector<16xi32>
      %gather3A_383 = tpu.vector_load_idx %arg7[%broadcast_in_dim3A_382, %add3A_379] : memref<160x128xf32, #tpu.memory_space<vmem>>[vector<16xi32>, vector<16xi32>], vector<16xf32>,
      %add3A_384 = arith.addf %add3A_368, %gather3A_383 : vector<16xf32>
      %add3A_385 = arith.constant 14 : i32
      %add3A_386 = arith.addi %add3A_164, %add3A_385 : i32
      %broadcast_in_dim3A_387 = vector.broadcast %add3A_386 : i32 to vector<16xi32>
      %gather3A_388 = tpu.vector_load_idx %arg5[%broadcast_in_dim3A_387] : memref<640xi32, #tpu.memory_space<vmem>>[vector<16xi32>], vector<16xi32>,
      %and3A_389 = arith.constant 7 : i32
      %and3A_390 = vector.broadcast %and3A_389 : i32 to vector<16xi32>
      %and3A_391 = arith.andi %gather3A_388, %and3A_390 : vector<16xi32>
      %mul3A_392 = arith.constant 16 : i32
      %mul3A_393 = vector.broadcast %mul3A_392 : i32 to vector<16xi32>
      %mul3A_394 = arith.muli %and3A_391, %mul3A_393 : vector<16xi32>
      %add3A_395 = arith.addi %mul3A_394, %iota3A : vector<16xi32>
      %add3A_396 = arith.constant 14 : i32
      %add3A_397 = arith.addi %mul3A_162, %add3A_396 : i32
      %broadcast_in_dim3A_398 = vector.broadcast %add3A_397 : i32 to vector<16xi32>
      %gather3A_399 = tpu.vector_load_idx %arg7[%broadcast_in_dim3A_398, %add3A_395] : memref<160x128xf32, #tpu.memory_space<vmem>>[vector<16xi32>, vector<16xi32>], vector<16xf32>,
      %add3A_400 = arith.addf %add3A_384, %gather3A_399 : vector<16xf32>
      %add3A_401 = arith.constant 15 : i32
      %add3A_402 = arith.addi %add3A_164, %add3A_401 : i32
      %broadcast_in_dim3A_403 = vector.broadcast %add3A_402 : i32 to vector<16xi32>
      %gather3A_404 = tpu.vector_load_idx %arg5[%broadcast_in_dim3A_403] : memref<640xi32, #tpu.memory_space<vmem>>[vector<16xi32>], vector<16xi32>,
      %and3A_405 = arith.constant 7 : i32
      %and3A_406 = vector.broadcast %and3A_405 : i32 to vector<16xi32>
      %and3A_407 = arith.andi %gather3A_404, %and3A_406 : vector<16xi32>
      %mul3A_408 = arith.constant 16 : i32
      %mul3A_409 = vector.broadcast %mul3A_408 : i32 to vector<16xi32>
      %mul3A_410 = arith.muli %and3A_407, %mul3A_409 : vector<16xi32>
      %add3A_411 = arith.addi %mul3A_410, %iota3A : vector<16xi32>
      %add3A_412 = arith.constant 15 : i32
      %add3A_413 = arith.addi %mul3A_162, %add3A_412 : i32
      %broadcast_in_dim3A_414 = vector.broadcast %add3A_413 : i32 to vector<16xi32>
      %gather3A_415 = tpu.vector_load_idx %arg7[%broadcast_in_dim3A_414, %add3A_411] : memref<160x128xf32, #tpu.memory_space<vmem>>[vector<16xi32>, vector<16xi32>], vector<16xf32>,
      %add3A_416 = arith.addf %add3A_400, %gather3A_415 : vector<16xf32>
      %add3A_417 = arith.constant 16 : i32
      %add3A_418 = arith.addi %add3A_164, %add3A_417 : i32
      %broadcast_in_dim3A_419 = vector.broadcast %add3A_418 : i32 to vector<16xi32>
      %gather3A_420 = tpu.vector_load_idx %arg5[%broadcast_in_dim3A_419] : memref<640xi32, #tpu.memory_space<vmem>>[vector<16xi32>], vector<16xi32>,
      %and3A_421 = arith.constant 7 : i32
      %and3A_422 = vector.broadcast %and3A_421 : i32 to vector<16xi32>
      %and3A_423 = arith.andi %gather3A_420, %and3A_422 : vector<16xi32>
      %mul3A_424 = arith.constant 16 : i32
      %mul3A_425 = vector.broadcast %mul3A_424 : i32 to vector<16xi32>
      %mul3A_426 = arith.muli %and3A_423, %mul3A_425 : vector<16xi32>
      %add3A_427 = arith.addi %mul3A_426, %iota3A : vector<16xi32>
      %add3A_428 = arith.constant 16 : i32
      %add3A_429 = arith.addi %mul3A_162, %add3A_428 : i32
      %broadcast_in_dim3A_430 = vector.broadcast %add3A_429 : i32 to vector<16xi32>
      %gather3A_431 = tpu.vector_load_idx %arg7[%broadcast_in_dim3A_430, %add3A_427] : memref<160x128xf32, #tpu.memory_space<vmem>>[vector<16xi32>, vector<16xi32>], vector<16xf32>,
      %add3A_432 = arith.addf %add3A_416, %gather3A_431 : vector<16xf32>
      %add3A_433 = arith.constant 17 : i32
      %add3A_434 = arith.addi %add3A_164, %add3A_433 : i32
      %broadcast_in_dim3A_435 = vector.broadcast %add3A_434 : i32 to vector<16xi32>
      %gather3A_436 = tpu.vector_load_idx %arg5[%broadcast_in_dim3A_435] : memref<640xi32, #tpu.memory_space<vmem>>[vector<16xi32>], vector<16xi32>,
      %and3A_437 = arith.constant 7 : i32
      %and3A_438 = vector.broadcast %and3A_437 : i32 to vector<16xi32>
      %and3A_439 = arith.andi %gather3A_436, %and3A_438 : vector<16xi32>
      %mul3A_440 = arith.constant 16 : i32
      %mul3A_441 = vector.broadcast %mul3A_440 : i32 to vector<16xi32>
      %mul3A_442 = arith.muli %and3A_439, %mul3A_441 : vector<16xi32>
      %add3A_443 = arith.addi %mul3A_442, %iota3A : vector<16xi32>
      %add3A_444 = arith.constant 17 : i32
      %add3A_445 = arith.addi %mul3A_162, %add3A_444 : i32
      %broadcast_in_dim3A_446 = vector.broadcast %add3A_445 : i32 to vector<16xi32>
      %gather3A_447 = tpu.vector_load_idx %arg7[%broadcast_in_dim3A_446, %add3A_443] : memref<160x128xf32, #tpu.memory_space<vmem>>[vector<16xi32>, vector<16xi32>], vector<16xf32>,
      %add3A_448 = arith.addf %add3A_432, %gather3A_447 : vector<16xf32>
      %add3A_449 = arith.constant 18 : i32
      %add3A_450 = arith.addi %add3A_164, %add3A_449 : i32
      %broadcast_in_dim3A_451 = vector.broadcast %add3A_450 : i32 to vector<16xi32>
      %gather3A_452 = tpu.vector_load_idx %arg5[%broadcast_in_dim3A_451] : memref<640xi32, #tpu.memory_space<vmem>>[vector<16xi32>], vector<16xi32>,
      %and3A_453 = arith.constant 7 : i32
      %and3A_454 = vector.broadcast %and3A_453 : i32 to vector<16xi32>
      %and3A_455 = arith.andi %gather3A_452, %and3A_454 : vector<16xi32>
      %mul3A_456 = arith.constant 16 : i32
      %mul3A_457 = vector.broadcast %mul3A_456 : i32 to vector<16xi32>
      %mul3A_458 = arith.muli %and3A_455, %mul3A_457 : vector<16xi32>
      %add3A_459 = arith.addi %mul3A_458, %iota3A : vector<16xi32>
      %add3A_460 = arith.constant 18 : i32
      %add3A_461 = arith.addi %mul3A_162, %add3A_460 : i32
      %broadcast_in_dim3A_462 = vector.broadcast %add3A_461 : i32 to vector<16xi32>
      %gather3A_463 = tpu.vector_load_idx %arg7[%broadcast_in_dim3A_462, %add3A_459] : memref<160x128xf32, #tpu.memory_space<vmem>>[vector<16xi32>, vector<16xi32>], vector<16xf32>,
      %add3A_464 = arith.addf %add3A_448, %gather3A_463 : vector<16xf32>
      %add3A_465 = arith.constant 19 : i32
      %add3A_466 = arith.addi %add3A_164, %add3A_465 : i32
      %broadcast_in_dim3A_467 = vector.broadcast %add3A_466 : i32 to vector<16xi32>
      %gather3A_468 = tpu.vector_load_idx %arg5[%broadcast_in_dim3A_467] : memref<640xi32, #tpu.memory_space<vmem>>[vector<16xi32>], vector<16xi32>,
      %and3A_469 = arith.constant 7 : i32
      %and3A_470 = vector.broadcast %and3A_469 : i32 to vector<16xi32>
      %and3A_471 = arith.andi %gather3A_468, %and3A_470 : vector<16xi32>
      %mul3A_472 = arith.constant 16 : i32
      %mul3A_473 = vector.broadcast %mul3A_472 : i32 to vector<16xi32>
      %mul3A_474 = arith.muli %and3A_471, %mul3A_473 : vector<16xi32>
      %add3A_475 = arith.addi %mul3A_474, %iota3A : vector<16xi32>
      %add3A_476 = arith.constant 19 : i32
      %add3A_477 = arith.addi %mul3A_162, %add3A_476 : i32
      %broadcast_in_dim3A_478 = vector.broadcast %add3A_477 : i32 to vector<16xi32>
      %gather3A_479 = tpu.vector_load_idx %arg7[%broadcast_in_dim3A_478, %add3A_475] : memref<160x128xf32, #tpu.memory_space<vmem>>[vector<16xi32>, vector<16xi32>], vector<16xf32>,
      %add3A_480 = arith.addf %add3A_464, %gather3A_479 : vector<16xf32>
      %mul3A_481 = arith.constant 5.000000e-02 : f32
      %mul3A_482 = vector.broadcast %mul3A_481 : f32 to vector<16xf32>
      %mul3A_483 = arith.mulf %add3A_480, %mul3A_482 : vector<16xf32>
      %add3A_484 = arith.constant 16 : i32
      %add3A_485 = arith.addi %add3A_484, %scan3A_160 : i32
      %swap3A = arith.index_cast %add3A_485 : i32 to index
      %swap3A_486 = arith.constant 0 : index
      %swap3A_487 = tpu.vector_load %arg9[%swap3A, %swap3A_486] {strides = array<i32>} : memref<32x16xf32, #tpu.memory_space<vmem>>, vector<16xf32>,
      tpu.vector_store %arg9[%swap3A, %swap3A_486], %mul3A_483 {strides = array<i32>} : memref<32x16xf32, #tpu.memory_space<vmem>>, vector<16xf32>,
    }
    %scan3A_135 = arith.constant 8 : i32
    %dma_wait3A_136 = arith.constant 0 : i32
    %dma_wait3A_137 = arith.constant 0 : i32
    %dma_wait3A_138 = tpu.memref_slice %arg8[%dma_wait3A_136, %dma_wait3A_137] : memref<160x128xf32, #tpu.memory_space<vmem>> -> memref<128x128xf32, #tpu.memory_space<vmem>>
    %dma_wait3A_139 = arith.constant 480 : i32
    %dma_wait3A_140 = tpu.memref_slice %arg6[%dma_wait3A_139] : memref<640xi32, #tpu.memory_space<vmem>> -> memref<128xi32, #tpu.memory_space<vmem>>
    %dma_wait3A_141 = arith.constant 0 : i32
    %dma_wait3A_142 = arith.constant 0 : i32
    %dma_wait3A_143 = tpu.memref_slice %arg3[%dma_wait3A_141, %dma_wait3A_142] : memref<12500x128xf32, #tpu.memory_space<hbm>> -> memref<12500x128xf32, #tpu.memory_space<hbm>>
    tpu.wait_indirect_dma semaphore(%arg11 : memref<!tpu.dma_semaphore, #tpu.memory_space<semaphore_mem>>) src(%dma_wait3A_143 : memref<12500x128xf32, #tpu.memory_space<hbm>>) dst(%dma_wait3A_138 : memref<128x128xf32, #tpu.memory_space<vmem>>)
    %dma_wait3A_144 = arith.constant 128 : i32
    %dma_wait3A_145 = arith.constant 0 : i32
    %dma_wait3A_146 = tpu.memref_slice %arg8[%dma_wait3A_144, %dma_wait3A_145] : memref<160x128xf32, #tpu.memory_space<vmem>> -> memref<32x128xf32, #tpu.memory_space<vmem>>
    %dma_wait3A_147 = arith.constant 608 : i32
    %dma_wait3A_148 = tpu.memref_slice %arg6[%dma_wait3A_147] : memref<640xi32, #tpu.memory_space<vmem>> -> memref<32xi32, #tpu.memory_space<vmem>>
    %dma_wait3A_149 = arith.constant 0 : i32
    %dma_wait3A_150 = arith.constant 0 : i32
    %dma_wait3A_151 = tpu.memref_slice %arg3[%dma_wait3A_149, %dma_wait3A_150] : memref<12500x128xf32, #tpu.memory_space<hbm>> -> memref<12500x128xf32, #tpu.memory_space<hbm>>
    tpu.wait_indirect_dma semaphore(%arg11 : memref<!tpu.dma_semaphore, #tpu.memory_space<semaphore_mem>>) src(%dma_wait3A_151 : memref<12500x128xf32, #tpu.memory_space<hbm>>) dst(%dma_wait3A_146 : memref<32x128xf32, #tpu.memory_space<vmem>>)
    %scan3A_152 = arith.constant 0 : i32
    %scan3A_153 = arith.constant 0 : i32
    %scan3A_154 = arith.constant 8 : i32
    %scan3A_155 = arith.addi %scan3A_153, %scan3A_154 : i32
    %scan3A_156 = arith.constant 1 : i32
    scf.for %scan3A_160 = %scan3A_153 to %scan3A_155 step %scan3A_156  : i32 {
      %mul3A_161 = arith.constant 20 : i32
      %mul3A_162 = arith.muli %scan3A_160, %mul3A_161 : i32
      %add3A_163 = arith.constant 480 : i32
      %add3A_164 = arith.addi %add3A_163, %mul3A_162 : i32
      %add3A_165 = arith.constant 0 : i32
      %add3A_166 = arith.addi %add3A_164, %add3A_165 : i32
      %broadcast_in_dim3A = vector.broadcast %add3A_166 : i32 to vector<16xi32>
      %gather3A = tpu.vector_load_idx %arg5[%broadcast_in_dim3A] : memref<640xi32, #tpu.memory_space<vmem>>[vector<16xi32>], vector<16xi32>,
      %and3A = arith.constant 7 : i32
      %and3A_167 = vector.broadcast %and3A : i32 to vector<16xi32>
      %and3A_168 = arith.andi %gather3A, %and3A_167 : vector<16xi32>
      %mul3A_169 = arith.constant 16 : i32
      %mul3A_170 = vector.broadcast %mul3A_169 : i32 to vector<16xi32>
      %mul3A_171 = arith.muli %and3A_168, %mul3A_170 : vector<16xi32>
      %add3A_172 = arith.addi %mul3A_171, %iota3A : vector<16xi32>
      %add3A_173 = arith.constant 0 : i32
      %add3A_174 = arith.addi %mul3A_162, %add3A_173 : i32
      %broadcast_in_dim3A_175 = vector.broadcast %add3A_174 : i32 to vector<16xi32>
      %gather3A_176 = tpu.vector_load_idx %arg8[%broadcast_in_dim3A_175, %add3A_172] : memref<160x128xf32, #tpu.memory_space<vmem>>[vector<16xi32>, vector<16xi32>], vector<16xf32>,
      %add3A_177 = arith.constant 1 : i32
      %add3A_178 = arith.addi %add3A_164, %add3A_177 : i32
      %broadcast_in_dim3A_179 = vector.broadcast %add3A_178 : i32 to vector<16xi32>
      %gather3A_180 = tpu.vector_load_idx %arg5[%broadcast_in_dim3A_179] : memref<640xi32, #tpu.memory_space<vmem>>[vector<16xi32>], vector<16xi32>,
      %and3A_181 = arith.constant 7 : i32
      %and3A_182 = vector.broadcast %and3A_181 : i32 to vector<16xi32>
      %and3A_183 = arith.andi %gather3A_180, %and3A_182 : vector<16xi32>
      %mul3A_184 = arith.constant 16 : i32
      %mul3A_185 = vector.broadcast %mul3A_184 : i32 to vector<16xi32>
      %mul3A_186 = arith.muli %and3A_183, %mul3A_185 : vector<16xi32>
      %add3A_187 = arith.addi %mul3A_186, %iota3A : vector<16xi32>
      %add3A_188 = arith.constant 1 : i32
      %add3A_189 = arith.addi %mul3A_162, %add3A_188 : i32
      %broadcast_in_dim3A_190 = vector.broadcast %add3A_189 : i32 to vector<16xi32>
      %gather3A_191 = tpu.vector_load_idx %arg8[%broadcast_in_dim3A_190, %add3A_187] : memref<160x128xf32, #tpu.memory_space<vmem>>[vector<16xi32>, vector<16xi32>], vector<16xf32>,
      %add3A_192 = arith.addf %gather3A_176, %gather3A_191 : vector<16xf32>
      %add3A_193 = arith.constant 2 : i32
      %add3A_194 = arith.addi %add3A_164, %add3A_193 : i32
      %broadcast_in_dim3A_195 = vector.broadcast %add3A_194 : i32 to vector<16xi32>
      %gather3A_196 = tpu.vector_load_idx %arg5[%broadcast_in_dim3A_195] : memref<640xi32, #tpu.memory_space<vmem>>[vector<16xi32>], vector<16xi32>,
      %and3A_197 = arith.constant 7 : i32
      %and3A_198 = vector.broadcast %and3A_197 : i32 to vector<16xi32>
      %and3A_199 = arith.andi %gather3A_196, %and3A_198 : vector<16xi32>
      %mul3A_200 = arith.constant 16 : i32
      %mul3A_201 = vector.broadcast %mul3A_200 : i32 to vector<16xi32>
      %mul3A_202 = arith.muli %and3A_199, %mul3A_201 : vector<16xi32>
      %add3A_203 = arith.addi %mul3A_202, %iota3A : vector<16xi32>
      %add3A_204 = arith.constant 2 : i32
      %add3A_205 = arith.addi %mul3A_162, %add3A_204 : i32
      %broadcast_in_dim3A_206 = vector.broadcast %add3A_205 : i32 to vector<16xi32>
      %gather3A_207 = tpu.vector_load_idx %arg8[%broadcast_in_dim3A_206, %add3A_203] : memref<160x128xf32, #tpu.memory_space<vmem>>[vector<16xi32>, vector<16xi32>], vector<16xf32>,
      %add3A_208 = arith.addf %add3A_192, %gather3A_207 : vector<16xf32>
      %add3A_209 = arith.constant 3 : i32
      %add3A_210 = arith.addi %add3A_164, %add3A_209 : i32
      %broadcast_in_dim3A_211 = vector.broadcast %add3A_210 : i32 to vector<16xi32>
      %gather3A_212 = tpu.vector_load_idx %arg5[%broadcast_in_dim3A_211] : memref<640xi32, #tpu.memory_space<vmem>>[vector<16xi32>], vector<16xi32>,
      %and3A_213 = arith.constant 7 : i32
      %and3A_214 = vector.broadcast %and3A_213 : i32 to vector<16xi32>
      %and3A_215 = arith.andi %gather3A_212, %and3A_214 : vector<16xi32>
      %mul3A_216 = arith.constant 16 : i32
      %mul3A_217 = vector.broadcast %mul3A_216 : i32 to vector<16xi32>
      %mul3A_218 = arith.muli %and3A_215, %mul3A_217 : vector<16xi32>
      %add3A_219 = arith.addi %mul3A_218, %iota3A : vector<16xi32>
      %add3A_220 = arith.constant 3 : i32
      %add3A_221 = arith.addi %mul3A_162, %add3A_220 : i32
      %broadcast_in_dim3A_222 = vector.broadcast %add3A_221 : i32 to vector<16xi32>
      %gather3A_223 = tpu.vector_load_idx %arg8[%broadcast_in_dim3A_222, %add3A_219] : memref<160x128xf32, #tpu.memory_space<vmem>>[vector<16xi32>, vector<16xi32>], vector<16xf32>,
      %add3A_224 = arith.addf %add3A_208, %gather3A_223 : vector<16xf32>
      %add3A_225 = arith.constant 4 : i32
      %add3A_226 = arith.addi %add3A_164, %add3A_225 : i32
      %broadcast_in_dim3A_227 = vector.broadcast %add3A_226 : i32 to vector<16xi32>
      %gather3A_228 = tpu.vector_load_idx %arg5[%broadcast_in_dim3A_227] : memref<640xi32, #tpu.memory_space<vmem>>[vector<16xi32>], vector<16xi32>,
      %and3A_229 = arith.constant 7 : i32
      %and3A_230 = vector.broadcast %and3A_229 : i32 to vector<16xi32>
      %and3A_231 = arith.andi %gather3A_228, %and3A_230 : vector<16xi32>
      %mul3A_232 = arith.constant 16 : i32
      %mul3A_233 = vector.broadcast %mul3A_232 : i32 to vector<16xi32>
      %mul3A_234 = arith.muli %and3A_231, %mul3A_233 : vector<16xi32>
      %add3A_235 = arith.addi %mul3A_234, %iota3A : vector<16xi32>
      %add3A_236 = arith.constant 4 : i32
      %add3A_237 = arith.addi %mul3A_162, %add3A_236 : i32
      %broadcast_in_dim3A_238 = vector.broadcast %add3A_237 : i32 to vector<16xi32>
      %gather3A_239 = tpu.vector_load_idx %arg8[%broadcast_in_dim3A_238, %add3A_235] : memref<160x128xf32, #tpu.memory_space<vmem>>[vector<16xi32>, vector<16xi32>], vector<16xf32>,
      %add3A_240 = arith.addf %add3A_224, %gather3A_239 : vector<16xf32>
      %add3A_241 = arith.constant 5 : i32
      %add3A_242 = arith.addi %add3A_164, %add3A_241 : i32
      %broadcast_in_dim3A_243 = vector.broadcast %add3A_242 : i32 to vector<16xi32>
      %gather3A_244 = tpu.vector_load_idx %arg5[%broadcast_in_dim3A_243] : memref<640xi32, #tpu.memory_space<vmem>>[vector<16xi32>], vector<16xi32>,
      %and3A_245 = arith.constant 7 : i32
      %and3A_246 = vector.broadcast %and3A_245 : i32 to vector<16xi32>
      %and3A_247 = arith.andi %gather3A_244, %and3A_246 : vector<16xi32>
      %mul3A_248 = arith.constant 16 : i32
      %mul3A_249 = vector.broadcast %mul3A_248 : i32 to vector<16xi32>
      %mul3A_250 = arith.muli %and3A_247, %mul3A_249 : vector<16xi32>
      %add3A_251 = arith.addi %mul3A_250, %iota3A : vector<16xi32>
      %add3A_252 = arith.constant 5 : i32
      %add3A_253 = arith.addi %mul3A_162, %add3A_252 : i32
      %broadcast_in_dim3A_254 = vector.broadcast %add3A_253 : i32 to vector<16xi32>
      %gather3A_255 = tpu.vector_load_idx %arg8[%broadcast_in_dim3A_254, %add3A_251] : memref<160x128xf32, #tpu.memory_space<vmem>>[vector<16xi32>, vector<16xi32>], vector<16xf32>,
      %add3A_256 = arith.addf %add3A_240, %gather3A_255 : vector<16xf32>
      %add3A_257 = arith.constant 6 : i32
      %add3A_258 = arith.addi %add3A_164, %add3A_257 : i32
      %broadcast_in_dim3A_259 = vector.broadcast %add3A_258 : i32 to vector<16xi32>
      %gather3A_260 = tpu.vector_load_idx %arg5[%broadcast_in_dim3A_259] : memref<640xi32, #tpu.memory_space<vmem>>[vector<16xi32>], vector<16xi32>,
      %and3A_261 = arith.constant 7 : i32
      %and3A_262 = vector.broadcast %and3A_261 : i32 to vector<16xi32>
      %and3A_263 = arith.andi %gather3A_260, %and3A_262 : vector<16xi32>
      %mul3A_264 = arith.constant 16 : i32
      %mul3A_265 = vector.broadcast %mul3A_264 : i32 to vector<16xi32>
      %mul3A_266 = arith.muli %and3A_263, %mul3A_265 : vector<16xi32>
      %add3A_267 = arith.addi %mul3A_266, %iota3A : vector<16xi32>
      %add3A_268 = arith.constant 6 : i32
      %add3A_269 = arith.addi %mul3A_162, %add3A_268 : i32
      %broadcast_in_dim3A_270 = vector.broadcast %add3A_269 : i32 to vector<16xi32>
      %gather3A_271 = tpu.vector_load_idx %arg8[%broadcast_in_dim3A_270, %add3A_267] : memref<160x128xf32, #tpu.memory_space<vmem>>[vector<16xi32>, vector<16xi32>], vector<16xf32>,
      %add3A_272 = arith.addf %add3A_256, %gather3A_271 : vector<16xf32>
      %add3A_273 = arith.constant 7 : i32
      %add3A_274 = arith.addi %add3A_164, %add3A_273 : i32
      %broadcast_in_dim3A_275 = vector.broadcast %add3A_274 : i32 to vector<16xi32>
      %gather3A_276 = tpu.vector_load_idx %arg5[%broadcast_in_dim3A_275] : memref<640xi32, #tpu.memory_space<vmem>>[vector<16xi32>], vector<16xi32>,
      %and3A_277 = arith.constant 7 : i32
      %and3A_278 = vector.broadcast %and3A_277 : i32 to vector<16xi32>
      %and3A_279 = arith.andi %gather3A_276, %and3A_278 : vector<16xi32>
      %mul3A_280 = arith.constant 16 : i32
      %mul3A_281 = vector.broadcast %mul3A_280 : i32 to vector<16xi32>
      %mul3A_282 = arith.muli %and3A_279, %mul3A_281 : vector<16xi32>
      %add3A_283 = arith.addi %mul3A_282, %iota3A : vector<16xi32>
      %add3A_284 = arith.constant 7 : i32
      %add3A_285 = arith.addi %mul3A_162, %add3A_284 : i32
      %broadcast_in_dim3A_286 = vector.broadcast %add3A_285 : i32 to vector<16xi32>
      %gather3A_287 = tpu.vector_load_idx %arg8[%broadcast_in_dim3A_286, %add3A_283] : memref<160x128xf32, #tpu.memory_space<vmem>>[vector<16xi32>, vector<16xi32>], vector<16xf32>,
      %add3A_288 = arith.addf %add3A_272, %gather3A_287 : vector<16xf32>
      %add3A_289 = arith.constant 8 : i32
      %add3A_290 = arith.addi %add3A_164, %add3A_289 : i32
      %broadcast_in_dim3A_291 = vector.broadcast %add3A_290 : i32 to vector<16xi32>
      %gather3A_292 = tpu.vector_load_idx %arg5[%broadcast_in_dim3A_291] : memref<640xi32, #tpu.memory_space<vmem>>[vector<16xi32>], vector<16xi32>,
      %and3A_293 = arith.constant 7 : i32
      %and3A_294 = vector.broadcast %and3A_293 : i32 to vector<16xi32>
      %and3A_295 = arith.andi %gather3A_292, %and3A_294 : vector<16xi32>
      %mul3A_296 = arith.constant 16 : i32
      %mul3A_297 = vector.broadcast %mul3A_296 : i32 to vector<16xi32>
      %mul3A_298 = arith.muli %and3A_295, %mul3A_297 : vector<16xi32>
      %add3A_299 = arith.addi %mul3A_298, %iota3A : vector<16xi32>
      %add3A_300 = arith.constant 8 : i32
      %add3A_301 = arith.addi %mul3A_162, %add3A_300 : i32
      %broadcast_in_dim3A_302 = vector.broadcast %add3A_301 : i32 to vector<16xi32>
      %gather3A_303 = tpu.vector_load_idx %arg8[%broadcast_in_dim3A_302, %add3A_299] : memref<160x128xf32, #tpu.memory_space<vmem>>[vector<16xi32>, vector<16xi32>], vector<16xf32>,
      %add3A_304 = arith.addf %add3A_288, %gather3A_303 : vector<16xf32>
      %add3A_305 = arith.constant 9 : i32
      %add3A_306 = arith.addi %add3A_164, %add3A_305 : i32
      %broadcast_in_dim3A_307 = vector.broadcast %add3A_306 : i32 to vector<16xi32>
      %gather3A_308 = tpu.vector_load_idx %arg5[%broadcast_in_dim3A_307] : memref<640xi32, #tpu.memory_space<vmem>>[vector<16xi32>], vector<16xi32>,
      %and3A_309 = arith.constant 7 : i32
      %and3A_310 = vector.broadcast %and3A_309 : i32 to vector<16xi32>
      %and3A_311 = arith.andi %gather3A_308, %and3A_310 : vector<16xi32>
      %mul3A_312 = arith.constant 16 : i32
      %mul3A_313 = vector.broadcast %mul3A_312 : i32 to vector<16xi32>
      %mul3A_314 = arith.muli %and3A_311, %mul3A_313 : vector<16xi32>
      %add3A_315 = arith.addi %mul3A_314, %iota3A : vector<16xi32>
      %add3A_316 = arith.constant 9 : i32
      %add3A_317 = arith.addi %mul3A_162, %add3A_316 : i32
      %broadcast_in_dim3A_318 = vector.broadcast %add3A_317 : i32 to vector<16xi32>
      %gather3A_319 = tpu.vector_load_idx %arg8[%broadcast_in_dim3A_318, %add3A_315] : memref<160x128xf32, #tpu.memory_space<vmem>>[vector<16xi32>, vector<16xi32>], vector<16xf32>,
      %add3A_320 = arith.addf %add3A_304, %gather3A_319 : vector<16xf32>
      %add3A_321 = arith.constant 10 : i32
      %add3A_322 = arith.addi %add3A_164, %add3A_321 : i32
      %broadcast_in_dim3A_323 = vector.broadcast %add3A_322 : i32 to vector<16xi32>
      %gather3A_324 = tpu.vector_load_idx %arg5[%broadcast_in_dim3A_323] : memref<640xi32, #tpu.memory_space<vmem>>[vector<16xi32>], vector<16xi32>,
      %and3A_325 = arith.constant 7 : i32
      %and3A_326 = vector.broadcast %and3A_325 : i32 to vector<16xi32>
      %and3A_327 = arith.andi %gather3A_324, %and3A_326 : vector<16xi32>
      %mul3A_328 = arith.constant 16 : i32
      %mul3A_329 = vector.broadcast %mul3A_328 : i32 to vector<16xi32>
      %mul3A_330 = arith.muli %and3A_327, %mul3A_329 : vector<16xi32>
      %add3A_331 = arith.addi %mul3A_330, %iota3A : vector<16xi32>
      %add3A_332 = arith.constant 10 : i32
      %add3A_333 = arith.addi %mul3A_162, %add3A_332 : i32
      %broadcast_in_dim3A_334 = vector.broadcast %add3A_333 : i32 to vector<16xi32>
      %gather3A_335 = tpu.vector_load_idx %arg8[%broadcast_in_dim3A_334, %add3A_331] : memref<160x128xf32, #tpu.memory_space<vmem>>[vector<16xi32>, vector<16xi32>], vector<16xf32>,
      %add3A_336 = arith.addf %add3A_320, %gather3A_335 : vector<16xf32>
      %add3A_337 = arith.constant 11 : i32
      %add3A_338 = arith.addi %add3A_164, %add3A_337 : i32
      %broadcast_in_dim3A_339 = vector.broadcast %add3A_338 : i32 to vector<16xi32>
      %gather3A_340 = tpu.vector_load_idx %arg5[%broadcast_in_dim3A_339] : memref<640xi32, #tpu.memory_space<vmem>>[vector<16xi32>], vector<16xi32>,
      %and3A_341 = arith.constant 7 : i32
      %and3A_342 = vector.broadcast %and3A_341 : i32 to vector<16xi32>
      %and3A_343 = arith.andi %gather3A_340, %and3A_342 : vector<16xi32>
      %mul3A_344 = arith.constant 16 : i32
      %mul3A_345 = vector.broadcast %mul3A_344 : i32 to vector<16xi32>
      %mul3A_346 = arith.muli %and3A_343, %mul3A_345 : vector<16xi32>
      %add3A_347 = arith.addi %mul3A_346, %iota3A : vector<16xi32>
      %add3A_348 = arith.constant 11 : i32
      %add3A_349 = arith.addi %mul3A_162, %add3A_348 : i32
      %broadcast_in_dim3A_350 = vector.broadcast %add3A_349 : i32 to vector<16xi32>
      %gather3A_351 = tpu.vector_load_idx %arg8[%broadcast_in_dim3A_350, %add3A_347] : memref<160x128xf32, #tpu.memory_space<vmem>>[vector<16xi32>, vector<16xi32>], vector<16xf32>,
      %add3A_352 = arith.addf %add3A_336, %gather3A_351 : vector<16xf32>
      %add3A_353 = arith.constant 12 : i32
      %add3A_354 = arith.addi %add3A_164, %add3A_353 : i32
      %broadcast_in_dim3A_355 = vector.broadcast %add3A_354 : i32 to vector<16xi32>
      %gather3A_356 = tpu.vector_load_idx %arg5[%broadcast_in_dim3A_355] : memref<640xi32, #tpu.memory_space<vmem>>[vector<16xi32>], vector<16xi32>,
      %and3A_357 = arith.constant 7 : i32
      %and3A_358 = vector.broadcast %and3A_357 : i32 to vector<16xi32>
      %and3A_359 = arith.andi %gather3A_356, %and3A_358 : vector<16xi32>
      %mul3A_360 = arith.constant 16 : i32
      %mul3A_361 = vector.broadcast %mul3A_360 : i32 to vector<16xi32>
      %mul3A_362 = arith.muli %and3A_359, %mul3A_361 : vector<16xi32>
      %add3A_363 = arith.addi %mul3A_362, %iota3A : vector<16xi32>
      %add3A_364 = arith.constant 12 : i32
      %add3A_365 = arith.addi %mul3A_162, %add3A_364 : i32
      %broadcast_in_dim3A_366 = vector.broadcast %add3A_365 : i32 to vector<16xi32>
      %gather3A_367 = tpu.vector_load_idx %arg8[%broadcast_in_dim3A_366, %add3A_363] : memref<160x128xf32, #tpu.memory_space<vmem>>[vector<16xi32>, vector<16xi32>], vector<16xf32>,
      %add3A_368 = arith.addf %add3A_352, %gather3A_367 : vector<16xf32>
      %add3A_369 = arith.constant 13 : i32
      %add3A_370 = arith.addi %add3A_164, %add3A_369 : i32
      %broadcast_in_dim3A_371 = vector.broadcast %add3A_370 : i32 to vector<16xi32>
      %gather3A_372 = tpu.vector_load_idx %arg5[%broadcast_in_dim3A_371] : memref<640xi32, #tpu.memory_space<vmem>>[vector<16xi32>], vector<16xi32>,
      %and3A_373 = arith.constant 7 : i32
      %and3A_374 = vector.broadcast %and3A_373 : i32 to vector<16xi32>
      %and3A_375 = arith.andi %gather3A_372, %and3A_374 : vector<16xi32>
      %mul3A_376 = arith.constant 16 : i32
      %mul3A_377 = vector.broadcast %mul3A_376 : i32 to vector<16xi32>
      %mul3A_378 = arith.muli %and3A_375, %mul3A_377 : vector<16xi32>
      %add3A_379 = arith.addi %mul3A_378, %iota3A : vector<16xi32>
      %add3A_380 = arith.constant 13 : i32
      %add3A_381 = arith.addi %mul3A_162, %add3A_380 : i32
      %broadcast_in_dim3A_382 = vector.broadcast %add3A_381 : i32 to vector<16xi32>
      %gather3A_383 = tpu.vector_load_idx %arg8[%broadcast_in_dim3A_382, %add3A_379] : memref<160x128xf32, #tpu.memory_space<vmem>>[vector<16xi32>, vector<16xi32>], vector<16xf32>,
      %add3A_384 = arith.addf %add3A_368, %gather3A_383 : vector<16xf32>
      %add3A_385 = arith.constant 14 : i32
      %add3A_386 = arith.addi %add3A_164, %add3A_385 : i32
      %broadcast_in_dim3A_387 = vector.broadcast %add3A_386 : i32 to vector<16xi32>
      %gather3A_388 = tpu.vector_load_idx %arg5[%broadcast_in_dim3A_387] : memref<640xi32, #tpu.memory_space<vmem>>[vector<16xi32>], vector<16xi32>,
      %and3A_389 = arith.constant 7 : i32
      %and3A_390 = vector.broadcast %and3A_389 : i32 to vector<16xi32>
      %and3A_391 = arith.andi %gather3A_388, %and3A_390 : vector<16xi32>
      %mul3A_392 = arith.constant 16 : i32
      %mul3A_393 = vector.broadcast %mul3A_392 : i32 to vector<16xi32>
      %mul3A_394 = arith.muli %and3A_391, %mul3A_393 : vector<16xi32>
      %add3A_395 = arith.addi %mul3A_394, %iota3A : vector<16xi32>
      %add3A_396 = arith.constant 14 : i32
      %add3A_397 = arith.addi %mul3A_162, %add3A_396 : i32
      %broadcast_in_dim3A_398 = vector.broadcast %add3A_397 : i32 to vector<16xi32>
      %gather3A_399 = tpu.vector_load_idx %arg8[%broadcast_in_dim3A_398, %add3A_395] : memref<160x128xf32, #tpu.memory_space<vmem>>[vector<16xi32>, vector<16xi32>], vector<16xf32>,
      %add3A_400 = arith.addf %add3A_384, %gather3A_399 : vector<16xf32>
      %add3A_401 = arith.constant 15 : i32
      %add3A_402 = arith.addi %add3A_164, %add3A_401 : i32
      %broadcast_in_dim3A_403 = vector.broadcast %add3A_402 : i32 to vector<16xi32>
      %gather3A_404 = tpu.vector_load_idx %arg5[%broadcast_in_dim3A_403] : memref<640xi32, #tpu.memory_space<vmem>>[vector<16xi32>], vector<16xi32>,
      %and3A_405 = arith.constant 7 : i32
      %and3A_406 = vector.broadcast %and3A_405 : i32 to vector<16xi32>
      %and3A_407 = arith.andi %gather3A_404, %and3A_406 : vector<16xi32>
      %mul3A_408 = arith.constant 16 : i32
      %mul3A_409 = vector.broadcast %mul3A_408 : i32 to vector<16xi32>
      %mul3A_410 = arith.muli %and3A_407, %mul3A_409 : vector<16xi32>
      %add3A_411 = arith.addi %mul3A_410, %iota3A : vector<16xi32>
      %add3A_412 = arith.constant 15 : i32
      %add3A_413 = arith.addi %mul3A_162, %add3A_412 : i32
      %broadcast_in_dim3A_414 = vector.broadcast %add3A_413 : i32 to vector<16xi32>
      %gather3A_415 = tpu.vector_load_idx %arg8[%broadcast_in_dim3A_414, %add3A_411] : memref<160x128xf32, #tpu.memory_space<vmem>>[vector<16xi32>, vector<16xi32>], vector<16xf32>,
      %add3A_416 = arith.addf %add3A_400, %gather3A_415 : vector<16xf32>
      %add3A_417 = arith.constant 16 : i32
      %add3A_418 = arith.addi %add3A_164, %add3A_417 : i32
      %broadcast_in_dim3A_419 = vector.broadcast %add3A_418 : i32 to vector<16xi32>
      %gather3A_420 = tpu.vector_load_idx %arg5[%broadcast_in_dim3A_419] : memref<640xi32, #tpu.memory_space<vmem>>[vector<16xi32>], vector<16xi32>,
      %and3A_421 = arith.constant 7 : i32
      %and3A_422 = vector.broadcast %and3A_421 : i32 to vector<16xi32>
      %and3A_423 = arith.andi %gather3A_420, %and3A_422 : vector<16xi32>
      %mul3A_424 = arith.constant 16 : i32
      %mul3A_425 = vector.broadcast %mul3A_424 : i32 to vector<16xi32>
      %mul3A_426 = arith.muli %and3A_423, %mul3A_425 : vector<16xi32>
      %add3A_427 = arith.addi %mul3A_426, %iota3A : vector<16xi32>
      %add3A_428 = arith.constant 16 : i32
      %add3A_429 = arith.addi %mul3A_162, %add3A_428 : i32
      %broadcast_in_dim3A_430 = vector.broadcast %add3A_429 : i32 to vector<16xi32>
      %gather3A_431 = tpu.vector_load_idx %arg8[%broadcast_in_dim3A_430, %add3A_427] : memref<160x128xf32, #tpu.memory_space<vmem>>[vector<16xi32>, vector<16xi32>], vector<16xf32>,
      %add3A_432 = arith.addf %add3A_416, %gather3A_431 : vector<16xf32>
      %add3A_433 = arith.constant 17 : i32
      %add3A_434 = arith.addi %add3A_164, %add3A_433 : i32
      %broadcast_in_dim3A_435 = vector.broadcast %add3A_434 : i32 to vector<16xi32>
      %gather3A_436 = tpu.vector_load_idx %arg5[%broadcast_in_dim3A_435] : memref<640xi32, #tpu.memory_space<vmem>>[vector<16xi32>], vector<16xi32>,
      %and3A_437 = arith.constant 7 : i32
      %and3A_438 = vector.broadcast %and3A_437 : i32 to vector<16xi32>
      %and3A_439 = arith.andi %gather3A_436, %and3A_438 : vector<16xi32>
      %mul3A_440 = arith.constant 16 : i32
      %mul3A_441 = vector.broadcast %mul3A_440 : i32 to vector<16xi32>
      %mul3A_442 = arith.muli %and3A_439, %mul3A_441 : vector<16xi32>
      %add3A_443 = arith.addi %mul3A_442, %iota3A : vector<16xi32>
      %add3A_444 = arith.constant 17 : i32
      %add3A_445 = arith.addi %mul3A_162, %add3A_444 : i32
      %broadcast_in_dim3A_446 = vector.broadcast %add3A_445 : i32 to vector<16xi32>
      %gather3A_447 = tpu.vector_load_idx %arg8[%broadcast_in_dim3A_446, %add3A_443] : memref<160x128xf32, #tpu.memory_space<vmem>>[vector<16xi32>, vector<16xi32>], vector<16xf32>,
      %add3A_448 = arith.addf %add3A_432, %gather3A_447 : vector<16xf32>
      %add3A_449 = arith.constant 18 : i32
      %add3A_450 = arith.addi %add3A_164, %add3A_449 : i32
      %broadcast_in_dim3A_451 = vector.broadcast %add3A_450 : i32 to vector<16xi32>
      %gather3A_452 = tpu.vector_load_idx %arg5[%broadcast_in_dim3A_451] : memref<640xi32, #tpu.memory_space<vmem>>[vector<16xi32>], vector<16xi32>,
      %and3A_453 = arith.constant 7 : i32
      %and3A_454 = vector.broadcast %and3A_453 : i32 to vector<16xi32>
      %and3A_455 = arith.andi %gather3A_452, %and3A_454 : vector<16xi32>
      %mul3A_456 = arith.constant 16 : i32
      %mul3A_457 = vector.broadcast %mul3A_456 : i32 to vector<16xi32>
      %mul3A_458 = arith.muli %and3A_455, %mul3A_457 : vector<16xi32>
      %add3A_459 = arith.addi %mul3A_458, %iota3A : vector<16xi32>
      %add3A_460 = arith.constant 18 : i32
      %add3A_461 = arith.addi %mul3A_162, %add3A_460 : i32
      %broadcast_in_dim3A_462 = vector.broadcast %add3A_461 : i32 to vector<16xi32>
      %gather3A_463 = tpu.vector_load_idx %arg8[%broadcast_in_dim3A_462, %add3A_459] : memref<160x128xf32, #tpu.memory_space<vmem>>[vector<16xi32>, vector<16xi32>], vector<16xf32>,
      %add3A_464 = arith.addf %add3A_448, %gather3A_463 : vector<16xf32>
      %add3A_465 = arith.constant 19 : i32
      %add3A_466 = arith.addi %add3A_164, %add3A_465 : i32
      %broadcast_in_dim3A_467 = vector.broadcast %add3A_466 : i32 to vector<16xi32>
      %gather3A_468 = tpu.vector_load_idx %arg5[%broadcast_in_dim3A_467] : memref<640xi32, #tpu.memory_space<vmem>>[vector<16xi32>], vector<16xi32>,
      %and3A_469 = arith.constant 7 : i32
      %and3A_470 = vector.broadcast %and3A_469 : i32 to vector<16xi32>
      %and3A_471 = arith.andi %gather3A_468, %and3A_470 : vector<16xi32>
      %mul3A_472 = arith.constant 16 : i32
      %mul3A_473 = vector.broadcast %mul3A_472 : i32 to vector<16xi32>
      %mul3A_474 = arith.muli %and3A_471, %mul3A_473 : vector<16xi32>
      %add3A_475 = arith.addi %mul3A_474, %iota3A : vector<16xi32>
      %add3A_476 = arith.constant 19 : i32
      %add3A_477 = arith.addi %mul3A_162, %add3A_476 : i32
      %broadcast_in_dim3A_478 = vector.broadcast %add3A_477 : i32 to vector<16xi32>
      %gather3A_479 = tpu.vector_load_idx %arg8[%broadcast_in_dim3A_478, %add3A_475] : memref<160x128xf32, #tpu.memory_space<vmem>>[vector<16xi32>, vector<16xi32>], vector<16xf32>,
      %add3A_480 = arith.addf %add3A_464, %gather3A_479 : vector<16xf32>
      %mul3A_481 = arith.constant 5.000000e-02 : f32
      %mul3A_482 = vector.broadcast %mul3A_481 : f32 to vector<16xf32>
      %mul3A_483 = arith.mulf %add3A_480, %mul3A_482 : vector<16xf32>
      %add3A_484 = arith.constant 24 : i32
      %add3A_485 = arith.addi %add3A_484, %scan3A_160 : i32
      %swap3A = arith.index_cast %add3A_485 : i32 to index
      %swap3A_486 = arith.constant 0 : index
      %swap3A_487 = tpu.vector_load %arg9[%swap3A, %swap3A_486] {strides = array<i32>} : memref<32x16xf32, #tpu.memory_space<vmem>>, vector<16xf32>,
      tpu.vector_store %arg9[%swap3A, %swap3A_486], %mul3A_483 {strides = array<i32>} : memref<32x16xf32, #tpu.memory_space<vmem>>, vector<16xf32>,
    }
    %scan3A_157 = arith.constant 8 : i32
    %mul3A_158 = arith.constant 32 : i32
    %mul3A_159 = arith.muli %add3A, %mul3A_158 : i32
    "tpu.region"() ({
      %run_scoped3A = tpu.sem_alloc : memref<!tpu.dma_semaphore, #tpu.memory_space<semaphore_mem>>
      %dma_start3A_160 = arith.constant 0 : i32
      %dma_start3A_161 = tpu.memref_slice %arg4[%mul3A_159, %dma_start3A_160] : memref<1024x16xf32, #tpu.memory_space<hbm>> -> memref<32x16xf32, #tpu.memory_space<hbm>>
      %dma_start3A_162 = arith.constant 0 : i32
      %dma_start3A_163 = tpu.memref_slice %arg4[%mul3A_159, %dma_start3A_162] : memref<1024x16xf32, #tpu.memory_space<hbm>> -> memref<32x16xf32, #tpu.memory_space<hbm>>
      tpu.enqueue_dma source(%arg9 : memref<32x16xf32, #tpu.memory_space<vmem>>) target(%dma_start3A_163 : memref<32x16xf32, #tpu.memory_space<hbm>>) target_semaphore(%run_scoped3A : memref<!tpu.dma_semaphore, #tpu.memory_space<semaphore_mem>>)
      %dma_wait3A_164 = arith.constant 0 : i32
      %dma_wait3A_165 = tpu.memref_slice %arg4[%mul3A_159, %dma_wait3A_164] : memref<1024x16xf32, #tpu.memory_space<hbm>> -> memref<32x16xf32, #tpu.memory_space<hbm>>
      %dma_wait3A_166 = arith.constant 0 : i32
      %dma_wait3A_167 = tpu.memref_slice %arg4[%mul3A_159, %dma_wait3A_166] : memref<1024x16xf32, #tpu.memory_space<hbm>> -> memref<32x16xf32, #tpu.memory_space<hbm>>
      tpu.wait_dma2 semaphore(%run_scoped3A : memref<!tpu.dma_semaphore, #tpu.memory_space<semaphore_mem>>) src(%arg9 : memref<32x16xf32, #tpu.memory_space<vmem>>) dst(%dma_wait3A_167 : memref<32x16xf32, #tpu.memory_space<hbm>>)
      tpu.yield
    }) : () -> ()
    return
  }
}

module attributes {stable_mosaic.version = 14 : i64} {
  func.func @body(%arg0: i32, %arg1: memref<17x4096xf32, #tpu.memory_space<vmem>>, %arg2: memref<1024x17xf32, #tpu.memory_space<vmem>>, %arg3: memref<1x1024xf32, #tpu.memory_space<vmem>>, %arg4: memref<1x1024xf32, #tpu.memory_space<vmem>>) attributes {dimension_semantics = [#tpu.dimension_semantics<arbitrary>], iteration_bounds = array<i64: 25>, scalar_prefetch = 0 : i64, scratch_operands = 1 : i64, tpu.core_type = #tpu.core_type<tc>, window_params = [{transform_indices = @transform_0, window_bounds = array<i64: 17, 4096>}, {pipeline_mode = #tpu.pipeline_mode<synchronous>, transform_indices = @transform_1, window_bounds = array<i64: 1024, 17>}, {pipeline_mode = #tpu.pipeline_mode<synchronous>, transform_indices = @transform_2, window_bounds = array<i64: 1, 1024>}]} {
    %get3A = arith.constant 0 : index
    %get3A_0 = arith.constant 0 : index
    %get3A_1 = vector.load %arg1[%get3A, %get3A_0] : memref<17x4096xf32, #tpu.memory_space<vmem>>, vector<17x4096xf32>
    %get3A_2 = arith.constant 0 : index
    %get3A_3 = arith.constant 0 : index
    %get3A_4 = vector.load %arg2[%get3A_2, %get3A_3] : memref<1024x17xf32, #tpu.memory_space<vmem>>, vector<1024x17xf32>
    %dot_general3A = arith.constant dense<0.000000e+00> : vector<4096x1024xf32>
    %dot_general3A_5 = tpu.matmul %get3A_1, %get3A_4, %dot_general3A {dimension_numbers = #tpu.dot_dimension_numbers<[0], [1], [1], [0], [0, 1, 1, 0], [], []>, transpose_lhs_hint = false} : vector<17x4096xf32>, vector<1024x17xf32>, vector<4096x1024xf32> -> vector<4096x1024xf32>
    %min3A = arith.constant 6.000000e+01 : f32
    %min3A_6 = vector.broadcast %min3A : f32 to vector<4096x1024xf32>
    %min3A_7 = arith.minimumf %dot_general3A_5, %min3A_6 : vector<4096x1024xf32>
    %exp3A = math.exp %min3A_7 : vector<4096x1024xf32>
    %broadcast_in_dim3A = arith.constant 1.000000e+00 : f32
    %broadcast_in_dim3A_8 = vector.broadcast %broadcast_in_dim3A : f32 to vector<1x4096xf32>
    %dot_general3A_9 = arith.constant dense<0.000000e+00> : vector<1x1024xf32>
    %dot_general3A_10 = tpu.matmul %broadcast_in_dim3A_8, %exp3A, %dot_general3A_9 {dimension_numbers = #tpu.dot_dimension_numbers<[1], [0], [0], [1], [0, 0, 1, 1], [], []>, transpose_lhs_hint = false} : vector<1x4096xf32>, vector<4096x1024xf32>, vector<1x1024xf32> -> vector<1x1024xf32>
    %eq3A = arith.constant 0 : i32
    %eq3A_11 = arith.cmpi eq, %arg0, %eq3A : i32
    %convert_element_type3A = arith.extui %eq3A_11 : i1 to i32
    %cond3A = arith.constant 0 : i32
    %cond3A_12 = arith.cmpi ne, %convert_element_type3A, %cond3A : i32
    scf.if %cond3A_12 {
      %swap3A = arith.constant 0 : index
      %swap3A_22 = arith.constant 0 : index
      %swap3A_23 = vector.load %arg4[%swap3A, %swap3A_22] : memref<1x1024xf32, #tpu.memory_space<vmem>>, vector<1x1024xf32>
      tpu.vector_store %arg4[%swap3A, %swap3A_22], %dot_general3A_10 {strides = array<i32>} : memref<1x1024xf32, #tpu.memory_space<vmem>>, vector<1x1024xf32>,
    } else {
    }
    %ne3A = arith.constant 0 : i32
    %ne3A_13 = arith.cmpi ne, %arg0, %ne3A : i32
    %convert_element_type3A_14 = arith.extui %ne3A_13 : i1 to i32
    %cond3A_15 = arith.constant 0 : i32
    %cond3A_16 = arith.cmpi ne, %convert_element_type3A_14, %cond3A_15 : i32
    scf.if %cond3A_16 {
      %get3A_22 = arith.constant 0 : index
      %get3A_23 = arith.constant 0 : index
      %get3A_24 = vector.load %arg4[%get3A_22, %get3A_23] : memref<1x1024xf32, #tpu.memory_space<vmem>>, vector<1x1024xf32>
      %add3A = arith.addf %get3A_24, %dot_general3A_10 : vector<1x1024xf32>
      %swap3A = arith.constant 0 : index
      %swap3A_25 = arith.constant 0 : index
      %swap3A_26 = vector.load %arg4[%swap3A, %swap3A_25] : memref<1x1024xf32, #tpu.memory_space<vmem>>, vector<1x1024xf32>
      tpu.vector_store %arg4[%swap3A, %swap3A_25], %add3A {strides = array<i32>} : memref<1x1024xf32, #tpu.memory_space<vmem>>, vector<1x1024xf32>,
    } else {
    }
    %eq3A_17 = arith.constant 24 : i32
    %eq3A_18 = arith.cmpi eq, %arg0, %eq3A_17 : i32
    %convert_element_type3A_19 = arith.extui %eq3A_18 : i1 to i32
    %cond3A_20 = arith.constant 0 : i32
    %cond3A_21 = arith.cmpi ne, %convert_element_type3A_19, %cond3A_20 : i32
    scf.if %cond3A_21 {
      %get3A_22 = arith.constant 0 : index
      %get3A_23 = arith.constant 0 : index
      %get3A_24 = vector.load %arg4[%get3A_22, %get3A_23] : memref<1x1024xf32, #tpu.memory_space<vmem>>, vector<1x1024xf32>
      %log3A = math.log %get3A_24 : vector<1x1024xf32>
      %swap3A = arith.constant 0 : index
      %swap3A_25 = arith.constant 0 : index
      %swap3A_26 = vector.load %arg3[%swap3A, %swap3A_25] : memref<1x1024xf32, #tpu.memory_space<vmem>>, vector<1x1024xf32>
      tpu.vector_store %arg3[%swap3A, %swap3A_25], %log3A {strides = array<i32>} : memref<1x1024xf32, #tpu.memory_space<vmem>>, vector<1x1024xf32>,
    } else {
    }
    return
  }
  func.func @transform_0(%arg0: i32) -> (i32, i32) {
    %c0_i32 = arith.constant 0 : i32
    %c0_i32_0 = arith.constant 0 : i32
    return %c0_i32, %arg0 : i32, i32
  }
  func.func @transform_1(%arg0: i32) -> (i32, i32) {
    %c0_i32 = arith.constant 0 : i32
    %c0_i32_0 = arith.constant 0 : i32
    %c0_i32_1 = arith.constant 0 : i32
    return %c0_i32, %c0_i32_0 : i32, i32
  }
  func.func @transform_2(%arg0: i32) -> (i32, i32) {
    %c0_i32 = arith.constant 0 : i32
    %c0_i32_0 = arith.constant 0 : i32
    %c0_i32_1 = arith.constant 0 : i32
    return %c0_i32, %c0_i32_0 : i32, i32
  }
}

module attributes {stable_mosaic.version = 14 : i64} {
  func.func @body(%arg0: i32, %arg1: memref<17x2048xf32, #tpu.memory_space<vmem>>, %arg2: memref<1024x17xf32, #tpu.memory_space<vmem>>, %arg3: memref<1x1024xf32, #tpu.memory_space<vmem>>, %arg4: memref<2048x1024xf32, #tpu.memory_space<vmem>>) attributes {dimension_semantics = [#tpu.dimension_semantics<arbitrary>], iteration_bounds = array<i64: 49>, scalar_prefetch = 0 : i64, scratch_operands = 0 : i64, tpu.core_type = #tpu.core_type<tc>, window_params = [{transform_indices = @transform_0, window_bounds = array<i64: 17, 2048>}, {pipeline_mode = #tpu.pipeline_mode<synchronous>, transform_indices = @transform_1, window_bounds = array<i64: 1024, 17>}, {pipeline_mode = #tpu.pipeline_mode<synchronous>, transform_indices = @transform_2, window_bounds = array<i64: 1, 1024>}, {transform_indices = @transform_3, window_bounds = array<i64: 2048, 1024>}]} {
    %get3A = arith.constant 0 : index
    %get3A_0 = arith.constant 0 : index
    %get3A_1 = vector.load %arg1[%get3A, %get3A_0] : memref<17x2048xf32, #tpu.memory_space<vmem>>, vector<17x2048xf32>
    %get3A_2 = arith.constant 0 : index
    %get3A_3 = arith.constant 0 : index
    %get3A_4 = vector.load %arg2[%get3A_2, %get3A_3] : memref<1024x17xf32, #tpu.memory_space<vmem>>, vector<1024x17xf32>
    %dot_general3A = arith.constant dense<0.000000e+00> : vector<2048x1024xf32>
    %dot_general3A_5 = tpu.matmul %get3A_1, %get3A_4, %dot_general3A {dimension_numbers = #tpu.dot_dimension_numbers<[0], [1], [1], [0], [0, 1, 1, 0], [], []>, transpose_lhs_hint = false} : vector<17x2048xf32>, vector<1024x17xf32>, vector<2048x1024xf32> -> vector<2048x1024xf32>
    %get3A_6 = arith.constant 0 : index
    %get3A_7 = arith.constant 0 : index
    %get3A_8 = vector.load %arg3[%get3A_6, %get3A_7] : memref<1x1024xf32, #tpu.memory_space<vmem>>, vector<1x1024xf32>
    %sub3A = vector.broadcast %get3A_8 : vector<1x1024xf32> to vector<2048x1024xf32>
    %sub3A_9 = arith.subf %dot_general3A_5, %sub3A : vector<2048x1024xf32>
    %swap3A = arith.constant 0 : index
    %swap3A_10 = arith.constant 0 : index
    %swap3A_11 = vector.load %arg4[%swap3A, %swap3A_10] : memref<2048x1024xf32, #tpu.memory_space<vmem>>, vector<2048x1024xf32>
    tpu.vector_store %arg4[%swap3A, %swap3A_10], %sub3A_9 {strides = array<i32>} : memref<2048x1024xf32, #tpu.memory_space<vmem>>, vector<2048x1024xf32>,
    return
  }
  func.func @transform_0(%arg0: i32) -> (i32, i32) {
    %c0_i32 = arith.constant 0 : i32
    %c0_i32_0 = arith.constant 0 : i32
    return %c0_i32, %arg0 : i32, i32
  }
  func.func @transform_1(%arg0: i32) -> (i32, i32) {
    %c0_i32 = arith.constant 0 : i32
    %c0_i32_0 = arith.constant 0 : i32
    %c0_i32_1 = arith.constant 0 : i32
    return %c0_i32, %c0_i32_0 : i32, i32
  }
  func.func @transform_2(%arg0: i32) -> (i32, i32) {
    %c0_i32 = arith.constant 0 : i32
    %c0_i32_0 = arith.constant 0 : i32
    %c0_i32_1 = arith.constant 0 : i32
    return %c0_i32, %c0_i32_0 : i32, i32
  }
  func.func @transform_3(%arg0: i32) -> (i32, i32) {
    %c0_i32 = arith.constant 0 : i32
    %c0_i32_0 = arith.constant 0 : i32
    return %arg0, %c0_i32 : i32, i32
  }
}

</mosaic_0001>

<sc_bundles>
// kernel: kernel.5.cloned.1.call-start
scs
__scs_entry_jumppad:
0x0: {  	(pc) =	sbr.rel $0x88, $3  }
0x1: {  	(tag) =	ssettag $0x0;
	lr =	simm.s32 $0x1  }
0x2: {  	[smem:$0x3F9D] =	sst lr;
	_ =	strace $0xD0000000  }
0x3: {  	_ = 	snop  }
0x4: {  	_ = 	snop  }
0x5: {  	_ = 	snop  }
0x6: {  	_ = 	snop  }
0x7: {  	_ = 	snop  }
__scs_overlays_trampoline_lowered:
0x8: {  	[smem:$0x3FAC] =	sst s0  }
0x9: {  	[smem:$0x3FAD] =	sst s1  }
0xa: {  	[smem:$0x3FAE] =	sst s2  }
0xb: {  	[smem:$0x3FAF] =	sst s3  }
0xc: {  	[smem:$0x3FB0] =	sst s4  }
0xd: {  	[smem:$0x3FB1] =	sst s5  }
0xe: {  	[smem:$0x3FB2] =	sst s6  }
0xf: {  	[smem:$0x3FB3] =	sst s7  }
0x10: {  	[smem:$0x3FB4] =	sst s8  }
0x11: {  	[smem:$0x3FB5] =	sst s9;
	s0 =	simm.s32 @!p0 $0x0  }
0x12: {  	s1 =	sld [smem:$0x3F9B];
	s0 =	simm.s32 @p0 $0x1  }
0x13: {  	[smem:$0x3FB6] =	sst s0;
	s0 =	simm.s32 @!p1 $0x0  }
0x14: {  	s2 =	sld [smem:$0x3F9A];
	s0 =	simm.s32 @p1 $0x1  }
0x15: {  	[smem:$0x3FB7] =	sst s0;
	s0 =	simm.s32 @!p2 $0x0  }
0x16: {  	s3 =	sld [smem:$0x3FDB];
	s0 =	simm.s32 @p2 $0x1  }
0x17: {  	s4 =	simm.s32 $0x1BF5;
	[smem:$0x3FB9] =	sst s0  }
0x18: {  	s0 =	sld [smem:$0x3F9C];
	_ =	swait.ge [sflag:s4], $0x0  }
0x19: {  	s7 =	sld [smem:$0x3F9D]  }
0x1a: {  	s8 =	sadd.s32 $0xFFFFE003, lr  }
0x1b: {  	s9 =	sadd.s32 $0xFFFFFEF7, lr;
	s5 =	simm.s32 $0xFFFFFFFF;
	p2 =	slt.u32 s8, $0xFFFFF086  }
0x1c: {  	p1 =	slt.u32 s9, $0xF7A;
	s5 =	simm.s32 @!p2 $0x0  }
0x1d: {  	s5 =	simm.s32 @p1 $0x1;
	p0 =	seq.s32 s7, s2  }
0x1e: {  	s7 =	smul.u32 @!p0 $0xF7A, s2;
	p2 =	seq.s32 @!p0 s5, $0x0  }
0x1f: {  	s9 =	smul.u32 $0xF7A, s1;
	s8 =	simm.s32 @!p0 $0x1BF5;
	p2 =	por !p2, p0  }
0x20: {  	[sflag:s8] =	ssyncset.s32 @!p0 $0xFFFFF086;
	s6 =	sadd.s32 @!p0 s3, s7;
	s7 =	simm.s32 @!p0 $0x108  }
0x21: {  	s3 =	sadd.s32 s3, s9;
	s6 =	sadd.s32 @!p0 $0x88, s6;
	s7 =	simm.s32 @p2 $0x1082  }
0x22: {  	[simem:s7], [sflag:s8] =	dma.local @!p0 [hbm:s6], $0xF7A  }
0x23: {  	s9 =	sor.u32 $0xD0000000, s2;
	s6 =	simm.s32 $0x108;
	_ =	swait.ge @!p0 [sflag:s8], $0x0  }
0x24: {  	s3 =	sadd.s32 $0x88, s3;
	s6 =	simm.s32 @!p1 $0x1082;
	[sflag:s4] =	ssyncset.s32 $0xFFFFF086  }
0x25: {  	[simem:s6], [sflag:s4] =	dma.local [hbm:s3], $0xF7A  }
0x26: {  	[smem:$0x3F9D] =	sst s1;
	(tag) =	ssettag s2;
	_ =	strace s9  }
0x27: {  	s1 =	sld [smem:$0x3FAD]  }
0x28: {  	s2 =	sld [smem:$0x3FAE]  }
0x29: {  	s4 =	sld [smem:$0x3FB0]  }
0x2a: {  	p0 =	seq.s32 s5, $0x0;
	s5 =	sld [smem:$0x3FB1]  }
0x2b: {  	s6 =	sld [smem:$0x3FB2]  }
0x2c: {  	s7 =	sld [smem:$0x3FB3]  }
0x2d: {  	s3 =	simm.s32 $0x108;
	s8 =	sld [smem:$0x3FB4]  }
0x2e: {  	s3 =	simm.s32 @!p0 $0x1082;
	s9 =	sld [smem:$0x3FB5]  }
0x2f: {  	lr =	sadd.s32 s0, s3;
	s0 =	sld [smem:$0x3FAC]  }
0x30: {  	s3 =	sld [smem:$0x3FAF]  }
0x31: {  	[smem:$0x3FB8] =	sst s10  }
0x32: {  	s10 =	sld [smem:$0x3FB6];
	_ =	sdelay $0x3  }
0x33: {  	p0 =	seq.s32 s10, $0x1;
	s10 =	sld [smem:$0x3FB8];
	_ =	sdelay $0x3  }
0x34: {  	[smem:$0x3FB8] =	sst s10  }
0x35: {  	s10 =	sld [smem:$0x3FB7];
	_ =	sdelay $0x3  }
0x36: {  	p1 =	seq.s32 s10, $0x1;
	s10 =	sld [smem:$0x3FB8];
	_ =	sdelay $0x3  }
0x37: {  	[smem:$0x3FB8] =	sst s10  }
0x38: {  	s10 =	sld [smem:$0x3FB9]  }
0x39: {  	_ = 	snop;
	(pc) =	sbr.ind lr, $3  }
0x3a: {  	_ = 	snop  }
0x3b: {  	_ = 	snop  }
0x3c: {  	p2 =	seq.s32 s10, $0x1;
	s10 =	sld [smem:$0x3FB8]  }
0x3d: {  	_ =	shalt  }
0x3e: {  	_ =	shalt  }
0x3f: {  	_ =	shalt  }
0x40: {  	_ =	shalt  }
0x41: {  	_ =	shalt  }
0x42: {  	_ =	shalt  }
0x43: {  	_ =	shalt  }
0x44: {  	_ =	shalt  }
0x45: {  	_ =	shalt  }
0x46: {  	_ =	shalt  }
0x47: {  	_ =	shalt  }
0x48: {  	_ =	shalt  }
0x49: {  	_ =	shalt  }
0x4a: {  	_ =	shalt  }
0x4b: {  	_ =	shalt  }
0x4c: {  	_ =	shalt  }
0x4d: {  	_ =	shalt  }
0x4e: {  	_ =	shalt  }
0x4f: {  	_ =	shalt  }
0x50: {  	_ =	shalt  }
0x51: {  	_ =	shalt  }
0x52: {  	_ =	shalt  }
0x53: {  	_ =	shalt  }
0x54: {  	_ =	shalt  }
0x55: {  	_ =	shalt  }
0x56: {  	_ =	shalt  }
0x57: {  	_ =	shalt  }
0x58: {  	_ =	shalt  }
0x59: {  	_ =	shalt  }
0x5a: {  	_ =	shalt  }
0x5b: {  	_ =	shalt  }
0x5c: {  	_ =	shalt  }
0x5d: {  	_ =	shalt  }
0x5e: {  	_ =	shalt  }
0x5f: {  	_ =	shalt  }
0x60: {  	_ =	shalt  }
0x61: {  	_ =	shalt  }
0x62: {  	_ =	shalt  }
0x63: {  	_ =	shalt  }
0x64: {  	_ =	shalt  }
0x65: {  	_ =	shalt  }
0x66: {  	_ =	shalt  }
0x67: {  	_ =	shalt  }
0x68: {  	_ =	shalt  }
0x69: {  	_ =	shalt  }
0x6a: {  	_ =	shalt  }
0x6b: {  	_ =	shalt  }
0x6c: {  	_ =	shalt  }
0x6d: {  	_ =	shalt  }
0x6e: {  	_ =	shalt  }
0x6f: {  	_ =	shalt  }
0x70: {  	_ =	shalt  }
0x71: {  	_ =	shalt  }
0x72: {  	_ =	shalt  }
0x73: {  	_ =	shalt  }
0x74: {  	_ =	shalt  }
0x75: {  	_ =	shalt  }
0x76: {  	_ =	shalt  }
0x77: {  	_ =	shalt  }
0x78: {  	_ =	shalt  }
0x79: {  	_ =	shalt  }
0x7a: {  	_ =	shalt  }
0x7b: {  	_ =	shalt  }
0x7c: {  	_ =	shalt  }
0x7d: {  	_ =	shalt  }
0x7e: {  	_ =	shalt  }
0x7f: {  	_ =	shalt  }
0x80: {  	_ =	shalt  }
0x81: {  	_ =	shalt  }
0x82: {  	_ =	shalt  }
0x83: {  	_ =	shalt  }
0x84: {  	_ =	shalt  }
0x85: {  	_ =	shalt  }
0x86: {  	_ =	shalt  }
0x87: {  	_ =	shalt  }
.Lfunc_end0:
.L_simem_size_0:
called_computation_lowered:
.L_overlay_start_0:
0x88: {  	s2 =	sld [smem:$0x3FD9]  }
0x89: {  	s3 =	sld [smem:$0x3FFE];
	_ =	sdelay $0x1  }
0x8a: {  	s1 =	srdreg.scid  }
0x8b: {  	s0 =	sand.u32 $0x1, s1  }
0x8c: {  	s17 =	sshll.u32 s0, $0xA;
	s2 =	sadd.s32 s3, s2  }
0x8d: {  	s2 =	sadd.s32 s2, s17  }
0x8e: {  	[smem:$0x3FC4] =	sst s2  }
0x8f: {  	_ = 	snop  }
0x90: {  	s2 =	sld [smem:$0x3FD0];
	(tm) =	ssettm $0x1  }
0x91: {  	s18 =	sld [smem:$0x3FFB];
	_ =	sdelay $0x3  }
0x92: {  	_ =	strace s18  }
0x93: {  	s3 =	sld [smem:$0x3FFC];
	_ =	sdelay $0x3  }
0x94: {  	_ =	strace s3  }
0x95: {  	s3 =	sld [smem:$0x3FFD];
	_ =	sdelay $0x3  }
0x96: {  	_ =	strace s3  }
0x97: {  	_ =	strace $0x8FFFFFFF  }
0x98: {  	s19 =	sld [smem:$0x3FDB];
	_ =	sdelay $0x1  }
0x99: {  	s4 =	simm.s32 $_scs_section_size  }
0x9a: {  	s5 =	simm.s32 $_size__tile_overlayer_lowered;
	s6 =	simm.s32 $_tile_overlayer_lowered  }
0x9b: {  	s22 =	simm.s32 $0x1BFF;
	s21 =	sshll.u32 s6, $0x1;
	s3 =	sadd.s32 s4, s19  }
0x9c: {  	s7 =	simm.s32 $0x0;
	s20 =	sshll.u32 s5, $0x1;
	s5 =	sadd.s32 s21, s3  }
0x9d: {  	[timem:s7], [sflag:s22] =	dma.local [hbm:s5], s20  }
0x9e: {  	_ =	swait.ge [sflag:s22], s20  }
0x9f: {  	s4 =	ssub.s32 $0x0, s20;
	[sflag:s22] =	ssyncset.done $0x0  }
0xa0: {  	[sflag:s22] =	ssyncadd.s32 s4;
	_ =	sdelay $0x1  }
0xa1: {  	s23 =	simm.s32 $0x1B8B  }
0xa2: {  	_ =	swait.ge [sflag:s23], $0x1  }
0xa3: {  	[sflag:s23] =	ssyncset.done $0x0  }
0xa4: {  	s25 =	simm.s32 $0x1B8E;
	s24 =	sld [smem:$0x3FFE];
	[sflag:s23] =	ssyncadd.s32 $0xFFFFFFFF  }
0xa5: {  	s26 =	simm.s32 $execute0_lowered;
	[smem:$0x3FD2] =	sst s25  }
0xa6: {  	s5 =	sshll.u32 s26, $0x1;
	_ =	strace $0x80000046;
	[dreg:$0x1] =	wrdreg $0xFFFFFFFF  }
0xa7: {  	s28 =	simm.s32 $_size_execute0_lowered;
	s3 =	sadd.s32 s3, s5;
	[dreg:$0x0] =	wrdreg $0x0  }
0xa8: {  	s5 =	sshll.u32 s28, $0x1;
	[dreg:$0x2] =	wrdreg s3  }
0xa9: {  	[dreg:$0x3] =	wrdreg s5  }
0xaa: {  	[dreg:$0x4] =	wrdreg $0xC0  }
0xab: {  	_ =	task [dreg:s7], $0x5FFFF  }
0xac: {  	[dreg:$0x1] =	wrdreg $0xFFFFFFFF  }
0xad: {  	[dreg:$0x0] =	wrdreg $0x60  }
0xae: {  	[dreg:$0x2] =	wrdreg s24  }
0xaf: {  	[dreg:$0x3] =	wrdreg s2  }
0xb0: {  	[dreg:$0x4] =	wrdreg $0x9  }
0xb1: {  	_ =	task.clear_ibuf [dreg:s7], $0x5FFFF;
	_ =	strace $0x90000046  }
0xb2: {  	s29 =	simm.s32 $0x9;
	_ =	strace $0x80000048  }
0xb3: {  	_ =	swait.ge [sflag:s29], $0x1  }
0xb4: {  	[sflag:s29] =	ssyncadd.s32 $0xFFFFFFFF  }
0xb5: {  	_ =	strace $0x90000048  }
0xb6: {  	_ =	sfence  }
0xb7: {  	s30 =	sld [smem:$0x0];
	_ =	sdelay $0x2  }
0xb8: {  	s31 =	sshll.u32 s1, $0xD;
	s1 =	sshrl.u32 s1, $0x2  }
0xb9: {  	s3 =	sand.u32 $0x4000, s31;
	s1 =	sadd.s32 s1, s30  }
0xba: {  	s0 =	sor.u32 s3, s0;
	s1 =	sshll.u32 s1, $0x11  }
0xbb: {  	s0 =	sor.u32 s1, s0  }
0xbc: {  	s0 =	sadd.s32 $0x8F2B, s0  }
0xbd: {  	[sflag:s0] =	ssyncadd.remote.s32 $0x1  }
0xbe: {  	_ =	sfence.sel $0xFFFF  }
0xbf: {  	[dreg:$0x0] =	wrdreg $0xFFFFFFFF;
	(pc) =	sbr.abs _section_cstart, $3  }
0xc0: {  	[dreg:$0x1] =	wrdreg $0xFFFFFFFF  }
0xc1: {  	_ =	task.clear_ibuf [dreg:s7], $0x2FFFF;
	_ =	strace $0x9FFFFFFF  }
0xc2: {  	(tm) =	ssettm $0x7FFFFFFF  }
0xc3: {  	_ =	shalt  }
tec
execute0_lowered:
.L_overlay_start_1:
0x0: {  	(tag) =	ssettag $0x1  }
0x1: {  	s3 =	rddreg [dreg:$0x0];
	s1 =	srdreg.scid  }
0x2: {  	s0 =	stileid.u32;
	s5 =	rddreg [dreg:$0x1];
	s2 =	simm.s32 $0x0  }
0x3: {  	s10 =	simm.s32 $0x500;
	s11 =	simm.s32 $0x20;
	s12 =	simm.s32 $0x300  }
0x4: {  	s13 =	simm.s32 $0x4500;
	s14 =	simm.s32 $0x1;
	s15 =	simm.s32 $0x320  }
0x5: {  	s16 =	simm.s32 $0x5500;
	s17 =	simm.s32 $0x3A0;
	s18 =	simm.s32 $0x9500  }
0x6: {  	s19 =	simm.s32 $0x2;
	s20 =	simm.s32 $0x3C0;
	s21 =	simm.s32 $0x440  }
0x7: {  	s22 =	simm.s32 $0x460;
	s23 =	simm.s32 $0x4E0;
	s24 =	simm.s32 $0xA500  }
0x8: {  	s25 =	simm.s32 $0x0;
	s4 =	sand.u32 $0x1, s1;
	s6 =	sshll.u32 s0, $0x1  }
0x9: {  	[smem:$0x7FF] =	sst s2;
	s6 =	sor.u32 s4, s6;
	s4 =	ssub.s32 $0x2, s4  }
0xa: {  	s7 =	smul.u32 $0x50, s6;
	s8 =	sshrl.u32 s4, $0x1;
	s6 =	sshll.u32 s6, $0x9  }
0xb: {  	_ =	strace $0x80000047;
	s8 =	ssub.s32 s4, s8;
	s5 =	sadd.s32 s5, s6  }
0xc: {  	s7 =	sadd.s32 s7, s3;
	s3 =	sadd.s32 $0x1A00, s3;
	s6 =	smax.u32 s8, $0x1  }
0xd: {  	v0 =	vlaneseq.u32;
	s8 =	simm.s32 $0x80;
	s4 =	sadd.s32 $0x1000, s7;
	s7 =	simm.s32 $0x3  }
.LBB2_1:
0xe: {  	[tilespmem:s2], [sflag:$0x3] =	stream.linear.gather [hbm4b:s4+s2], $0x280, $0x38;
	[tilespmem:$0xB500] =	vst v63  }
0xf: {  	_ =	swait.ge [sflag:s7], $0x280  }
0x10: {  	[sflag:s7] =	ssyncset.done $0x0  }
0x11: {  	s26 =	simm.s32 $0x0;
	[sflag:s7] =	ssyncadd.s32 $0xFFFFFD80  }
0x12: {  	s28 =	simm.s32 $0x40;
	v1 =	vld [tilespmem:s26+$0x0]  }
.LBB2_2:
0x13: {  	p0 =	sne.s32 s28, $0x9C0  }
.Ltmp0:
0x14: {  	_ = 	snop;
	(pc) =	sbr.rel @p0 .LBB2_2-.Ltmp0, $3  }
0x15: {  	_ =	sdelay $0x1  }
0x16: {  	s29 =	sshra.s32 s28, $0x2;
	s28 =	sadd.s32 $0x40, s28;
	v2 =	vshrl.u32 v1, $0x3  }
0x17: {  	v1 =	vld [tilespmem:s29+$0x0];
	[tilespmem:s26+$0x280] =	vst v2;
	s26 =	smov.u32 s29  }
0x18: {  	_ =	sdelay $0x3  }
0x19: {  	v1 =	vshrl.u32 v1, $0x3  }
0x1a: {  	s0 =	simm.s32 $0x280;
	[tilespmem:s26+$0x280] =	vst v1  }
0x1b: {  	[tilespmem:s10], [sflag:$0x1] =	stream.indirect.gather [hbm4b:s3+s8], $0x80, s0, s8, $0xb8;
	[tilespmem:$0xB500] =	vst v63  }
0x1c: {  	_ = 	snop  }
0x1d: {  	[tilespmem:s13], [sflag:$0x1] =	stream.indirect.gather [hbm4b:s3+s11], $0x80, s12, s11, $0xb8;
	[tilespmem:$0xB500] =	vst v63  }
0x1e: {  	_ =	swait.ge [sflag:s14], $0x4000  }
0x1f: {  	[sflag:s14] =	ssyncset.done $0x0  }
0x20: {  	[sflag:s14] =	ssyncadd.s32 $0xFFFFC000  }
0x21: {  	s0 =	simm.s32 $0x0;
	_ =	swait.ge [sflag:s14], $0x1000  }
0x22: {  	s1 =	simm.s32 $0x1;
	v5 =	vmov s0;
	[sflag:s14] =	ssyncset.done $0x0  }
0x23: {  	s9 =	simm.s32 $0x2;
	v6 =	vmov s1;
	[sflag:s14] =	ssyncadd.s32 $0xFFFFF000  }
0x24: {  	[tilespmem:s16], [sflag:$0x2] =	stream.indirect.gather [hbm4b:s3+s8], $0x80, s15, s8, $0xb8;
	[tilespmem:$0xB500] =	vst v63  }
0x25: {  	s31 =	simm.s32 $0x3;
	v7 =	vmov s9  }
0x26: {  	[tilespmem:s18], [sflag:$0x2] =	stream.indirect.gather [hbm4b:s3+s11], $0x80, s17, s11, $0xb8;
	[tilespmem:$0xB500] =	vst v63  }
0x27: {  	s28 =	simm.s32 $0x4;
	v9 =	vmov s31;
	v8 =	vld.idx.msk [tilespmem:v5+s2+$0x0], $0xffff  }
0x28: {  	s29 =	simm.s32 $0x12;
	s30 =	simm.s32 $0x10;
	v11 =	vmov s28;
	s28 =	simm.s32 $0x5;
	v10 =	vld.idx.msk [tilespmem:v6+s2+$0x0], $0xffff  }
0x29: {  	s31 =	simm.s32 $0x11;
	v2 =	vmov s29;
	s1 =	simm.s32 $0x8;
	s29 =	simm.s32 $0xF;
	v4 =	vmov s30;
	v13 =	vmov s28  }
0x2a: {  	s30 =	simm.s32 $0x6;
	s9 =	simm.s32 $0x7;
	s28 =	simm.s32 $0xE;
	v3 =	vmov s31;
	v14 =	vmov s1;
	v16 =	vmov s29;
	v12 =	vld.idx.msk [tilespmem:v7+s2+$0x0], $0xffff  }
0x2b: {  	v18 =	vmov s30;
	v19 =	vmov s9;
	s31 =	simm.s32 $0x9;
	s1 =	simm.s32 $0xB;
	v15 =	vmov s28  }
0x2c: {  	v49 =	vmov s31;
	v53 =	vmov s1;
	v17 =	vld.idx.msk [tilespmem:v9+s2+$0x0], $0xffff;
	v8 =	vshll.u32 v8, $0x4  }
0x2d: {  	v5 =	vshll.u32 v5, $0x7;
	v10 =	vshll.u32 v10, $0x4;
	v8 =	vand.u32 $0x70, v8  }
0x2e: {  	v20 =	vld.idx.msk [tilespmem:v11+s2+$0x0], $0xffff;
	v6 =	vshll.u32 v6, $0x7;
	v5 =	vor.u32 v5, v8;
	v8 =	vand.u32 $0x70, v10  }
0x2f: {  	v5 =	vor.u32 v0, v5;
	v6 =	vor.u32 v6, v8;
	v8 =	vshll.u32 v12, $0x4  }
0x30: {  	s9 =	simm.s32 $0xC;
	v48 =	vld.idx.msk [tilespmem:v13+s2+$0x0], $0xffff;
	v7 =	vshll.u32 v7, $0x7;
	v6 =	vor.u32 v0, v6;
	v8 =	vand.u32 $0x70, v8  }
0x31: {  	v55 =	vmov s9;
	v7 =	vor.u32 v7, v8;
	v8 =	vshll.u32 v17, $0x4  }
0x32: {  	s0 =	simm.s32 $0x13;
	v50 =	vld.idx.msk [tilespmem:v18+s2+$0x0], $0xffff;
	v9 =	vshll.u32 v9, $0x7;
	v7 =	vor.u32 v0, v7;
	v8 =	vand.u32 $0x70, v8  }
0x33: {  	v1 =	vmov s0;
	v22 =	vld.idx.msk [tilespmem:v19+s2+$0x0], $0xffff;
	v51 =	vshll.u32 v20, $0x4;
	v8 =	vor.u32 v9, v8  }
0x34: {  	s0 =	simm.s32 $0xA;
	v11 =	vshll.u32 v11, $0x7;
	v9 =	vand.u32 $0x70, v51;
	v8 =	vor.u32 v0, v8;
	v5 =	vld.idx.msk [tilespmem:v5+s10+$0x0], $0xffff  }
0x35: {  	v52 =	vmov s0;
	v10 =	vshll.u32 v48, $0x4;
	v9 =	vor.u32 v11, v9;
	v6 =	vld.idx.msk [tilespmem:v6+s10+$0x0], $0xffff  }
0x36: {  	s31 =	simm.s32 $0xD;
	v21 =	vld.idx.msk [tilespmem:v14+s2+$0x0], $0xffff;
	v13 =	vshll.u32 v13, $0x7;
	v10 =	vand.u32 $0x70, v10;
	v9 =	vor.u32 v0, v9  }
0x37: {  	v57 =	vmov s31;
	v54 =	vshll.u32 v50, $0x4;
	v10 =	vor.u32 v13, v10;
	v7 =	vld.idx.msk [tilespmem:v7+s10+$0x0], $0xffff  }
0x38: {  	v23 =	vld.idx.msk [tilespmem:v49+s2+$0x0], $0xffff;
	v18 =	vshll.u32 v18, $0x7;
	v13 =	vand.u32 $0x70, v54;
	v10 =	vor.u32 v0, v10  }
0x39: {  	v19 =	vshll.u32 v19, $0x7;
	v56 =	vshll.u32 v22, $0x4;
	v13 =	vor.u32 v18, v13;
	v8 =	vld.idx.msk [tilespmem:v8+s10+$0x0], $0xffff  }
0x3a: {  	v24 =	vld.idx.msk [tilespmem:v52+s2+$0x0], $0xffff;
	v18 =	vand.u32 $0x70, v56;
	v13 =	vor.u32 v0, v13;
	v5 =	vadd.f32 v6, v5  }
0x3b: {  	v14 =	vshll.u32 v14, $0x7;
	v58 =	vshll.u32 v21, $0x4;
	v6 =	vor.u32 v19, v18;
	v9 =	vld.idx.msk [tilespmem:v9+s10+$0x0], $0xffff  }
0x3c: {  	v25 =	vld.idx.msk [tilespmem:v53+s2+$0x0], $0xffff;
	v18 =	vand.u32 $0x70, v58;
	v6 =	vor.u32 v0, v6;
	v5 =	vadd.f32 v7, v5  }
0x3d: {  	v60 =	vshll.u32 v23, $0x4;
	v12 =	vshll.u32 v49, $0x7;
	v10 =	vld.idx.msk [tilespmem:v10+s10+$0x0], $0xffff;
	v7 =	vor.u32 v14, v18  }
0x3e: {  	v59 =	vld.idx.msk [tilespmem:v55+s2+$0x0], $0xffff;
	v14 =	vand.u32 $0x70, v60;
	v7 =	vor.u32 v0, v7;
	v5 =	vadd.f32 v8, v5  }
0x3f: {  	v63 =	vshll.u32 v52, $0x7;
	v62 =	vshll.u32 v24, $0x4;
	v13 =	vld.idx.msk [tilespmem:v13+s10+$0x0], $0xffff;
	v8 =	vor.u32 v12, v14  }
0x40: {  	v61 =	vld.idx.msk [tilespmem:v57+s2+$0x0], $0xffff;
	v12 =	vand.u32 $0x70, v62;
	v8 =	vor.u32 v0, v8;
	v5 =	vadd.f32 v9, v5  }
0x41: {  	v27 =	vshll.u32 v25, $0x4;
	v11 =	vshll.u32 v53, $0x7;
	v26 =	vor.u32 v63, v12;
	v6 =	vld.idx.msk [tilespmem:v6+s10+$0x0], $0xffff  }
0x42: {  	v24 =	vld.idx.msk [tilespmem:v15+s2+$0x0], $0xffff;
	v12 =	vand.u32 $0x70, v27;
	v9 =	vor.u32 v0, v26;
	v5 =	vadd.f32 v10, v5  }
0x43: {  	v31 =	vshll.u32 v55, $0x7;
	v30 =	vshll.u32 v59, $0x4;
	v29 =	vor.u32 v11, v12;
	v7 =	vld.idx.msk [tilespmem:v7+s10+$0x0], $0xffff  }
0x44: {  	v28 =	vld.idx.msk [tilespmem:v16+s2+$0x0], $0xffff;
	v11 =	vand.u32 $0x70, v30;
	v10 =	vor.u32 v0, v29;
	v5 =	vadd.f32 v13, v5  }
0x45: {  	v34 =	vshll.u32 v57, $0x7;
	v33 =	vshll.u32 v61, $0x4;
	v11 =	vor.u32 v31, v11;
	v8 =	vld.idx.msk [tilespmem:v8+s10+$0x0], $0xffff  }
0x46: {  	v32 =	vld.idx.msk [tilespmem:v4+s2+$0x0], $0xffff;
	v12 =	vand.u32 $0x70, v33;
	v11 =	vor.u32 v0, v11;
	v5 =	vadd.f32 v6, v5  }
0x47: {  	v37 =	vshll.u32 v15, $0x7;
	v36 =	vshll.u32 v24, $0x4;
	v9 =	vld.idx.msk [tilespmem:v9+s10+$0x0], $0xffff;
	v6 =	vor.u32 v34, v12  }
0x48: {  	v35 =	vld.idx.msk [tilespmem:v3+s2+$0x0], $0xffff;
	v12 =	vand.u32 $0x70, v36;
	v6 =	vor.u32 v0, v6;
	v5 =	vadd.f32 v7, v5  }
0x49: {  	v40 =	vshll.u32 v16, $0x7;
	v39 =	vshll.u32 v28, $0x4;
	v10 =	vld.idx.msk [tilespmem:v10+s10+$0x0], $0xffff;
	v7 =	vor.u32 v37, v12  }
0x4a: {  	v38 =	vld.idx.msk [tilespmem:v2+s2+$0x0], $0xffff;
	v12 =	vand.u32 $0x70, v39;
	v7 =	vor.u32 v0, v7;
	v5 =	vadd.f32 v8, v5  }
0x4b: {  	v4 =	vshll.u32 v4, $0x7;
	v41 =	vshll.u32 v32, $0x4;
	v11 =	vld.idx.msk [tilespmem:v11+s10+$0x0], $0xffff;
	v8 =	vor.u32 v40, v12  }
0x4c: {  	v42 =	vld.idx.msk [tilespmem:v1+s2+$0x0], $0xffff;
	v12 =	vand.u32 $0x70, v41;
	v8 =	vor.u32 v0, v8;
	v5 =	vadd.f32 v9, v5  }
0x4d: {  	v3 =	vshll.u32 v3, $0x7;
	v43 =	vshll.u32 v35, $0x4;
	v4 =	vor.u32 v4, v12;
	v6 =	vld.idx.msk [tilespmem:v6+s10+$0x0], $0xffff  }
0x4e: {  	v4 =	vor.u32 v0, v4;
	v9 =	vand.u32 $0x70, v43;
	v5 =	vadd.f32 v10, v5  }
0x4f: {  	v2 =	vshll.u32 v2, $0x7;
	v44 =	vshll.u32 v38, $0x4;
	v3 =	vor.u32 v3, v9;
	v7 =	vld.idx.msk [tilespmem:v7+s10+$0x0], $0xffff  }
0x50: {  	v45 =	vand.u32 $0x70, v44;
	v3 =	vor.u32 v0, v3;
	v5 =	vadd.f32 v11, v5  }
0x51: {  	v1 =	vshll.u32 v1, $0x7;
	v46 =	vshll.u32 v42, $0x4;
	v2 =	vor.u32 v2, v45;
	v8 =	vld.idx.msk [tilespmem:v8+s10+$0x0], $0xffff  }
0x52: {  	v2 =	vor.u32 v0, v2;
	v9 =	vand.u32 $0x70, v46;
	v5 =	vadd.f32 v6, v5  }
0x53: {  	v1 =	vor.u32 v1, v9;
	v4 =	vld.idx.msk [tilespmem:v4+s10+$0x0], $0xffff  }
0x54: {  	v1 =	vor.u32 v0, v1;
	v5 =	vadd.f32 v7, v5  }
0x55: {  	v3 =	vld.idx.msk [tilespmem:v3+s10+$0x0], $0xffff  }
0x56: {  	v5 =	vadd.f32 v8, v5  }
0x57: {  	v2 =	vld.idx.msk [tilespmem:v2+s10+$0x0], $0xffff  }
0x58: {  	v4 =	vadd.f32 v4, v5  }
0x59: {  	v1 =	vld.idx.msk [tilespmem:v1+s10+$0x0], $0xffff  }
0x5a: {  	v3 =	vadd.f32 v3, v4;
	_ =	sdelay $0x1  }
0x5b: {  	v2 =	vadd.f32 v2, v3  }
0x5c: {  	s0 =	simm.s32 $0x14  }
0x5d: {  	s1 =	simm.s32 $0x15;
	v5 =	vmov s0;
	v1 =	vadd.f32 v1, v2  }
0x5e: {  	v6 =	vmov s1  }
0x5f: {  	s28 =	simm.s32 $0x16;
	v1 =	vmul.f32 $5.000000070e-02, v1  }
0x60: {  	s26 =	simm.s32 $0xA500;
	v7 =	vmov s28  }
0x61: {  	s29 =	simm.s32 $0x18;
	s28 =	simm.s32 $0x17;
	[tilespmem:s26+$0x0] =	vst v1  }
0x62: {  	v49 =	vmov s29;
	s29 =	simm.s32 $0x19;
	v47 =	vmov s28;
	v8 =	vld.idx.msk [tilespmem:v5+s2+$0x0], $0xffff  }
0x63: {  	s31 =	simm.s32 $0x1F;
	v51 =	vmov s29;
	s29 =	simm.s32 $0x22;
	v48 =	vld.idx.msk [tilespmem:v6+s2+$0x0], $0xffff  }
0x64: {  	v28 =	vmov s31;
	v15 =	vmov s29;
	s0 =	simm.s32 $0x1A  }
0x65: {  	s9 =	simm.s32 $0x24;
	v13 =	vshll.u32 v51, $0x7;
	v11 =	vshll.u32 v49, $0x7;
	v54 =	vmov s0;
	s0 =	simm.s32 $0x1D;
	v50 =	vld.idx.msk [tilespmem:v7+s2+$0x0], $0xffff  }
0x66: {  	s28 =	simm.s32 $0x27;
	v9 =	vshll.u32 v47, $0x7;
	v4 =	vmov s9;
	s9 =	simm.s32 $0x1B;
	v58 =	vmov s0  }
0x67: {  	v55 =	vmov s9;
	v1 =	vmov s28;
	v53 =	vld.idx.msk [tilespmem:v47+s2+$0x0], $0xffff;
	v8 =	vshll.u32 v8, $0x4  }
0x68: {  	v5 =	vshll.u32 v5, $0x7;
	v10 =	vshll.u32 v48, $0x4;
	v8 =	vand.u32 $0x70, v8  }
0x69: {  	v56 =	vld.idx.msk [tilespmem:v49+s2+$0x0], $0xffff;
	v6 =	vshll.u32 v6, $0x7;
	v5 =	vor.u32 v5, v8;
	v8 =	vand.u32 $0x70, v10  }
0x6a: {  	v5 =	vor.u32 v0, v5;
	v6 =	vor.u32 v6, v8;
	v8 =	vshll.u32 v50, $0x4  }
0x6b: {  	s28 =	simm.s32 $0x1C;
	v57 =	vld.idx.msk [tilespmem:v51+s2+$0x0], $0xffff;
	v7 =	vshll.u32 v7, $0x7;
	v6 =	vor.u32 v0, v6;
	v8 =	vand.u32 $0x70, v8  }
0x6c: {  	v52 =	vmov s28;
	v7 =	vor.u32 v7, v8;
	v8 =	vshll.u32 v53, $0x4  }
0x6d: {  	s0 =	simm.s32 $0x20;
	v18 =	vshll.u32 v54, $0x7;
	v59 =	vld.idx.msk [tilespmem:v54+s2+$0x0], $0xffff;
	v7 =	vor.u32 v0, v7;
	v8 =	vand.u32 $0x70, v8  }
0x6e: {  	v31 =	vmov s0;
	v63 =	vld.idx.msk [tilespmem:v55+s2+$0x0], $0xffff;
	v61 =	vshll.u32 v56, $0x4;
	v8 =	vor.u32 v9, v8  }
0x6f: {  	s9 =	simm.s32 $0x1E;
	v12 =	vshll.u32 v58, $0x7;
	v9 =	vand.u32 $0x70, v61;
	v8 =	vor.u32 v0, v8;
	v5 =	vld.idx.msk [tilespmem:v5+s10+$0x0], $0xffff  }
0x70: {  	s1 =	simm.s32 $0x25;
	v62 =	vmov s9;
	v10 =	vshll.u32 v57, $0x4;
	v9 =	vor.u32 v11, v9;
	v6 =	vld.idx.msk [tilespmem:v6+s10+$0x0], $0xffff  }
0x71: {  	v3 =	vmov s1;
	v60 =	vld.idx.msk [tilespmem:v52+s2+$0x0], $0xffff;
	v10 =	vand.u32 $0x70, v10;
	v9 =	vor.u32 v0, v9  }
0x72: {  	s9 =	simm.s32 $0x21;
	v19 =	vshll.u32 v55, $0x7;
	v30 =	vshll.u32 v59, $0x4;
	v10 =	vor.u32 v13, v10;
	v7 =	vld.idx.msk [tilespmem:v7+s10+$0x0], $0xffff  }
0x73: {  	v34 =	vmov s9;
	v29 =	vld.idx.msk [tilespmem:v58+s2+$0x0], $0xffff;
	v13 =	vand.u32 $0x70, v30;
	v10 =	vor.u32 v0, v10  }
0x74: {  	v41 =	vshll.u32 v62, $0x7;
	v33 =	vshll.u32 v63, $0x4;
	v13 =	vor.u32 v18, v13;
	v8 =	vld.idx.msk [tilespmem:v8+s10+$0x0], $0xffff  }
0x75: {  	v32 =	vld.idx.msk [tilespmem:v62+s2+$0x0], $0xffff;
	v18 =	vand.u32 $0x70, v33;
	v13 =	vor.u32 v0, v13;
	v5 =	vadd.f32 v6, v5  }
0x76: {  	v14 =	vshll.u32 v52, $0x7;
	v36 =	vshll.u32 v60, $0x4;
	v6 =	vor.u32 v19, v18;
	v9 =	vld.idx.msk [tilespmem:v9+s10+$0x0], $0xffff  }
0x77: {  	s30 =	simm.s32 $0x26;
	v35 =	vld.idx.msk [tilespmem:v28+s2+$0x0], $0xffff;
	v18 =	vand.u32 $0x70, v36;
	v6 =	vor.u32 v0, v6;
	v5 =	vadd.f32 v7, v5  }
0x78: {  	v2 =	vmov s30;
	v38 =	vshll.u32 v29, $0x4;
	v10 =	vld.idx.msk [tilespmem:v10+s10+$0x0], $0xffff;
	v7 =	vor.u32 v14, v18  }
0x79: {  	s30 =	simm.s32 $0x23;
	v37 =	vld.idx.msk [tilespmem:v31+s2+$0x0], $0xffff;
	v14 =	vand.u32 $0x70, v38;
	v7 =	vor.u32 v0, v7;
	v5 =	vadd.f32 v8, v5  }
0x7a: {  	v16 =	vmov s30;
	v40 =	vshll.u32 v32, $0x4;
	v13 =	vld.idx.msk [tilespmem:v13+s10+$0x0], $0xffff;
	v8 =	vor.u32 v12, v14  }
0x7b: {  	v39 =	vld.idx.msk [tilespmem:v34+s2+$0x0], $0xffff;
	v12 =	vand.u32 $0x70, v40;
	v8 =	vor.u32 v0, v8;
	v5 =	vadd.f32 v9, v5  }
0x7c: {  	v44 =	vshll.u32 v35, $0x4;
	v11 =	vshll.u32 v28, $0x7;
	v43 =	vor.u32 v41, v12;
	v6 =	vld.idx.msk [tilespmem:v6+s10+$0x0], $0xffff  }
0x7d: {  	v42 =	vld.idx.msk [tilespmem:v15+s2+$0x0], $0xffff;
	v12 =	vand.u32 $0x70, v44;
	v9 =	vor.u32 v0, v43;
	v5 =	vadd.f32 v10, v5  }
0x7e: {  	v47 =	vshll.u32 v37, $0x4;
	v48 =	vshll.u32 v31, $0x7;
	v46 =	vor.u32 v11, v12;
	v7 =	vld.idx.msk [tilespmem:v7+s10+$0x0], $0xffff  }
0x7f: {  	v45 =	vld.idx.msk [tilespmem:v16+s2+$0x0], $0xffff;
	v11 =	vand.u32 $0x70, v47;
	v10 =	vor.u32 v0, v46;
	v5 =	vadd.f32 v13, v5  }
0x80: {  	v51 =	vshll.u32 v34, $0x7;
	v50 =	vshll.u32 v39, $0x4;
	v11 =	vor.u32 v48, v11;
	v8 =	vld.idx.msk [tilespmem:v8+s10+$0x0], $0xffff  }
0x81: {  	v49 =	vld.idx.msk [tilespmem:v4+s2+$0x0], $0xffff;
	v12 =	vand.u32 $0x70, v50;
	v11 =	vor.u32 v0, v11;
	v5 =	vadd.f32 v6, v5  }
0x82: {  	v54 =	vshll.u32 v15, $0x7;
	v53 =	vshll.u32 v42, $0x4;
	v9 =	vld.idx.msk [tilespmem:v9+s10+$0x0], $0xffff;
	v6 =	vor.u32 v51, v12  }
0x83: {  	v52 =	vld.idx.msk [tilespmem:v3+s2+$0x0], $0xffff;
	v12 =	vand.u32 $0x70, v53;
	v6 =	vor.u32 v0, v6;
	v5 =	vadd.f32 v7, v5  }
0x84: {  	v56 =	vshll.u32 v45, $0x4;
	v57 =	vshll.u32 v16, $0x7;
	v10 =	vld.idx.msk [tilespmem:v10+s10+$0x0], $0xffff;
	v7 =	vor.u32 v54, v12  }
0x85: {  	v55 =	vld.idx.msk [tilespmem:v2+s2+$0x0], $0xffff;
	v12 =	vand.u32 $0x70, v56;
	v7 =	vor.u32 v0, v7;
	v5 =	vadd.f32 v8, v5  }
0x86: {  	v4 =	vshll.u32 v4, $0x7;
	v58 =	vshll.u32 v49, $0x4;
	v11 =	vld.idx.msk [tilespmem:v11+s10+$0x0], $0xffff;
	v8 =	vor.u32 v57, v12  }
0x87: {  	v59 =	vld.idx.msk [tilespmem:v1+s2+$0x0], $0xffff;
	v12 =	vand.u32 $0x70, v58;
	v8 =	vor.u32 v0, v8;
	v5 =	vadd.f32 v9, v5  }
0x88: {  	v3 =	vshll.u32 v3, $0x7;
	v60 =	vshll.u32 v52, $0x4;
	v4 =	vor.u32 v4, v12;
	v6 =	vld.idx.msk [tilespmem:v6+s10+$0x0], $0xffff  }
0x89: {  	v4 =	vor.u32 v0, v4;
	v9 =	vand.u32 $0x70, v60;
	v5 =	vadd.f32 v10, v5  }
0x8a: {  	v2 =	vshll.u32 v2, $0x7;
	v61 =	vshll.u32 v55, $0x4;
	v3 =	vor.u32 v3, v9;
	v7 =	vld.idx.msk [tilespmem:v7+s10+$0x0], $0xffff  }
0x8b: {  	v62 =	vand.u32 $0x70, v61;
	v3 =	vor.u32 v0, v3;
	v5 =	vadd.f32 v11, v5  }
0x8c: {  	v1 =	vshll.u32 v1, $0x7;
	v63 =	vshll.u32 v59, $0x4;
	v2 =	vor.u32 v2, v62;
	v8 =	vld.idx.msk [tilespmem:v8+s10+$0x0], $0xffff  }
0x8d: {  	v2 =	vor.u32 v0, v2;
	v9 =	vand.u32 $0x70, v63;
	v5 =	vadd.f32 v6, v5  }
0x8e: {  	v1 =	vor.u32 v1, v9;
	v4 =	vld.idx.msk [tilespmem:v4+s10+$0x0], $0xffff  }
0x8f: {  	v1 =	vor.u32 v0, v1;
	v5 =	vadd.f32 v7, v5  }
0x90: {  	v3 =	vld.idx.msk [tilespmem:v3+s10+$0x0], $0xffff  }
0x91: {  	v5 =	vadd.f32 v8, v5  }
0x92: {  	v2 =	vld.idx.msk [tilespmem:v2+s10+$0x0], $0xffff  }
0x93: {  	v4 =	vadd.f32 v4, v5  }
0x94: {  	v1 =	vld.idx.msk [tilespmem:v1+s10+$0x0], $0xffff  }
0x95: {  	v3 =	vadd.f32 v3, v4;
	_ =	sdelay $0x1  }
0x96: {  	v2 =	vadd.f32 v2, v3  }
0x97: {  	s31 =	simm.s32 $0x28  }
0x98: {  	s29 =	simm.s32 $0x4F;
	s30 =	simm.s32 $0x29;
	s28 =	simm.s32 $0x3B;
	v7 =	vmov s31;
	v1 =	vadd.f32 v1, v2  }
.LBB2_4:
0x99: {  	p0 =	sne.s32 s29, $0x9F;
	v8 =	vmov s30  }
0x9a: {  	s1 =	sadd.s32 $0xFFFFFFEF, s28;
	v1 =	vmul.f32 $5.000000070e-02, v1  }
0x9b: {  	s26 =	sadd.s32 $0x80, s26;
	v9 =	vmov s1  }
0x9c: {  	s1 =	sadd.s32 $0xFFFFFFF0, s28;
	[tilespmem:s26+$0x0] =	vst v1  }
0x9d: {  	v11 =	vmov s1;
	v10 =	vld.idx.msk [tilespmem:v7+s2+$0x0], $0xffff  }
0x9e: {  	s1 =	sadd.s32 $0xFFFFFFF1, s28;
	v12 =	vld.idx.msk [tilespmem:v8+s2+$0x0], $0xffff  }
0x9f: {  	v13 =	vmov s1;
	s1 =	sadd.s32 $0xFFFFFFFF, s28  }
0xa0: {  	s30 =	sadd.s32 $0xFFFFFFF2, s28;
	s31 =	sadd.s32 $0xFFFFFFFD, s28;
	s0 =	sadd.s32 $0xFFFFFFFE, s28;
	v1 =	vmov s28;
	v2 =	vmov s1;
	v14 =	vld.idx.msk [tilespmem:v9+s2+$0x0], $0xffff  }
0xa1: {  	s9 =	sadd.s32 $0xFFFFFFFC, s28;
	v15 =	vmov s30;
	s30 =	sadd.s32 $0xFFFFFFFB, s28;
	v4 =	vmov s31;
	v3 =	vmov s0;
	s1 =	sadd.s32 $0xFFFFFFF5, s28  }
0xa2: {  	s0 =	sadd.s32 $0xFFFFFFF3, s28;
	s31 =	sadd.s32 $0xFFFFFFF4, s28;
	v5 =	vmov s9;
	v6 =	vmov s30;
	v17 =	vmov s1;
	v16 =	vld.idx.msk [tilespmem:v11+s2+$0x0], $0xffff  }
0xa3: {  	v18 =	vmov s0;
	v19 =	vmov s31;
	v10 =	vshll.u32 v10, $0x4  }
0xa4: {  	v7 =	vshll.u32 v7, $0x7;
	v10 =	vand.u32 $0x70, v10;
	v12 =	vshll.u32 v12, $0x4;
	v20 =	vld.idx.msk [tilespmem:v13+s2+$0x0], $0xffff  }
0xa5: {  	v8 =	vshll.u32 v8, $0x7;
	v7 =	vor.u32 v7, v10;
	v10 =	vand.u32 $0x70, v12  }
0xa6: {  	v7 =	vor.u32 v0, v7;
	v8 =	vor.u32 v8, v10;
	v10 =	vshll.u32 v14, $0x4;
	v12 =	vld.idx.msk [tilespmem:v15+s2+$0x0], $0xffff  }
0xa7: {  	s0 =	sadd.s32 $0xFFFFFFF6, s28;
	v9 =	vshll.u32 v9, $0x7;
	v8 =	vor.u32 v0, v8;
	v10 =	vand.u32 $0x70, v10  }
0xa8: {  	v9 =	vor.u32 v9, v10;
	v10 =	vshll.u32 v16, $0x4;
	v16 =	vmov s0;
	v14 =	vld.idx.msk [tilespmem:v18+s2+$0x0], $0xffff  }
0xa9: {  	v11 =	vshll.u32 v11, $0x7;
	s0 =	sadd.s32 $0xFFFFFFF7, s28;
	v9 =	vor.u32 v0, v9;
	v10 =	vand.u32 $0x70, v10;
	v21 =	vld.idx.msk [tilespmem:v17+s2+$0x0], $0xffff  }
0xaa: {  	v22 =	vmov s0;
	v10 =	vor.u32 v11, v10;
	v11 =	vshll.u32 v20, $0x4;
	v20 =	vld.idx.msk [tilespmem:v19+s2+$0x0], $0xffff  }
0xab: {  	v13 =	vshll.u32 v13, $0x7;
	s0 =	sadd.s32 $0xFFFFFFF8, s28;
	v10 =	vor.u32 v0, v10;
	v11 =	vand.u32 $0x70, v11;
	v7 =	vld.idx.msk [tilespmem:v7+s10+$0x0], $0xffff  }
0xac: {  	v11 =	vor.u32 v13, v11;
	v12 =	vshll.u32 v12, $0x4;
	v13 =	vmov s0;
	v8 =	vld.idx.msk [tilespmem:v8+s10+$0x0], $0xffff  }
0xad: {  	v15 =	vshll.u32 v15, $0x7;
	s0 =	sadd.s32 $0xFFFFFFF9, s28;
	v11 =	vor.u32 v0, v11;
	v12 =	vand.u32 $0x70, v12;
	v23 =	vld.idx.msk [tilespmem:v16+s2+$0x0], $0xffff  }
0xae: {  	v12 =	vor.u32 v15, v12;
	v14 =	vshll.u32 v14, $0x4;
	v15 =	vmov s0;
	v9 =	vld.idx.msk [tilespmem:v9+s10+$0x0], $0xffff  }
0xaf: {  	v18 =	vshll.u32 v18, $0x7;
	s0 =	sadd.s32 $0xFFFFFFFA, s28;
	s28 =	smov.u32 s29;
	v12 =	vor.u32 v0, v12;
	v14 =	vand.u32 $0x70, v14;
	v24 =	vld.idx.msk [tilespmem:v22+s2+$0x0], $0xffff  }
0xb0: {  	v14 =	vor.u32 v18, v14;
	v18 =	vshll.u32 v20, $0x4;
	v20 =	vmov s0;
	v10 =	vld.idx.msk [tilespmem:v10+s10+$0x0], $0xffff  }
0xb1: {  	v19 =	vshll.u32 v19, $0x7;
	v14 =	vor.u32 v0, v14;
	v18 =	vand.u32 $0x70, v18;
	v25 =	vld.idx.msk [tilespmem:v13+s2+$0x0], $0xffff  }
0xb2: {  	v7 =	vadd.f32 v8, v7;
	v8 =	vld.idx.msk [tilespmem:v11+s10+$0x0], $0xffff;
	v11 =	vor.u32 v19, v18;
	v18 =	vshll.u32 v21, $0x4  }
0xb3: {  	v17 =	vshll.u32 v17, $0x7;
	v11 =	vor.u32 v0, v11;
	v18 =	vand.u32 $0x70, v18;
	v19 =	vld.idx.msk [tilespmem:v15+s2+$0x0], $0xffff  }
0xb4: {  	v7 =	vadd.f32 v9, v7;
	v9 =	vld.idx.msk [tilespmem:v12+s10+$0x0], $0xffff;
	v12 =	vor.u32 v17, v18;
	v17 =	vshll.u32 v23, $0x4  }
0xb5: {  	v16 =	vshll.u32 v16, $0x7;
	v12 =	vor.u32 v0, v12;
	v17 =	vand.u32 $0x70, v17;
	v18 =	vld.idx.msk [tilespmem:v20+s2+$0x0], $0xffff  }
0xb6: {  	v7 =	vadd.f32 v10, v7;
	v10 =	vld.idx.msk [tilespmem:v14+s10+$0x0], $0xffff;
	v14 =	vor.u32 v16, v17;
	v16 =	vshll.u32 v24, $0x4  }
0xb7: {  	v17 =	vshll.u32 v22, $0x7;
	v14 =	vor.u32 v0, v14;
	v16 =	vand.u32 $0x70, v16;
	v21 =	vld.idx.msk [tilespmem:v6+s2+$0x0], $0xffff  }
0xb8: {  	v7 =	vadd.f32 v8, v7;
	v8 =	vld.idx.msk [tilespmem:v11+s10+$0x0], $0xffff;
	v11 =	vor.u32 v17, v16;
	v16 =	vshll.u32 v25, $0x4  }
0xb9: {  	v13 =	vshll.u32 v13, $0x7;
	v11 =	vor.u32 v0, v11;
	v16 =	vand.u32 $0x70, v16;
	v17 =	vld.idx.msk [tilespmem:v5+s2+$0x0], $0xffff  }
0xba: {  	v7 =	vadd.f32 v9, v7;
	v9 =	vld.idx.msk [tilespmem:v12+s10+$0x0], $0xffff;
	v12 =	vor.u32 v13, v16;
	v13 =	vshll.u32 v19, $0x4  }
0xbb: {  	v15 =	vshll.u32 v15, $0x7;
	v12 =	vor.u32 v0, v12;
	v13 =	vand.u32 $0x70, v13;
	v16 =	vld.idx.msk [tilespmem:v4+s2+$0x0], $0xffff  }
0xbc: {  	v7 =	vadd.f32 v10, v7;
	v10 =	vld.idx.msk [tilespmem:v14+s10+$0x0], $0xffff;
	v13 =	vor.u32 v15, v13;
	v14 =	vshll.u32 v18, $0x4  }
0xbd: {  	v15 =	vshll.u32 v20, $0x7;
	v13 =	vor.u32 v0, v13;
	v14 =	vand.u32 $0x70, v14;
	v18 =	vld.idx.msk [tilespmem:v3+s2+$0x0], $0xffff  }
0xbe: {  	v7 =	vadd.f32 v8, v7;
	v8 =	vld.idx.msk [tilespmem:v11+s10+$0x0], $0xffff;
	v11 =	vor.u32 v15, v14;
	v14 =	vshll.u32 v21, $0x4  }
0xbf: {  	v6 =	vshll.u32 v6, $0x7;
	v11 =	vor.u32 v0, v11;
	v14 =	vand.u32 $0x70, v14;
	v15 =	vld.idx.msk [tilespmem:v2+s2+$0x0], $0xffff  }
0xc0: {  	v7 =	vadd.f32 v9, v7;
	v9 =	vld.idx.msk [tilespmem:v12+s10+$0x0], $0xffff;
	v6 =	vor.u32 v6, v14;
	v12 =	vshll.u32 v17, $0x4  }
0xc1: {  	v5 =	vshll.u32 v5, $0x7;
	v6 =	vor.u32 v0, v6;
	v12 =	vand.u32 $0x70, v12;
	v14 =	vld.idx.msk [tilespmem:v1+s2+$0x0], $0xffff  }
0xc2: {  	v7 =	vadd.f32 v10, v7;
	v10 =	vld.idx.msk [tilespmem:v13+s10+$0x0], $0xffff;
	v5 =	vor.u32 v5, v12;
	v12 =	vshll.u32 v16, $0x4  }
0xc3: {  	v4 =	vshll.u32 v4, $0x7;
	v5 =	vor.u32 v0, v5;
	v12 =	vand.u32 $0x70, v12  }
0xc4: {  	v7 =	vadd.f32 v8, v7;
	v8 =	vld.idx.msk [tilespmem:v11+s10+$0x0], $0xffff;
	v4 =	vor.u32 v4, v12;
	v11 =	vshll.u32 v18, $0x4  }
0xc5: {  	v3 =	vshll.u32 v3, $0x7;
	v4 =	vor.u32 v0, v4;
	v11 =	vand.u32 $0x70, v11  }
0xc6: {  	v7 =	vadd.f32 v9, v7;
	v9 =	vshll.u32 v15, $0x4;
	v6 =	vld.idx.msk [tilespmem:v6+s10+$0x0], $0xffff;
	v3 =	vor.u32 v3, v11  }
0xc7: {  	v2 =	vshll.u32 v2, $0x7;
	v9 =	vand.u32 $0x70, v9;
	v3 =	vor.u32 v0, v3  }
0xc8: {  	v7 =	vadd.f32 v10, v7;
	v2 =	vor.u32 v2, v9;
	v9 =	vshll.u32 v14, $0x4;
	v5 =	vld.idx.msk [tilespmem:v5+s10+$0x0], $0xffff  }
0xc9: {  	v1 =	vshll.u32 v1, $0x7;
	v2 =	vor.u32 v0, v2;
	v9 =	vand.u32 $0x70, v9  }
0xca: {  	v7 =	vadd.f32 v8, v7;
	v1 =	vor.u32 v1, v9;
	v4 =	vld.idx.msk [tilespmem:v4+s10+$0x0], $0xffff  }
0xcb: {  	v1 =	vor.u32 v0, v1  }
0xcc: {  	v6 =	vadd.f32 v6, v7;
	v3 =	vld.idx.msk [tilespmem:v3+s10+$0x0], $0xffff;
	_ =	sdelay $0x1  }
0xcd: {  	v5 =	vadd.f32 v5, v6;
	v2 =	vld.idx.msk [tilespmem:v2+s10+$0x0], $0xffff;
	_ =	sdelay $0x1  }
0xce: {  	v4 =	vadd.f32 v4, v5;
	v1 =	vld.idx.msk [tilespmem:v1+s10+$0x0], $0xffff;
	_ =	sdelay $0x1  }
.Ltmp1:
0xcf: {  	v3 =	vadd.f32 v3, v4;
	(pc) =	sbr.rel @p0 .LBB2_4-.Ltmp1, $4  }
0xd0: {  	_ = 	snop  }
0xd1: {  	v2 =	vadd.f32 v2, v3  }
0xd2: {  	s0 =	sadd.s32 $0xFFFFFFED, s29  }
0xd3: {  	s30 =	sadd.s32 $0xFFFFFFEE, s28;
	s29 =	sadd.s32 $0x14, s29;
	v7 =	vmov s0;
	v1 =	vadd.f32 v1, v2  }
0xd4: {  	v5 =	vmov s30  }
0xd5: {  	s0 =	sadd.s32 $0xFFFFFFEF, s28;
	v1 =	vmul.f32 $5.000000070e-02, v1  }
0xd6: {  	s26 =	sadd.s32 $0x80, s26;
	v6 =	vmov s0  }
0xd7: {  	s1 =	sadd.s32 $0xFFFFFFF0, s28;
	[tilespmem:s26+$0x0] =	vst v1  }
0xd8: {  	s9 =	sadd.s32 $0xFFFFFFF1, s28;
	v9 =	vmov s1;
	v8 =	vld.idx.msk [tilespmem:v7+s2+$0x0], $0xffff  }
0xd9: {  	s31 =	sadd.s32 $0xFFFFFFF2, s28;
	s29 =	sadd.s32 $0xFFFFFFFE, s28;
	s30 =	sadd.s32 $0xFFFFFFFC, s28;
	v11 =	vmov s9;
	v10 =	vld.idx.msk [tilespmem:v5+s2+$0x0], $0xffff  }
0xda: {  	s1 =	sadd.s32 $0xFFFFFFFF, s28;
	s9 =	sadd.s32 $0xFFFFFFFD, s28;
	v13 =	vmov s31;
	s0 =	sadd.s32 $0xFFFFFFF5, s28;
	v3 =	vmov s29;
	v16 =	vmov s30  }
0xdb: {  	s31 =	sadd.s32 $0xFFFFFFF3, s28;
	s29 =	sadd.s32 $0xFFFFFFF4, s28;
	v2 =	vmov s1;
	v4 =	vmov s9;
	v14 =	vmov s0;
	v12 =	vld.idx.msk [tilespmem:v6+s2+$0x0], $0xffff  }
0xdc: {  	s1 =	sadd.s32 $0xFFFFFFFB, s28;
	v18 =	vmov s31;
	v19 =	vmov s29;
	s9 =	sadd.s32 $0xFFFFFFF7, s28;
	v1 =	vmov s28  }
0xdd: {  	v15 =	vmov s1;
	v56 =	vmov s9;
	v17 =	vld.idx.msk [tilespmem:v9+s2+$0x0], $0xffff;
	v8 =	vshll.u32 v8, $0x4  }
0xde: {  	v7 =	vshll.u32 v7, $0x7;
	v8 =	vand.u32 $0x70, v8;
	v10 =	vshll.u32 v10, $0x4  }
0xdf: {  	v5 =	vshll.u32 v5, $0x7;
	v20 =	vld.idx.msk [tilespmem:v11+s2+$0x0], $0xffff;
	v7 =	vor.u32 v7, v8;
	v49 =	vand.u32 $0x70, v10  }
0xe0: {  	v50 =	vshll.u32 v12, $0x4;
	v7 =	vor.u32 v0, v7;
	v5 =	vor.u32 v5, v49  }
0xe1: {  	s31 =	sadd.s32 $0xFFFFFFF8, s28;
	v51 =	vld.idx.msk [tilespmem:v13+s2+$0x0], $0xffff;
	v6 =	vshll.u32 v6, $0x7;
	v8 =	vand.u32 $0x70, v50;
	v5 =	vor.u32 v0, v5  }
0xe2: {  	v57 =	vmov s31;
	v52 =	vshll.u32 v17, $0x4;
	v6 =	vor.u32 v6, v8  }
0xe3: {  	s1 =	sadd.s32 $0xFFFFFFF6, s28;
	v9 =	vshll.u32 v9, $0x7;
	v54 =	vld.idx.msk [tilespmem:v18+s2+$0x0], $0xffff;
	v8 =	vand.u32 $0x70, v52;
	v6 =	vor.u32 v0, v6  }
0xe4: {  	v53 =	vmov s1;
	v22 =	vld.idx.msk [tilespmem:v19+s2+$0x0], $0xffff;
	v55 =	vshll.u32 v20, $0x4;
	v8 =	vor.u32 v9, v8  }
0xe5: {  	s9 =	sadd.s32 $0xFFFFFFFA, s28;
	v11 =	vshll.u32 v11, $0x7;
	v9 =	vand.u32 $0x70, v55;
	v8 =	vor.u32 v0, v8;
	v7 =	vld.idx.msk [tilespmem:v7+s10+$0x0], $0xffff  }
0xe6: {  	v61 =	vmov s9;
	v10 =	vshll.u32 v51, $0x4;
	v9 =	vor.u32 v11, v9;
	v5 =	vld.idx.msk [tilespmem:v5+s10+$0x0], $0xffff  }
0xe7: {  	s1 =	sadd.s32 $0xFFFFFFF9, s28;
	v13 =	vshll.u32 v13, $0x7;
	v21 =	vld.idx.msk [tilespmem:v14+s2+$0x0], $0xffff;
	v10 =	vand.u32 $0x70, v10;
	v9 =	vor.u32 v0, v9  }
0xe8: {  	v59 =	vmov s1;
	v58 =	vshll.u32 v54, $0x4;
	v10 =	vor.u32 v13, v10;
	v6 =	vld.idx.msk [tilespmem:v6+s10+$0x0], $0xffff  }
0xe9: {  	v18 =	vshll.u32 v18, $0x7;
	v23 =	vld.idx.msk [tilespmem:v53+s2+$0x0], $0xffff;
	v13 =	vand.u32 $0x70, v58;
	v10 =	vor.u32 v0, v10  }
0xea: {  	v19 =	vshll.u32 v19, $0x7;
	v60 =	vshll.u32 v22, $0x4;
	v13 =	vor.u32 v18, v13;
	v8 =	vld.idx.msk [tilespmem:v8+s10+$0x0], $0xffff  }
0xeb: {  	v24 =	vld.idx.msk [tilespmem:v56+s2+$0x0], $0xffff;
	v18 =	vand.u32 $0x70, v60;
	v13 =	vor.u32 v0, v13;
	v5 =	vadd.f32 v5, v7  }
0xec: {  	v14 =	vshll.u32 v14, $0x7;
	v62 =	vshll.u32 v21, $0x4;
	v9 =	vld.idx.msk [tilespmem:v9+s10+$0x0], $0xffff;
	v7 =	vor.u32 v19, v18  }
0xed: {  	v25 =	vld.idx.msk [tilespmem:v57+s2+$0x0], $0xffff;
	v18 =	vand.u32 $0x70, v62;
	v7 =	vor.u32 v0, v7;
	v5 =	vadd.f32 v6, v5  }
0xee: {  	v12 =	vshll.u32 v53, $0x7;
	v26 =	vshll.u32 v23, $0x4;
	v10 =	vld.idx.msk [tilespmem:v10+s10+$0x0], $0xffff;
	v6 =	vor.u32 v14, v18  }
0xef: {  	v63 =	vld.idx.msk [tilespmem:v59+s2+$0x0], $0xffff;
	v14 =	vand.u32 $0x70, v26;
	v6 =	vor.u32 v0, v6;
	v5 =	vadd.f32 v8, v5  }
0xf0: {  	v30 =	vshll.u32 v56, $0x7;
	v29 =	vshll.u32 v24, $0x4;
	v13 =	vld.idx.msk [tilespmem:v13+s10+$0x0], $0xffff;
	v28 =	vor.u32 v12, v14  }
0xf1: {  	v27 =	vld.idx.msk [tilespmem:v61+s2+$0x0], $0xffff;
	v12 =	vand.u32 $0x70, v29;
	v8 =	vor.u32 v0, v28;
	v5 =	vadd.f32 v9, v5  }
0xf2: {  	v33 =	vshll.u32 v25, $0x4;
	v11 =	vshll.u32 v57, $0x7;
	v32 =	vor.u32 v30, v12;
	v7 =	vld.idx.msk [tilespmem:v7+s10+$0x0], $0xffff  }
0xf3: {  	v31 =	vld.idx.msk [tilespmem:v15+s2+$0x0], $0xffff;
	v12 =	vand.u32 $0x70, v33;
	v9 =	vor.u32 v0, v32;
	v5 =	vadd.f32 v10, v5  }
0xf4: {  	v37 =	vshll.u32 v59, $0x7;
	v36 =	vshll.u32 v63, $0x4;
	v35 =	vor.u32 v11, v12;
	v6 =	vld.idx.msk [tilespmem:v6+s10+$0x0], $0xffff  }
0xf5: {  	v34 =	vld.idx.msk [tilespmem:v16+s2+$0x0], $0xffff;
	v11 =	vand.u32 $0x70, v36;
	v10 =	vor.u32 v0, v35;
	v5 =	vadd.f32 v13, v5  }
0xf6: {  	v40 =	vshll.u32 v61, $0x7;
	v39 =	vshll.u32 v27, $0x4;
	v11 =	vor.u32 v37, v11;
	v8 =	vld.idx.msk [tilespmem:v8+s10+$0x0], $0xffff  }
0xf7: {  	v38 =	vld.idx.msk [tilespmem:v4+s2+$0x0], $0xffff;
	v12 =	vand.u32 $0x70, v39;
	v11 =	vor.u32 v0, v11;
	v5 =	vadd.f32 v7, v5  }
0xf8: {  	v43 =	vshll.u32 v15, $0x7;
	v42 =	vshll.u32 v31, $0x4;
	v9 =	vld.idx.msk [tilespmem:v9+s10+$0x0], $0xffff;
	v7 =	vor.u32 v40, v12  }
0xf9: {  	v41 =	vld.idx.msk [tilespmem:v3+s2+$0x0], $0xffff;
	v12 =	vand.u32 $0x70, v42;
	v7 =	vor.u32 v0, v7;
	v5 =	vadd.f32 v6, v5  }
0xfa: {  	v46 =	vshll.u32 v16, $0x7;
	v45 =	vshll.u32 v34, $0x4;
	v10 =	vld.idx.msk [tilespmem:v10+s10+$0x0], $0xffff;
	v6 =	vor.u32 v43, v12  }
0xfb: {  	v44 =	vld.idx.msk [tilespmem:v2+s2+$0x0], $0xffff;
	v12 =	vand.u32 $0x70, v45;
	v6 =	vor.u32 v0, v6;
	v5 =	vadd.f32 v8, v5  }
0xfc: {  	v4 =	vshll.u32 v4, $0x7;
	v48 =	vshll.u32 v38, $0x4;
	v11 =	vld.idx.msk [tilespmem:v11+s10+$0x0], $0xffff;
	v47 =	vor.u32 v46, v12  }
0xfd: {  	v49 =	vld.idx.msk [tilespmem:v1+s2+$0x0], $0xffff;
	v12 =	vand.u32 $0x70, v48;
	v8 =	vor.u32 v0, v47;
	v5 =	vadd.f32 v9, v5  }
0xfe: {  	v3 =	vshll.u32 v3, $0x7;
	v50 =	vshll.u32 v41, $0x4;
	v4 =	vor.u32 v4, v12;
	v7 =	vld.idx.msk [tilespmem:v7+s10+$0x0], $0xffff  }
0xff: {  	v4 =	vor.u32 v0, v4;
	v9 =	vand.u32 $0x70, v50;
	v5 =	vadd.f32 v10, v5  }
0x100: {  	v2 =	vshll.u32 v2, $0x7;
	v51 =	vshll.u32 v44, $0x4;
	v3 =	vor.u32 v3, v9;
	v6 =	vld.idx.msk [tilespmem:v6+s10+$0x0], $0xffff  }
0x101: {  	v52 =	vand.u32 $0x70, v51;
	v3 =	vor.u32 v0, v3;
	v5 =	vadd.f32 v11, v5  }
0x102: {  	v1 =	vshll.u32 v1, $0x7;
	v2 =	vor.u32 v2, v52;
	v53 =	vshll.u32 v49, $0x4;
	v8 =	vld.idx.msk [tilespmem:v8+s10+$0x0], $0xffff  }
0x103: {  	v2 =	vor.u32 v0, v2;
	v9 =	vand.u32 $0x70, v53;
	v5 =	vadd.f32 v7, v5  }
0x104: {  	v1 =	vor.u32 v1, v9;
	v4 =	vld.idx.msk [tilespmem:v4+s10+$0x0], $0xffff  }
0x105: {  	v1 =	vor.u32 v0, v1;
	v5 =	vadd.f32 v6, v5  }
0x106: {  	v3 =	vld.idx.msk [tilespmem:v3+s10+$0x0], $0xffff  }
0x107: {  	v5 =	vadd.f32 v8, v5  }
0x108: {  	v2 =	vld.idx.msk [tilespmem:v2+s10+$0x0], $0xffff  }
0x109: {  	v4 =	vadd.f32 v4, v5  }
0x10a: {  	v1 =	vld.idx.msk [tilespmem:v1+s10+$0x0], $0xffff  }
0x10b: {  	v3 =	vadd.f32 v3, v4;
	_ =	sdelay $0x1  }
0x10c: {  	v2 =	vadd.f32 v2, v3;
	_ =	sdelay $0x1  }
0x10d: {  	v1 =	vadd.f32 v1, v2;
	_ =	sdelay $0x1  }
0x10e: {  	v1 =	vmul.f32 $5.000000070e-02, v1  }
0x10f: {  	s31 =	sadd.s32 $0x80, s26  }
0x110: {  	[tilespmem:s31+$0x0] =	vst v1  }
0x111: {  	s1 =	simm.s32 $0xA0;
	_ =	swait.ge [sflag:s19], $0x4000  }
0x112: {  	s9 =	simm.s32 $0xA1;
	v1 =	vmov s1;
	[sflag:s19] =	ssyncset.done $0x0  }
0x113: {  	v2 =	vmov s9;
	s9 =	simm.s32 $0xB2;
	v1 =	vand.u32 $0xFFFFFFFC, v1;
	[sflag:s19] =	ssyncadd.s32 $0xFFFFC000  }
0x114: {  	s26 =	simm.s32 $0xA2;
	v6 =	vmov s9;
	s9 =	simm.s32 $0xAE;
	v3 =	vbroadcast v1, $0x0;
	v1 =	vand.u32 $0xFFFFFFFD, v2;
	_ =	swait.ge [sflag:s19], $0x1000  }
0x115: {  	v58 =	vmov s9;
	s9 =	simm.s32 $0xA8;
	v2 =	vbroadcast v1, $0x0;
	v1 =	vmov s26;
	[sflag:s19] =	ssyncset.done $0x0  }
0x116: {  	v61 =	vmov s9;
	s9 =	simm.s32 $0xA9;
	v1 =	vand.u32 $0xFFFFFFFE, v1;
	[sflag:s19] =	ssyncadd.s32 $0xFFFFF000  }
0x117: {  	v4 =	vbroadcast v1, $0x0;
	[tilespmem:s10], [sflag:$0x1] =	stream.indirect.gather [hbm4b:s3+s8], $0x80, s20, s8, $0xb8;
	[tilespmem:$0xB500] =	vst v63  }
0x118: {  	s31 =	simm.s32 $0xA4;
	s1 =	simm.s32 $0xB1;
	s26 =	simm.s32 $0xA3  }
0x119: {  	v15 =	vand.u32 $0xFFFFFFFC, v61;
	v21 =	vmov s9;
	v1 =	vmov s31;
	[tilespmem:s13], [sflag:$0x1] =	stream.indirect.gather [hbm4b:s3+s11], $0x80, s21, s11, $0xb8;
	[tilespmem:$0xB500] =	vst v63  }
0x11a: {  	v5 =	vmov s1;
	v7 =	vmov s26;
	s26 =	simm.s32 $0xA5;
	v54 =	vand.u32 $0xFFFFFFFC, v1;
	v3 =	vld.idx.msk [tilespmem:v3+s2+$0x0], $0xffff  }
0x11b: {  	s1 =	simm.s32 $0xAD;
	v15 =	vbroadcast v15, $0x0;
	v55 =	vmov s26;
	v8 =	vbroadcast v54, $0x0;
	v2 =	vld.idx.msk [tilespmem:v2+s2+$0x0], $0xffff  }
0x11c: {  	v18 =	vand.u32 $0xFFFFFFFD, v21;
	v57 =	vmov s1;
	s31 =	simm.s32 $0xAF;
	s26 =	simm.s32 $0xA6;
	v9 =	vand.u32 $0xFFFFFFFD, v55  }
0x11d: {  	v1 =	vmov s31;
	s31 =	simm.s32 $0xB0;
	v59 =	vmov s26;
	s26 =	simm.s32 $0xAC;
	v9 =	vbroadcast v9, $0x0;
	v4 =	vld.idx.msk [tilespmem:v4+s2+$0x0], $0xffff  }
0x11e: {  	v56 =	vmov s31;
	s31 =	simm.s32 $0xAB;
	v13 =	vand.u32 $0xFFFFFFFE, v59;
	v62 =	vmov s26  }
0x11f: {  	v60 =	vmov s31;
	s31 =	simm.s32 $0xAA;
	v13 =	vbroadcast v13, $0x0;
	v7 =	vld.idx.msk [tilespmem:v7+s2+$0x0], $0xffff;
	v3 =	vshll.u32 v3, $0x4  }
0x120: {  	s26 =	simm.s32 $0xA7;
	v63 =	vmov s31;
	s31 =	simm.s32 $0x0;
	v2 =	vshll.u32 v2, $0x4;
	v3 =	vand.u32 $0x70, v3  }
0x121: {  	s1 =	simm.s32 $0x80;
	v22 =	vmov s26;
	v8 =	vld.idx.msk [tilespmem:v8+s2+$0x0], $0xffff;
	v2 =	vand.u32 $0x70, v2;
	v3 =	vor.u32 s31, v3  }
0x122: {  	v4 =	vshll.u32 v4, $0x4;
	v2 =	vor.u32 s1, v2;
	v3 =	vor.u32 v0, v3  }
0x123: {  	s9 =	simm.s32 $0x100;
	v18 =	vbroadcast v18, $0x0;
	v9 =	vld.idx.msk [tilespmem:v9+s2+$0x0], $0xffff;
	v4 =	vand.u32 $0x70, v4;
	v2 =	vor.u32 v0, v2  }
0x124: {  	v17 =	vand.u32 $0xFFFFFFFE, v63;
	v15 =	vld.idx.msk [tilespmem:v15+s2+$0x0], $0xffff;
	v7 =	vshll.u32 v7, $0x4;
	v4 =	vor.u32 s9, v4  }
0x125: {  	s26 =	simm.s32 $0x180;
	v17 =	vbroadcast v17, $0x0;
	v13 =	vld.idx.msk [tilespmem:v13+s2+$0x0], $0xffff;
	v7 =	vand.u32 $0x70, v7;
	v4 =	vor.u32 v0, v4  }
0x126: {  	v6 =	vand.u32 $0xFFFFFFFE, v6;
	v19 =	vld.idx.msk [tilespmem:v22+s2+$0x0], $0xffff;
	v7 =	vor.u32 s26, v7;
	v8 =	vshll.u32 v8, $0x4  }
0x127: {  	v12 =	vand.u32 $0xFFFFFFFE, v58;
	s31 =	simm.s32 $0x200;
	v7 =	vor.u32 v0, v7;
	v8 =	vand.u32 $0x70, v8;
	v3 =	vld.idx.msk [tilespmem:v3+s16+$0x0], $0xffff  }
0x128: {  	v11 =	vand.u32 $0xFFFFFFFD, v57;
	v9 =	vshll.u32 v9, $0x4;
	v8 =	vor.u32 s31, v8;
	v2 =	vld.idx.msk [tilespmem:v2+s16+$0x0], $0xffff  }
0x129: {  	v11 =	vbroadcast v11, $0x0;
	v18 =	vld.idx.msk [tilespmem:v18+s2+$0x0], $0xffff;
	s1 =	simm.s32 $0x280;
	v9 =	vand.u32 $0x70, v9;
	v8 =	vor.u32 v0, v8  }
0x12a: {  	v16 =	vand.u32 $0xFFFFFFFC, v62;
	v13 =	vshll.u32 v13, $0x4;
	v9 =	vor.u32 s1, v9;
	v4 =	vld.idx.msk [tilespmem:v4+s16+$0x0], $0xffff  }
0x12b: {  	v16 =	vbroadcast v16, $0x0;
	v17 =	vld.idx.msk [tilespmem:v17+s2+$0x0], $0xffff;
	s9 =	simm.s32 $0x300;
	v13 =	vand.u32 $0x70, v13;
	v9 =	vor.u32 v0, v9  }
0x12c: {  	v15 =	vshll.u32 v15, $0x4;
	v19 =	vshll.u32 v19, $0x4;
	v13 =	vor.u32 s9, v13;
	v7 =	vld.idx.msk [tilespmem:v7+s16+$0x0], $0xffff  }
0x12d: {  	s26 =	simm.s32 $0x380;
	v19 =	vand.u32 $0x70, v19;
	v13 =	vor.u32 v0, v13;
	v2 =	vadd.f32 v2, v3  }
0x12e: {  	v25 =	vshll.u32 v18, $0x4;
	v15 =	vand.u32 $0x70, v15;
	v23 =	vor.u32 s26, v19;
	v8 =	vld.idx.msk [tilespmem:v8+s16+$0x0], $0xffff  }
0x12f: {  	v14 =	vld.idx.msk [tilespmem:v60+s2+$0x0], $0xffff;
	s31 =	simm.s32 $0x400;
	v3 =	vbroadcast v12, $0x0;
	v12 =	vor.u32 v0, v23;
	v2 =	vadd.f32 v4, v2  }
0x130: {  	v5 =	vand.u32 $0xFFFFFFFD, v5;
	v24 =	vor.u32 s31, v15;
	v15 =	vand.u32 $0x70, v25;
	v9 =	vld.idx.msk [tilespmem:v9+s16+$0x0], $0xffff  }
0x131: {  	v16 =	vld.idx.msk [tilespmem:v16+s2+$0x0], $0xffff;
	s1 =	simm.s32 $0x480;
	v10 =	vor.u32 v0, v24;
	v27 =	vshll.u32 v17, $0x4;
	v2 =	vadd.f32 v7, v2  }
0x132: {  	v26 =	vor.u32 s1, v15;
	v15 =	vand.u32 $0x70, v27;
	v4 =	vand.u32 $0xFFFFFFFC, v56;
	v7 =	vld.idx.msk [tilespmem:v13+s16+$0x0], $0xffff  }
0x133: {  	v11 =	vld.idx.msk [tilespmem:v11+s2+$0x0], $0xffff;
	s9 =	simm.s32 $0x500;
	v4 =	vbroadcast v4, $0x0;
	v13 =	vor.u32 v0, v26;
	v2 =	vadd.f32 v8, v2  }
0x134: {  	v5 =	vbroadcast v5, $0x0;
	v14 =	vshll.u32 v14, $0x4;
	v29 =	vor.u32 s9, v15;
	v28 =	vld.idx.msk [tilespmem:v12+s16+$0x0], $0xffff  }
0x135: {  	v14 =	vand.u32 $0x70, v14;
	s26 =	simm.s32 $0x580;
	v12 =	vor.u32 v0, v29;
	v3 =	vld.idx.msk [tilespmem:v3+s2+$0x0], $0xffff;
	v2 =	vadd.f32 v9, v2  }
0x136: {  	v6 =	vbroadcast v6, $0x0;
	v32 =	vshll.u32 v16, $0x4;
	v31 =	vor.u32 s26, v14;
	v30 =	vld.idx.msk [tilespmem:v10+s16+$0x0], $0xffff  }
0x137: {  	v1 =	vld.idx.msk [tilespmem:v1+s2+$0x0], $0xffff;
	v14 =	vand.u32 $0x70, v32;
	s31 =	simm.s32 $0x600;
	v10 =	vor.u32 v0, v31;
	v2 =	vadd.f32 v7, v2  }
0x138: {  	v11 =	vshll.u32 v11, $0x4;
	v33 =	vor.u32 s31, v14;
	v7 =	vld.idx.msk [tilespmem:v13+s16+$0x0], $0xffff  }
0x139: {  	v11 =	vand.u32 $0x70, v11;
	s1 =	simm.s32 $0xB3;
	s9 =	simm.s32 $0x680;
	v4 =	vld.idx.msk [tilespmem:v4+s2+$0x0], $0xffff;
	v13 =	vor.u32 v0, v33;
	v2 =	vadd.f32 v28, v2  }
0x13a: {  	v34 =	vmov s1;
	v11 =	vor.u32 s9, v11;
	v12 =	vld.idx.msk [tilespmem:v12+s16+$0x0], $0xffff;
	v3 =	vshll.u32 v3, $0x4  }
0x13b: {  	v5 =	vld.idx.msk [tilespmem:v5+s2+$0x0], $0xffff;
	s26 =	simm.s32 $0x700;
	v11 =	vor.u32 v0, v11;
	v3 =	vand.u32 $0x70, v3;
	v2 =	vadd.f32 v30, v2  }
0x13c: {  	v1 =	vshll.u32 v1, $0x4;
	v35 =	vld.idx.msk [tilespmem:v10+s16+$0x0], $0xffff;
	v3 =	vor.u32 s26, v3  }
0x13d: {  	v6 =	vld.idx.msk [tilespmem:v6+s2+$0x0], $0xffff;
	v1 =	vand.u32 $0x70, v1;
	s31 =	simm.s32 $0x780;
	v3 =	vor.u32 v0, v3;
	v2 =	vadd.f32 v7, v2  }
0x13e: {  	v1 =	vor.u32 s31, v1;
	v4 =	vshll.u32 v4, $0x4;
	v7 =	vld.idx.msk [tilespmem:v13+s16+$0x0], $0xffff  }
0x13f: {  	s1 =	simm.s32 $0x800;
	v1 =	vor.u32 v0, v1;
	v8 =	vld.idx.msk [tilespmem:v34+s2+$0x0], $0xffff;
	v4 =	vand.u32 $0x70, v4;
	v2 =	vadd.f32 v12, v2  }
0x140: {  	v5 =	vshll.u32 v5, $0x4;
	v36 =	vld.idx.msk [tilespmem:v11+s16+$0x0], $0xffff;
	v4 =	vor.u32 s1, v4  }
0x141: {  	v5 =	vand.u32 $0x70, v5;
	s9 =	simm.s32 $0x880;
	v4 =	vor.u32 v0, v4;
	v2 =	vadd.f32 v35, v2  }
0x142: {  	v6 =	vshll.u32 v6, $0x4;
	v5 =	vor.u32 s9, v5;
	v3 =	vld.idx.msk [tilespmem:v3+s16+$0x0], $0xffff  }
0x143: {  	v6 =	vand.u32 $0x70, v6;
	v5 =	vor.u32 v0, v5;
	s26 =	simm.s32 $0x900;
	v2 =	vadd.f32 v7, v2  }
0x144: {  	v1 =	vld.idx.msk [tilespmem:v1+s16+$0x0], $0xffff;
	v6 =	vor.u32 s26, v6;
	v7 =	vshll.u32 v8, $0x4  }
0x145: {  	s31 =	simm.s32 $0x980;
	v6 =	vor.u32 v0, v6;
	v7 =	vand.u32 $0x70, v7;
	v2 =	vadd.f32 v36, v2  }
0x146: {  	v4 =	vld.idx.msk [tilespmem:v4+s16+$0x0], $0xffff;
	v7 =	vor.u32 s31, v7  }
0x147: {  	v7 =	vor.u32 v0, v7;
	v2 =	vadd.f32 v3, v2  }
0x148: {  	v3 =	vld.idx.msk [tilespmem:v5+s16+$0x0], $0xffff  }
0x149: {  	v1 =	vadd.f32 v1, v2  }
0x14a: {  	v2 =	vld.idx.msk [tilespmem:v6+s16+$0x0], $0xffff  }
0x14b: {  	v1 =	vadd.f32 v4, v1  }
0x14c: {  	v4 =	vld.idx.msk [tilespmem:v7+s16+$0x0], $0xffff  }
0x14d: {  	s1 =	simm.s32 $0xB4;
	v1 =	vadd.f32 v3, v1  }
0x14e: {  	s9 =	simm.s32 $0xB5;
	v3 =	vmov s1  }
0x14f: {  	v5 =	vmov s9;
	v3 =	vand.u32 $0xFFFFFFFC, v3;
	v1 =	vadd.f32 v2, v1  }
0x150: {  	s26 =	simm.s32 $0xB6;
	v2 =	vbroadcast v3, $0x0;
	v3 =	vand.u32 $0xFFFFFFFD, v5  }
0x151: {  	v5 =	vmov s26;
	v3 =	vbroadcast v3, $0x0;
	v1 =	vadd.f32 v4, v1  }
0x152: {  	s9 =	simm.s32 $0xC6;
	v4 =	vand.u32 $0xFFFFFFFE, v5  }
0x153: {  	s28 =	simm.s32 $0xB7;
	v7 =	vmov s9;
	s9 =	simm.s32 $0xB9;
	v4 =	vbroadcast v4, $0x0;
	v1 =	vmul.f32 $5.000000070e-02, v1  }
0x154: {  	v37 =	vmov s28;
	s28 =	simm.s32 $0xBF;
	s31 =	simm.s32 $0xB8;
	v38 =	vmov s9;
	s26 =	simm.s32 $0xA900  }
0x155: {  	v43 =	vmov s28;
	s9 =	simm.s32 $0xC2;
	s1 =	simm.s32 $0xC5;
	v9 =	vand.u32 $0xFFFFFFFD, v38;
	v5 =	vmov s31;
	[tilespmem:s26+$0x0] =	vst v1  }
0x156: {  	v41 =	vmov s9;
	v6 =	vmov s1;
	s31 =	simm.s32 $0xC3;
	v5 =	vand.u32 $0xFFFFFFFC, v5;
	v2 =	vld.idx.msk [tilespmem:v2+s2+$0x0], $0xffff  }
0x157: {  	s9 =	simm.s32 $0xBC;
	s1 =	simm.s32 $0xC1;
	v9 =	vbroadcast v9, $0x0;
	v5 =	vbroadcast v5, $0x0;
	v1 =	vmov s31;
	s31 =	simm.s32 $0xC4;
	v3 =	vld.idx.msk [tilespmem:v3+s2+$0x0], $0xffff  }
0x158: {  	v44 =	vmov s9;
	s9 =	simm.s32 $0xBE;
	v40 =	vmov s1;
	v39 =	vmov s31;
	s31 =	simm.s32 $0xBA  }
0x159: {  	v15 =	vand.u32 $0xFFFFFFFC, v44;
	v46 =	vmov s9;
	s9 =	simm.s32 $0xBB;
	v42 =	vmov s31;
	v4 =	vld.idx.msk [tilespmem:v4+s2+$0x0], $0xffff  }
0x15a: {  	v15 =	vbroadcast v15, $0x0;
	v48 =	vmov s9;
	s31 =	simm.s32 $0xC0;
	v13 =	vand.u32 $0xFFFFFFFE, v42  }
0x15b: {  	v8 =	vld.idx.msk [tilespmem:v37+s2+$0x0], $0xffff;
	v45 =	vmov s31;
	s31 =	simm.s32 $0xBD;
	v13 =	vbroadcast v13, $0x0;
	v2 =	vshll.u32 v2, $0x4  }
0x15c: {  	v47 =	vmov s31;
	s31 =	simm.s32 $0xA00;
	v3 =	vshll.u32 v3, $0x4;
	v2 =	vand.u32 $0x70, v2  }
0x15d: {  	s1 =	simm.s32 $0xA80;
	v17 =	vand.u32 $0xFFFFFFFE, v46;
	v5 =	vld.idx.msk [tilespmem:v5+s2+$0x0], $0xffff;
	v3 =	vand.u32 $0x70, v3;
	v2 =	vor.u32 s31, v2  }
0x15e: {  	v3 =	vor.u32 s1, v3;
	v4 =	vshll.u32 v4, $0x4;
	v2 =	vor.u32 v0, v2  }
0x15f: {  	s9 =	simm.s32 $0xB00;
	v17 =	vbroadcast v17, $0x0;
	v9 =	vld.idx.msk [tilespmem:v9+s2+$0x0], $0xffff;
	v3 =	vor.u32 v0, v3;
	v4 =	vand.u32 $0x70, v4  }
0x160: {  	v19 =	vld.idx.msk [tilespmem:v48+s2+$0x0], $0xffff;
	v18 =	vand.u32 $0xFFFFFFFD, v47;
	v8 =	vshll.u32 v8, $0x4;
	v4 =	vor.u32 s9, v4  }
0x161: {  	v18 =	vbroadcast v18, $0x0;
	v8 =	vand.u32 $0x70, v8;
	s31 =	simm.s32 $0xB80;
	v13 =	vld.idx.msk [tilespmem:v13+s2+$0x0], $0xffff;
	v4 =	vor.u32 v0, v4  }
0x162: {  	v7 =	vand.u32 $0xFFFFFFFE, v7;
	v15 =	vld.idx.msk [tilespmem:v15+s2+$0x0], $0xffff;
	v8 =	vor.u32 s31, v8;
	v5 =	vshll.u32 v5, $0x4  }
0x163: {  	v12 =	vand.u32 $0xFFFFFFFE, v41;
	s1 =	simm.s32 $0xC00;
	v8 =	vor.u32 v0, v8;
	v5 =	vand.u32 $0x70, v5;
	v2 =	vld.idx.msk [tilespmem:v2+s16+$0x0], $0xffff  }
0x164: {  	v11 =	vand.u32 $0xFFFFFFFD, v40;
	v9 =	vshll.u32 v9, $0x4;
	v5 =	vor.u32 s1, v5;
	v3 =	vld.idx.msk [tilespmem:v3+s16+$0x0], $0xffff  }
0x165: {  	v11 =	vbroadcast v11, $0x0;
	v17 =	vld.idx.msk [tilespmem:v17+s2+$0x0], $0xffff;
	v9 =	vand.u32 $0x70, v9;
	s9 =	simm.s32 $0xC80;
	v5 =	vor.u32 v0, v5  }
0x166: {  	v16 =	vand.u32 $0xFFFFFFFC, v45;
	v9 =	vor.u32 s9, v9;
	v13 =	vshll.u32 v13, $0x4;
	v4 =	vld.idx.msk [tilespmem:v4+s16+$0x0], $0xffff  }
0x167: {  	v16 =	vbroadcast v16, $0x0;
	s31 =	simm.s32 $0xD00;
	v18 =	vld.idx.msk [tilespmem:v18+s2+$0x0], $0xffff;
	v9 =	vor.u32 v0, v9;
	v13 =	vand.u32 $0x70, v13  }
0x168: {  	v19 =	vshll.u32 v19, $0x4;
	v15 =	vshll.u32 v15, $0x4;
	v8 =	vld.idx.msk [tilespmem:v8+s16+$0x0], $0xffff;
	v13 =	vor.u32 s31, v13  }
0x169: {  	v19 =	vand.u32 $0x70, v19;
	s1 =	simm.s32 $0xD80;
	v13 =	vor.u32 v0, v13;
	v2 =	vadd.f32 v3, v2  }
0x16a: {  	v6 =	vand.u32 $0xFFFFFFFD, v6;
	v15 =	vand.u32 $0x70, v15;
	v49 =	vor.u32 s1, v19;
	v5 =	vld.idx.msk [tilespmem:v5+s16+$0x0], $0xffff  }
0x16b: {  	v14 =	vld.idx.msk [tilespmem:v43+s2+$0x0], $0xffff;
	s9 =	simm.s32 $0xE00;
	v3 =	vbroadcast v12, $0x0;
	v12 =	vor.u32 v0, v49;
	v2 =	vadd.f32 v4, v2  }
0x16c: {  	v54 =	vshll.u32 v17, $0x4;
	v50 =	vor.u32 s9, v15;
	v9 =	vld.idx.msk [tilespmem:v9+s16+$0x0], $0xffff;
	v51 =	vshll.u32 v18, $0x4  }
0x16d: {  	v16 =	vld.idx.msk [tilespmem:v16+s2+$0x0], $0xffff;
	v10 =	vor.u32 v0, v50;
	s31 =	simm.s32 $0xE80;
	v15 =	vand.u32 $0x70, v51;
	v2 =	vadd.f32 v8, v2  }
0x16e: {  	v53 =	vor.u32 s31, v15;
	v15 =	vand.u32 $0x70, v54;
	v4 =	vand.u32 $0xFFFFFFFC, v39;
	v52 =	vld.idx.msk [tilespmem:v13+s16+$0x0], $0xffff  }
0x16f: {  	v11 =	vld.idx.msk [tilespmem:v11+s2+$0x0], $0xffff;
	s1 =	simm.s32 $0xF00;
	v4 =	vbroadcast v4, $0x0;
	v13 =	vor.u32 v0, v53;
	v2 =	vadd.f32 v5, v2  }
0x170: {  	v14 =	vshll.u32 v14, $0x4;
	v55 =	vor.u32 s1, v15;
	v5 =	vbroadcast v6, $0x0;
	v6 =	vld.idx.msk [tilespmem:v12+s16+$0x0], $0xffff  }
0x171: {  	v14 =	vand.u32 $0x70, v14;
	s9 =	simm.s32 $0xF80;
	v3 =	vld.idx.msk [tilespmem:v3+s2+$0x0], $0xffff;
	v12 =	vor.u32 v0, v55;
	v2 =	vadd.f32 v9, v2  }
0x172: {  	v7 =	vbroadcast v7, $0x0;
	v57 =	vor.u32 s9, v14;
	v58 =	vshll.u32 v16, $0x4;
	v56 =	vld.idx.msk [tilespmem:v10+s16+$0x0], $0xffff  }
0x173: {  	v1 =	vld.idx.msk [tilespmem:v1+s2+$0x0], $0xffff;
	v14 =	vand.u32 $0x70, v58;
	v10 =	vor.u32 v0, v57;
	s31 =	simm.s32 $0x1000;
	v2 =	vadd.f32 v52, v2  }
0x174: {  	v11 =	vshll.u32 v11, $0x4;
	v60 =	vor.u32 s31, v14;
	v59 =	vld.idx.msk [tilespmem:v13+s16+$0x0], $0xffff  }
0x175: {  	v11 =	vand.u32 $0x70, v11;
	s9 =	simm.s32 $0x1080;
	s1 =	simm.s32 $0xC7;
	v4 =	vld.idx.msk [tilespmem:v4+s2+$0x0], $0xffff;
	v13 =	vor.u32 v0, v60;
	v2 =	vadd.f32 v6, v2  }
0x176: {  	v11 =	vor.u32 s9, v11;
	v12 =	vld.idx.msk [tilespmem:v12+s16+$0x0], $0xffff;
	v3 =	vshll.u32 v3, $0x4;
	v6 =	vmov s1  }
0x177: {  	v11 =	vor.u32 v0, v11;
	s31 =	simm.s32 $0x1100;
	v5 =	vld.idx.msk [tilespmem:v5+s2+$0x0], $0xffff;
	v3 =	vand.u32 $0x70, v3;
	v2 =	vadd.f32 v56, v2  }
0x178: {  	v1 =	vshll.u32 v1, $0x4;
	v61 =	vld.idx.msk [tilespmem:v10+s16+$0x0], $0xffff;
	v3 =	vor.u32 s31, v3  }
0x179: {  	v7 =	vld.idx.msk [tilespmem:v7+s2+$0x0], $0xffff;
	v1 =	vand.u32 $0x70, v1;
	s1 =	simm.s32 $0x1180;
	v3 =	vor.u32 v0, v3;
	v2 =	vadd.f32 v59, v2  }
0x17a: {  	v1 =	vor.u32 s1, v1;
	v62 =	vld.idx.msk [tilespmem:v13+s16+$0x0], $0xffff;
	v4 =	vshll.u32 v4, $0x4  }
0x17b: {  	s9 =	simm.s32 $0x1200;
	v1 =	vor.u32 v0, v1;
	v4 =	vand.u32 $0x70, v4;
	v6 =	vld.idx.msk [tilespmem:v6+s2+$0x0], $0xffff;
	v2 =	vadd.f32 v12, v2  }
0x17c: {  	v63 =	vld.idx.msk [tilespmem:v11+s16+$0x0], $0xffff;
	v4 =	vor.u32 s9, v4;
	v5 =	vshll.u32 v5, $0x4  }
0x17d: {  	s31 =	simm.s32 $0x1280;
	v4 =	vor.u32 v0, v4;
	v5 =	vand.u32 $0x70, v5;
	v2 =	vadd.f32 v61, v2  }
0x17e: {  	v7 =	vshll.u32 v7, $0x4;
	v3 =	vld.idx.msk [tilespmem:v3+s16+$0x0], $0xffff;
	v5 =	vor.u32 s31, v5  }
0x17f: {  	v7 =	vand.u32 $0x70, v7;
	s1 =	simm.s32 $0x1300;
	v5 =	vor.u32 v0, v5;
	v2 =	vadd.f32 v62, v2  }
0x180: {  	v7 =	vor.u32 s1, v7;
	v1 =	vld.idx.msk [tilespmem:v1+s16+$0x0], $0xffff;
	v6 =	vshll.u32 v6, $0x4  }
0x181: {  	v7 =	vor.u32 v0, v7;
	s9 =	simm.s32 $0x1380;
	v6 =	vand.u32 $0x70, v6;
	v2 =	vadd.f32 v63, v2  }
0x182: {  	v4 =	vld.idx.msk [tilespmem:v4+s16+$0x0], $0xffff;
	v6 =	vor.u32 s9, v6  }
0x183: {  	v2 =	vadd.f32 v3, v2;
	v3 =	vor.u32 v0, v6  }
0x184: {  	v5 =	vld.idx.msk [tilespmem:v5+s16+$0x0], $0xffff  }
0x185: {  	v1 =	vadd.f32 v1, v2  }
0x186: {  	v2 =	vld.idx.msk [tilespmem:v7+s16+$0x0], $0xffff  }
0x187: {  	v4 =	vadd.f32 v4, v1  }
0x188: {  	v1 =	vld.idx.msk [tilespmem:v3+s16+$0x0], $0xffff  }
0x189: {  	s31 =	simm.s32 $0xC8;
	v3 =	vadd.f32 v5, v4  }
0x18a: {  	s30 =	simm.s32 $0xC9;
	s29 =	simm.s32 $0xEF;
	s28 =	simm.s32 $0xDB;
	v4 =	vmov s31  }
.LBB2_6:
0x18b: {  	p0 =	sne.s32 s29, $0x13F;
	v4 =	vand.u32 $0xFFFFFFFC, v4;
	v5 =	vmov s30;
	v2 =	vadd.f32 v2, v3  }
0x18c: {  	s0 =	sadd.s32 $0xFFFFFFEF, s28;
	v3 =	vbroadcast v4, $0x0;
	v4 =	vand.u32 $0xFFFFFFFD, v5  }
0x18d: {  	v5 =	vmov s0;
	v4 =	vbroadcast v4, $0x0;
	v1 =	vadd.f32 v1, v2  }
0x18e: {  	v2 =	vand.u32 $0xFFFFFFFE, v5  }
0x18f: {  	s26 =	sadd.s32 $0x80, s26;
	v2 =	vbroadcast v2, $0x0;
	v1 =	vmul.f32 $5.000000070e-02, v1  }
0x190: {  	s1 =	sadd.s32 $0xFFFFFFFE, s28;
	s9 =	sadd.s32 $0xFFFFFFFF, s28;
	s0 =	sadd.s32 $0xFFFFFFF1, s28  }
0x191: {  	s30 =	sadd.s32 $0xFFFFFFF0, s28;
	v6 =	vmov s1;
	v7 =	vmov s9;
	v5 =	vmov s0;
	s0 =	sadd.s32 $0xFFFFFFFC, s28;
	[tilespmem:s26+$0x0] =	vst v1  }
0x192: {  	v8 =	vmov s30;
	s1 =	sadd.s32 $0xFFFFFFF2, s28;
	v5 =	vand.u32 $0xFFFFFFFC, v5;
	v1 =	vmov s0;
	s0 =	sadd.s32 $0xFFFFFFFD, s28;
	v3 =	vld.idx.msk [tilespmem:v3+s2+$0x0], $0xffff  }
0x193: {  	s9 =	sadd.s32 $0xFFFFFFFB, s28;
	v9 =	vmov s1;
	s1 =	sadd.s32 $0xFFFFFFFA, s28;
	v5 =	vbroadcast v5, $0x0;
	v10 =	vmov s0;
	v4 =	vld.idx.msk [tilespmem:v4+s2+$0x0], $0xffff  }
0x194: {  	s30 =	sadd.s32 $0xFFFFFFF8, s28;
	v12 =	vmov s9;
	v9 =	vand.u32 $0xFFFFFFFD, v9;
	v11 =	vmov s1;
	s0 =	sadd.s32 $0xFFFFFFF3, s28  }
0x195: {  	v14 =	vmov s30;
	s1 =	sadd.s32 $0xFFFFFFF9, s28;
	v9 =	vbroadcast v9, $0x0;
	v13 =	vmov s0;
	s0 =	sadd.s32 $0xFFFFFFF5, s28;
	v2 =	vld.idx.msk [tilespmem:v2+s2+$0x0], $0xffff  }
0x196: {  	v16 =	vmov s1;
	v13 =	vand.u32 $0xFFFFFFFE, v13;
	v15 =	vmov s0;
	s0 =	sadd.s32 $0xFFFFFFF7, s28  }
0x197: {  	s1 =	sadd.s32 $0xFFFFFFF6, s28;
	v13 =	vbroadcast v13, $0x0;
	v15 =	vand.u32 $0xFFFFFFFC, v15;
	v17 =	vmov s0;
	v8 =	vld.idx.msk [tilespmem:v8+s2+$0x0], $0xffff  }
0x198: {  	s30 =	sshll.u32 s28, $0x7;
	v18 =	vmov s1;
	s0 =	sadd.s32 $0xFFFFFFF4, s28;
	v15 =	vbroadcast v15, $0x0;
	v3 =	vshll.u32 v3, $0x4  }
0x199: {  	s1 =	sadd.s32 $0xFFFFA680, s30;
	v19 =	vmov s0;
	v3 =	vand.u32 $0x70, v3;
	v4 =	vshll.u32 v4, $0x4;
	v5 =	vld.idx.msk [tilespmem:v5+s2+$0x0], $0xffff  }
0x19a: {  	v18 =	vand.u32 $0xFFFFFFFD, v18;
	s0 =	sadd.s32 $0xFFFFA700, s30;
	v3 =	vor.u32 s1, v3;
	v4 =	vand.u32 $0x70, v4  }
0x19b: {  	v3 =	vor.u32 v0, v3;
	v4 =	vor.u32 s0, v4;
	v2 =	vshll.u32 v2, $0x4;
	v9 =	vld.idx.msk [tilespmem:v9+s2+$0x0], $0xffff  }
0x19c: {  	v18 =	vbroadcast v18, $0x0;
	s0 =	sadd.s32 $0xFFFFA780, s30;
	v4 =	vor.u32 v0, v4;
	v2 =	vand.u32 $0x70, v2  }
0x19d: {  	v17 =	vand.u32 $0xFFFFFFFE, v17;
	v2 =	vor.u32 s0, v2;
	v8 =	vshll.u32 v8, $0x4;
	v13 =	vld.idx.msk [tilespmem:v13+s2+$0x0], $0xffff  }
0x19e: {  	v17 =	vbroadcast v17, $0x0;
	s0 =	sadd.s32 $0xFFFFA800, s30;
	v2 =	vor.u32 v0, v2;
	v8 =	vand.u32 $0x70, v8;
	v15 =	vld.idx.msk [tilespmem:v15+s2+$0x0], $0xffff  }
0x19f: {  	v7 =	vand.u32 $0xFFFFFFFE, v7;
	v8 =	vor.u32 s0, v8;
	v5 =	vshll.u32 v5, $0x4;
	v19 =	vld.idx.msk [tilespmem:v19+s2+$0x0], $0xffff  }
0x1a0: {  	v6 =	vand.u32 $0xFFFFFFFD, v6;
	s0 =	sadd.s32 $0xFFFFA880, s30;
	v8 =	vor.u32 v0, v8;
	v5 =	vand.u32 $0x70, v5;
	v3 =	vld.idx.msk [tilespmem:v3+s16+$0x0], $0xffff  }
0x1a1: {  	v16 =	vand.u32 $0xFFFFFFFC, v16;
	v5 =	vor.u32 s0, v5;
	v9 =	vshll.u32 v9, $0x4;
	v4 =	vld.idx.msk [tilespmem:v4+s16+$0x0], $0xffff  }
0x1a2: {  	v16 =	vbroadcast v16, $0x0;
	s0 =	sadd.s32 $0xFFFFA900, s30;
	v5 =	vor.u32 v0, v5;
	v9 =	vand.u32 $0x70, v9;
	v18 =	vld.idx.msk [tilespmem:v18+s2+$0x0], $0xffff  }
0x1a3: {  	v11 =	vand.u32 $0xFFFFFFFD, v11;
	v9 =	vor.u32 s0, v9;
	v13 =	vshll.u32 v13, $0x4;
	v2 =	vld.idx.msk [tilespmem:v2+s16+$0x0], $0xffff  }
0x1a4: {  	v11 =	vbroadcast v11, $0x0;
	s0 =	sadd.s32 $0xFFFFA980, s30;
	v9 =	vor.u32 v0, v9;
	v13 =	vand.u32 $0x70, v13;
	v17 =	vld.idx.msk [tilespmem:v17+s2+$0x0], $0xffff  }
0x1a5: {  	v12 =	vand.u32 $0xFFFFFFFE, v12;
	v13 =	vor.u32 s0, v13;
	v19 =	vshll.u32 v19, $0x4;
	v8 =	vld.idx.msk [tilespmem:v8+s16+$0x0], $0xffff  }
0x1a6: {  	v12 =	vbroadcast v12, $0x0;
	s0 =	sadd.s32 $0xFFFFAA00, s30;
	v13 =	vor.u32 v0, v13;
	v19 =	vand.u32 $0x70, v19;
	v14 =	vld.idx.msk [tilespmem:v14+s2+$0x0], $0xffff  }
0x1a7: {  	v15 =	vshll.u32 v15, $0x4;
	v3 =	vadd.f32 v4, v3;
	v4 =	vld.idx.msk [tilespmem:v5+s16+$0x0], $0xffff;
	v5 =	vor.u32 s0, v19  }
0x1a8: {  	v10 =	vand.u32 $0xFFFFFFFC, v10;
	v15 =	vand.u32 $0x70, v15;
	s0 =	sadd.s32 $0xFFFFAA80, s30;
	v5 =	vor.u32 v0, v5;
	v16 =	vld.idx.msk [tilespmem:v16+s2+$0x0], $0xffff  }
0x1a9: {  	v2 =	vadd.f32 v2, v3;
	v3 =	vld.idx.msk [tilespmem:v9+s16+$0x0], $0xffff;
	v9 =	vor.u32 s0, v15;
	v15 =	vshll.u32 v18, $0x4  }
0x1aa: {  	v10 =	vbroadcast v10, $0x0;
	s0 =	sadd.s32 $0xFFFFAB00, s30;
	v9 =	vor.u32 v0, v9;
	v15 =	vand.u32 $0x70, v15;
	v11 =	vld.idx.msk [tilespmem:v11+s2+$0x0], $0xffff  }
0x1ab: {  	v2 =	vadd.f32 v8, v2;
	v8 =	vld.idx.msk [tilespmem:v13+s16+$0x0], $0xffff;
	v13 =	vor.u32 s0, v15;
	v15 =	vshll.u32 v17, $0x4  }
0x1ac: {  	v6 =	vbroadcast v6, $0x0;
	s0 =	sadd.s32 $0xFFFFAB80, s30;
	v13 =	vor.u32 v0, v13;
	v15 =	vand.u32 $0x70, v15;
	v12 =	vld.idx.msk [tilespmem:v12+s2+$0x0], $0xffff  }
0x1ad: {  	v14 =	vshll.u32 v14, $0x4;
	v2 =	vadd.f32 v4, v2;
	v4 =	vld.idx.msk [tilespmem:v5+s16+$0x0], $0xffff;
	v5 =	vor.u32 s0, v15  }
0x1ae: {  	v7 =	vbroadcast v7, $0x0;
	v14 =	vand.u32 $0x70, v14;
	s0 =	sadd.s32 $0xFFFFAC00, s30;
	v5 =	vor.u32 v0, v5;
	v1 =	vld.idx.msk [tilespmem:v1+s2+$0x0], $0xffff  }
0x1af: {  	v2 =	vadd.f32 v3, v2;
	v3 =	vld.idx.msk [tilespmem:v9+s16+$0x0], $0xffff;
	v9 =	vor.u32 s0, v14;
	v14 =	vshll.u32 v16, $0x4  }
0x1b0: {  	v15 =	vmov s28;
	s28 =	smov.u32 s29;
	s0 =	sadd.s32 $0xFFFFAC80, s30;
	v9 =	vor.u32 v0, v9;
	v14 =	vand.u32 $0x70, v14;
	v10 =	vld.idx.msk [tilespmem:v10+s2+$0x0], $0xffff  }
0x1b1: {  	v11 =	vshll.u32 v11, $0x4;
	v2 =	vadd.f32 v8, v2;
	v8 =	vld.idx.msk [tilespmem:v13+s16+$0x0], $0xffff;
	v13 =	vor.u32 s0, v14  }
0x1b2: {  	v11 =	vand.u32 $0x70, v11;
	s0 =	sadd.s32 $0xFFFFAD00, s30;
	v13 =	vor.u32 v0, v13;
	v6 =	vld.idx.msk [tilespmem:v6+s2+$0x0], $0xffff  }
0x1b3: {  	v2 =	vadd.f32 v4, v2;
	v4 =	vld.idx.msk [tilespmem:v5+s16+$0x0], $0xffff;
	v5 =	vor.u32 s0, v11;
	v11 =	vshll.u32 v12, $0x4  }
0x1b4: {  	s0 =	sadd.s32 $0xFFFFAD80, s30;
	v5 =	vor.u32 v0, v5;
	v11 =	vand.u32 $0x70, v11;
	v7 =	vld.idx.msk [tilespmem:v7+s2+$0x0], $0xffff  }
0x1b5: {  	v1 =	vshll.u32 v1, $0x4;
	v2 =	vadd.f32 v3, v2;
	v3 =	vld.idx.msk [tilespmem:v9+s16+$0x0], $0xffff;
	v9 =	vor.u32 s0, v11  }
0x1b6: {  	v1 =	vand.u32 $0x70, v1;
	s0 =	sadd.s32 $0xFFFFAE00, s30;
	v9 =	vor.u32 v0, v9;
	v11 =	vld.idx.msk [tilespmem:v15+s2+$0x0], $0xffff  }
0x1b7: {  	v10 =	vshll.u32 v10, $0x4;
	v2 =	vadd.f32 v8, v2;
	v1 =	vor.u32 s0, v1;
	v8 =	vld.idx.msk [tilespmem:v13+s16+$0x0], $0xffff  }
0x1b8: {  	v10 =	vand.u32 $0x70, v10;
	s0 =	sadd.s32 $0xFFFFAE80, s30;
	v1 =	vor.u32 v0, v1  }
0x1b9: {  	v6 =	vshll.u32 v6, $0x4;
	v2 =	vadd.f32 v4, v2;
	v4 =	vld.idx.msk [tilespmem:v5+s16+$0x0], $0xffff;
	v5 =	vor.u32 s0, v10  }
0x1ba: {  	v6 =	vand.u32 $0x70, v6;
	s0 =	sadd.s32 $0xFFFFAF00, s30;
	v5 =	vor.u32 v0, v5  }
0x1bb: {  	v7 =	vshll.u32 v7, $0x4;
	v2 =	vadd.f32 v3, v2;
	v6 =	vor.u32 s0, v6;
	v3 =	vld.idx.msk [tilespmem:v9+s16+$0x0], $0xffff  }
0x1bc: {  	v7 =	vand.u32 $0x70, v7;
	s0 =	sadd.s32 $0xFFFFAF80, s30;
	v6 =	vor.u32 v0, v6  }
0x1bd: {  	v7 =	vor.u32 s0, v7;
	v2 =	vadd.f32 v8, v2;
	v8 =	vshll.u32 v11, $0x4;
	v1 =	vld.idx.msk [tilespmem:v1+s16+$0x0], $0xffff  }
0x1be: {  	s0 =	sadd.s32 $0xFFFFB000, s30;
	v7 =	vor.u32 v0, v7;
	v8 =	vand.u32 $0x70, v8  }
0x1bf: {  	v2 =	vadd.f32 v4, v2;
	v4 =	vld.idx.msk [tilespmem:v5+s16+$0x0], $0xffff;
	v5 =	vor.u32 s0, v8  }
0x1c0: {  	v5 =	vor.u32 v0, v5  }
0x1c1: {  	v2 =	vadd.f32 v3, v2;
	v3 =	vld.idx.msk [tilespmem:v6+s16+$0x0], $0xffff;
	_ =	sdelay $0x1  }
0x1c2: {  	v1 =	vadd.f32 v1, v2;
	v2 =	vld.idx.msk [tilespmem:v7+s16+$0x0], $0xffff  }
.Ltmp2:
0x1c3: {  	(pc) =	sbr.rel @p0 .LBB2_6-.Ltmp2, $3  }
0x1c4: {  	v4 =	vadd.f32 v4, v1;
	v1 =	vld.idx.msk [tilespmem:v5+s16+$0x0], $0xffff;
	_ =	sdelay $0x1  }
0x1c5: {  	s0 =	sadd.s32 $0xFFFFFFED, s29;
	v3 =	vadd.f32 v3, v4  }
0x1c6: {  	s30 =	sadd.s32 $0xFFFFFFEE, s28;
	s29 =	sadd.s32 $0x14, s29;
	v4 =	vmov s0  }
0x1c7: {  	v4 =	vand.u32 $0xFFFFFFFC, v4;
	v5 =	vmov s30;
	v2 =	vadd.f32 v2, v3  }
0x1c8: {  	s0 =	sadd.s32 $0xFFFFFFEF, s28;
	v3 =	vbroadcast v4, $0x0;
	v4 =	vand.u32 $0xFFFFFFFD, v5  }
0x1c9: {  	v5 =	vmov s0;
	v4 =	vbroadcast v4, $0x0;
	v1 =	vadd.f32 v1, v2  }
0x1ca: {  	s31 =	sadd.s32 $0xFFFFFFF1, s28;
	v2 =	vand.u32 $0xFFFFFFFE, v5  }
0x1cb: {  	s1 =	sadd.s32 $0xFFFFFFFE, s28;
	s9 =	sadd.s32 $0xFFFFFFFF, s28;
	s29 =	sadd.s32 $0xFFFFFFF0, s28;
	v2 =	vbroadcast v2, $0x0;
	v1 =	vmul.f32 $5.000000070e-02, v1  }
0x1cc: {  	s26 =	sadd.s32 $0x80, s26;
	v6 =	vmov s1;
	v7 =	vmov s9;
	v8 =	vmov s29;
	s9 =	sadd.s32 $0xFFFFFFF2, s28;
	s1 =	sadd.s32 $0xFFFFFFFA, s28  }
0x1cd: {  	s29 =	sadd.s32 $0xFFFFFFF8, s28;
	v5 =	vmov s31;
	v9 =	vmov s9;
	v11 =	vmov s1;
	[tilespmem:s26+$0x0] =	vst v1  }
0x1ce: {  	s31 =	sadd.s32 $0xFFFFFFFC, s28;
	s9 =	sadd.s32 $0xFFFFFFFB, s28;
	v14 =	vmov s29;
	v5 =	vand.u32 $0xFFFFFFFC, v5;
	v9 =	vand.u32 $0xFFFFFFFD, v9;
	v3 =	vld.idx.msk [tilespmem:v3+s2+$0x0], $0xffff  }
0x1cf: {  	v12 =	vmov s9;
	s9 =	sadd.s32 $0xFFFFFFF5, s28;
	v5 =	vbroadcast v5, $0x0;
	v1 =	vmov s31;
	s31 =	sadd.s32 $0xFFFFFFFD, s28;
	v4 =	vld.idx.msk [tilespmem:v4+s2+$0x0], $0xffff  }
0x1d0: {  	v9 =	vbroadcast v9, $0x0;
	v15 =	vmov s9;
	s9 =	sadd.s32 $0xFFFFFFF7, s28;
	v10 =	vmov s31;
	s31 =	sadd.s32 $0xFFFFFFF3, s28  }
0x1d1: {  	v15 =	vand.u32 $0xFFFFFFFC, v15;
	v17 =	vmov s9;
	s9 =	sadd.s32 $0xFFFFFFF4, s28;
	v13 =	vmov s31;
	v2 =	vld.idx.msk [tilespmem:v2+s2+$0x0], $0xffff  }
0x1d2: {  	v15 =	vbroadcast v15, $0x0;
	v19 =	vmov s9;
	s31 =	sadd.s32 $0xFFFFFFF9, s28;
	v13 =	vand.u32 $0xFFFFFFFE, v13  }
0x1d3: {  	s29 =	sshll.u32 s28, $0x7;
	v8 =	vld.idx.msk [tilespmem:v8+s2+$0x0], $0xffff;
	v16 =	vmov s31;
	s31 =	sadd.s32 $0xFFFFFFF6, s28;
	v13 =	vbroadcast v13, $0x0;
	v3 =	vshll.u32 v3, $0x4  }
0x1d4: {  	v18 =	vmov s31;
	s31 =	sadd.s32 $0xFFFFA680, s29;
	v3 =	vand.u32 $0x70, v3;
	v4 =	vshll.u32 v4, $0x4  }
0x1d5: {  	s9 =	sadd.s32 $0xFFFFA700, s29;
	v5 =	vld.idx.msk [tilespmem:v5+s2+$0x0], $0xffff;
	v18 =	vand.u32 $0xFFFFFFFD, v18;
	v3 =	vor.u32 s31, v3;
	v4 =	vand.u32 $0x70, v4  }
0x1d6: {  	v2 =	vshll.u32 v2, $0x4;
	v3 =	vor.u32 v0, v3;
	v4 =	vor.u32 s9, v4  }
0x1d7: {  	v9 =	vld.idx.msk [tilespmem:v9+s2+$0x0], $0xffff;
	v18 =	vbroadcast v18, $0x0;
	s31 =	sadd.s32 $0xFFFFA780, s29;
	v2 =	vand.u32 $0x70, v2;
	v4 =	vor.u32 v0, v4  }
0x1d8: {  	v17 =	vand.u32 $0xFFFFFFFE, v17;
	v19 =	vld.idx.msk [tilespmem:v19+s2+$0x0], $0xffff;
	v8 =	vshll.u32 v8, $0x4;
	v2 =	vor.u32 s31, v2  }
0x1d9: {  	s1 =	sadd.s32 $0xFFFFA800, s29;
	v17 =	vbroadcast v17, $0x0;
	v8 =	vand.u32 $0x70, v8;
	v13 =	vld.idx.msk [tilespmem:v13+s2+$0x0], $0xffff;
	v2 =	vor.u32 v0, v2  }
0x1da: {  	v7 =	vand.u32 $0xFFFFFFFE, v7;
	v15 =	vld.idx.msk [tilespmem:v15+s2+$0x0], $0xffff;
	v8 =	vor.u32 s1, v8;
	v5 =	vshll.u32 v5, $0x4  }
0x1db: {  	v11 =	vand.u32 $0xFFFFFFFD, v11;
	v8 =	vor.u32 v0, v8;
	s9 =	sadd.s32 $0xFFFFA880, s29;
	v5 =	vand.u32 $0x70, v5;
	v3 =	vld.idx.msk [tilespmem:v3+s16+$0x0], $0xffff  }
0x1dc: {  	v11 =	vbroadcast v11, $0x0;
	v9 =	vshll.u32 v9, $0x4;
	v5 =	vor.u32 s9, v5;
	v4 =	vld.idx.msk [tilespmem:v4+s16+$0x0], $0xffff  }
0x1dd: {  	v16 =	vand.u32 $0xFFFFFFFC, v16;
	v9 =	vand.u32 $0x70, v9;
	s31 =	sadd.s32 $0xFFFFA900, s29;
	v5 =	vor.u32 v0, v5;
	v18 =	vld.idx.msk [tilespmem:v18+s2+$0x0], $0xffff  }
0x1de: {  	v16 =	vbroadcast v16, $0x0;
	v9 =	vor.u32 s31, v9;
	v13 =	vshll.u32 v13, $0x4;
	v2 =	vld.idx.msk [tilespmem:v2+s16+$0x0], $0xffff  }
0x1df: {  	v17 =	vld.idx.msk [tilespmem:v17+s2+$0x0], $0xffff;
	s1 =	sadd.s32 $0xFFFFA980, s29;
	v19 =	vshll.u32 v19, $0x4;
	v9 =	vor.u32 v0, v9;
	v13 =	vand.u32 $0x70, v13  }
0x1e0: {  	v12 =	vand.u32 $0xFFFFFFFE, v12;
	v19 =	vand.u32 $0x70, v19;
	v8 =	vld.idx.msk [tilespmem:v8+s16+$0x0], $0xffff;
	v13 =	vor.u32 s1, v13  }
0x1e1: {  	s9 =	sadd.s32 $0xFFFFAA00, s29;
	v15 =	vshll.u32 v15, $0x4;
	v13 =	vor.u32 v0, v13;
	v3 =	vadd.f32 v4, v3  }
0x1e2: {  	v39 =	vor.u32 s9, v19;
	v15 =	vand.u32 $0x70, v15;
	v5 =	vld.idx.msk [tilespmem:v5+s16+$0x0], $0xffff;
	v41 =	vshll.u32 v18, $0x4  }
0x1e3: {  	v14 =	vld.idx.msk [tilespmem:v14+s2+$0x0], $0xffff;
	s31 =	sadd.s32 $0xFFFFAA80, s29;
	v4 =	vbroadcast v12, $0x0;
	v12 =	vor.u32 v0, v39;
	v2 =	vadd.f32 v2, v3  }
0x1e4: {  	v44 =	vshll.u32 v17, $0x4;
	v40 =	vor.u32 s31, v15;
	v9 =	vld.idx.msk [tilespmem:v9+s16+$0x0], $0xffff;
	v15 =	vand.u32 $0x70, v41  }
0x1e5: {  	v16 =	vld.idx.msk [tilespmem:v16+s2+$0x0], $0xffff;
	s1 =	sadd.s32 $0xFFFFAB00, s29;
	v3 =	vand.u32 $0xFFFFFFFC, v10;
	v10 =	vor.u32 v0, v40;
	v2 =	vadd.f32 v8, v2  }
0x1e6: {  	v6 =	vand.u32 $0xFFFFFFFD, v6;
	v43 =	vor.u32 s1, v15;
	v15 =	vand.u32 $0x70, v44;
	v42 =	vld.idx.msk [tilespmem:v13+s16+$0x0], $0xffff  }
0x1e7: {  	v11 =	vld.idx.msk [tilespmem:v11+s2+$0x0], $0xffff;
	s9 =	sadd.s32 $0xFFFFAB80, s29;
	v3 =	vbroadcast v3, $0x0;
	v13 =	vor.u32 v0, v43;
	v2 =	vadd.f32 v5, v2  }
0x1e8: {  	v14 =	vshll.u32 v14, $0x4;
	v45 =	vor.u32 s9, v15;
	v5 =	vbroadcast v6, $0x0;
	v6 =	vld.idx.msk [tilespmem:v12+s16+$0x0], $0xffff  }
0x1e9: {  	v14 =	vand.u32 $0x70, v14;
	s31 =	sadd.s32 $0xFFFFAC00, s29;
	v4 =	vld.idx.msk [tilespmem:v4+s2+$0x0], $0xffff;
	v12 =	vor.u32 v0, v45;
	v2 =	vadd.f32 v9, v2  }
0x1ea: {  	v7 =	vbroadcast v7, $0x0;
	v47 =	vor.u32 s31, v14;
	v48 =	vshll.u32 v16, $0x4;
	v46 =	vld.idx.msk [tilespmem:v10+s16+$0x0], $0xffff  }
0x1eb: {  	v1 =	vld.idx.msk [tilespmem:v1+s2+$0x0], $0xffff;
	v14 =	vand.u32 $0x70, v48;
	s1 =	sadd.s32 $0xFFFFAC80, s29;
	v10 =	vor.u32 v0, v47;
	v2 =	vadd.f32 v42, v2  }
0x1ec: {  	v11 =	vshll.u32 v11, $0x4;
	v50 =	vor.u32 s1, v14;
	v49 =	vld.idx.msk [tilespmem:v13+s16+$0x0], $0xffff  }
0x1ed: {  	v11 =	vand.u32 $0x70, v11;
	s9 =	sadd.s32 $0xFFFFAD00, s29;
	v13 =	vor.u32 v0, v50;
	v3 =	vld.idx.msk [tilespmem:v3+s2+$0x0], $0xffff;
	v2 =	vadd.f32 v6, v2  }
0x1ee: {  	v11 =	vor.u32 s9, v11;
	v12 =	vld.idx.msk [tilespmem:v12+s16+$0x0], $0xffff;
	v4 =	vshll.u32 v4, $0x4;
	v6 =	vmov s28  }
0x1ef: {  	s31 =	sadd.s32 $0xFFFFAD80, s29;
	v11 =	vor.u32 v0, v11;
	v5 =	vld.idx.msk [tilespmem:v5+s2+$0x0], $0xffff;
	v4 =	vand.u32 $0x70, v4;
	v2 =	vadd.f32 v46, v2  }
0x1f0: {  	v1 =	vshll.u32 v1, $0x4;
	v51 =	vld.idx.msk [tilespmem:v10+s16+$0x0], $0xffff;
	v4 =	vor.u32 s31, v4  }
0x1f1: {  	v7 =	vld.idx.msk [tilespmem:v7+s2+$0x0], $0xffff;
	v1 =	vand.u32 $0x70, v1;
	s1 =	sadd.s32 $0xFFFFAE00, s29;
	v4 =	vor.u32 v0, v4;
	v2 =	vadd.f32 v49, v2  }
0x1f2: {  	v1 =	vor.u32 s1, v1;
	v52 =	vld.idx.msk [tilespmem:v13+s16+$0x0], $0xffff;
	v3 =	vshll.u32 v3, $0x4  }
0x1f3: {  	s9 =	sadd.s32 $0xFFFFAE80, s29;
	v1 =	vor.u32 v0, v1;
	v3 =	vand.u32 $0x70, v3;
	v6 =	vld.idx.msk [tilespmem:v6+s2+$0x0], $0xffff;
	v2 =	vadd.f32 v12, v2  }
0x1f4: {  	v53 =	vld.idx.msk [tilespmem:v11+s16+$0x0], $0xffff;
	v3 =	vor.u32 s9, v3;
	v5 =	vshll.u32 v5, $0x4  }
0x1f5: {  	s31 =	sadd.s32 $0xFFFFAF00, s29;
	v3 =	vor.u32 v0, v3;
	v5 =	vand.u32 $0x70, v5;
	v2 =	vadd.f32 v51, v2  }
0x1f6: {  	v7 =	vshll.u32 v7, $0x4;
	v4 =	vld.idx.msk [tilespmem:v4+s16+$0x0], $0xffff;
	v5 =	vor.u32 s31, v5  }
0x1f7: {  	v7 =	vand.u32 $0x70, v7;
	s1 =	sadd.s32 $0xFFFFAF80, s29;
	v5 =	vor.u32 v0, v5;
	v2 =	vadd.f32 v52, v2  }
0x1f8: {  	v7 =	vor.u32 s1, v7;
	v1 =	vld.idx.msk [tilespmem:v1+s16+$0x0], $0xffff;
	v6 =	vshll.u32 v6, $0x4  }
0x1f9: {  	v7 =	vor.u32 v0, v7;
	s9 =	sadd.s32 $0xFFFFB000, s29;
	v6 =	vand.u32 $0x70, v6;
	v2 =	vadd.f32 v53, v2  }
0x1fa: {  	v3 =	vld.idx.msk [tilespmem:v3+s16+$0x0], $0xffff;
	v6 =	vor.u32 s9, v6  }
0x1fb: {  	v6 =	vor.u32 v0, v6;
	v2 =	vadd.f32 v4, v2  }
0x1fc: {  	v4 =	vld.idx.msk [tilespmem:v5+s16+$0x0], $0xffff  }
0x1fd: {  	v1 =	vadd.f32 v1, v2  }
0x1fe: {  	v2 =	vld.idx.msk [tilespmem:v7+s16+$0x0], $0xffff  }
0x1ff: {  	v1 =	vadd.f32 v3, v1  }
0x200: {  	v3 =	vld.idx.msk [tilespmem:v6+s16+$0x0], $0xffff  }
0x201: {  	v1 =	vadd.f32 v4, v1;
	_ =	sdelay $0x1  }
0x202: {  	v1 =	vadd.f32 v2, v1;
	_ =	sdelay $0x1  }
0x203: {  	v1 =	vadd.f32 v3, v1;
	_ =	sdelay $0x1  }
0x204: {  	v1 =	vmul.f32 $5.000000070e-02, v1  }
0x205: {  	s31 =	sadd.s32 $0x80, s26  }
0x206: {  	[tilespmem:s31+$0x0] =	vst v1  }
0x207: {  	s1 =	simm.s32 $0x140;
	_ =	swait.ge [sflag:s14], $0x4000  }
0x208: {  	s9 =	simm.s32 $0x141;
	v1 =	vmov s1;
	[sflag:s14] =	ssyncset.done $0x0  }
0x209: {  	v2 =	vmov s9;
	v1 =	vand.u32 $0xFFFFFFFC, v1;
	[sflag:s14] =	ssyncadd.s32 $0xFFFFC000  }
0x20a: {  	s26 =	simm.s32 $0x142;
	s9 =	simm.s32 $0x152;
	v3 =	vbroadcast v1, $0x0;
	v1 =	vand.u32 $0xFFFFFFFD, v2;
	_ =	swait.ge [sflag:s14], $0x1000  }
0x20b: {  	v6 =	vmov s9;
	s9 =	simm.s32 $0x14E;
	v2 =	vbroadcast v1, $0x0;
	v1 =	vmov s26;
	[sflag:s14] =	ssyncset.done $0x0  }
0x20c: {  	v58 =	vmov s9;
	s9 =	simm.s32 $0x148;
	v1 =	vand.u32 $0xFFFFFFFE, v1;
	[sflag:s14] =	ssyncadd.s32 $0xFFFFF000  }
0x20d: {  	v4 =	vbroadcast v1, $0x0;
	[tilespmem:s16], [sflag:$0x2] =	stream.indirect.gather [hbm4b:s3+s8], $0x80, s22, s8, $0xb8;
	[tilespmem:$0xB500] =	vst v63  }
0x20e: {  	v61 =	vmov s9;
	s9 =	simm.s32 $0x149;
	s31 =	simm.s32 $0x144;
	s26 =	simm.s32 $0x143  }
0x20f: {  	v15 =	vand.u32 $0xFFFFFFFC, v61;
	v21 =	vmov s9;
	v1 =	vmov s31;
	[tilespmem:s18], [sflag:$0x2] =	stream.indirect.gather [hbm4b:s3+s11], $0x80, s23, s11, $0xb8;
	[tilespmem:$0xB500] =	vst v63  }
0x210: {  	v15 =	vbroadcast v15, $0x0;
	s1 =	simm.s32 $0x151;
	v7 =	vmov s26;
	s26 =	simm.s32 $0x145;
	v54 =	vand.u32 $0xFFFFFFFC, v1;
	v3 =	vld.idx.msk [tilespmem:v3+s2+$0x0], $0xffff  }
0x211: {  	v5 =	vmov s1;
	s1 =	simm.s32 $0x14D;
	v55 =	vmov s26;
	v8 =	vbroadcast v54, $0x0;
	v2 =	vld.idx.msk [tilespmem:v2+s2+$0x0], $0xffff  }
0x212: {  	v18 =	vand.u32 $0xFFFFFFFD, v21;
	v57 =	vmov s1;
	s31 =	simm.s32 $0x14F;
	s26 =	simm.s32 $0x146;
	v9 =	vand.u32 $0xFFFFFFFD, v55  }
0x213: {  	v1 =	vmov s31;
	s31 =	simm.s32 $0x150;
	v59 =	vmov s26;
	s26 =	simm.s32 $0x14C;
	v9 =	vbroadcast v9, $0x0;
	v4 =	vld.idx.msk [tilespmem:v4+s2+$0x0], $0xffff  }
0x214: {  	v56 =	vmov s31;
	s31 =	simm.s32 $0x14B;
	v13 =	vand.u32 $0xFFFFFFFE, v59;
	v62 =	vmov s26  }
0x215: {  	v60 =	vmov s31;
	s31 =	simm.s32 $0x14A;
	v13 =	vbroadcast v13, $0x0;
	v7 =	vld.idx.msk [tilespmem:v7+s2+$0x0], $0xffff;
	v3 =	vshll.u32 v3, $0x4  }
0x216: {  	s26 =	simm.s32 $0x147;
	v63 =	vmov s31;
	s31 =	simm.s32 $0x0;
	v2 =	vshll.u32 v2, $0x4;
	v3 =	vand.u32 $0x70, v3  }
0x217: {  	s1 =	simm.s32 $0x80;
	v22 =	vmov s26;
	v8 =	vld.idx.msk [tilespmem:v8+s2+$0x0], $0xffff;
	v2 =	vand.u32 $0x70, v2;
	v3 =	vor.u32 s31, v3  }
0x218: {  	v4 =	vshll.u32 v4, $0x4;
	v2 =	vor.u32 s1, v2;
	v3 =	vor.u32 v0, v3  }
0x219: {  	s9 =	simm.s32 $0x100;
	v18 =	vbroadcast v18, $0x0;
	v9 =	vld.idx.msk [tilespmem:v9+s2+$0x0], $0xffff;
	v4 =	vand.u32 $0x70, v4;
	v2 =	vor.u32 v0, v2  }
0x21a: {  	v17 =	vand.u32 $0xFFFFFFFE, v63;
	v15 =	vld.idx.msk [tilespmem:v15+s2+$0x0], $0xffff;
	v7 =	vshll.u32 v7, $0x4;
	v4 =	vor.u32 s9, v4  }
0x21b: {  	s26 =	simm.s32 $0x180;
	v17 =	vbroadcast v17, $0x0;
	v13 =	vld.idx.msk [tilespmem:v13+s2+$0x0], $0xffff;
	v7 =	vand.u32 $0x70, v7;
	v4 =	vor.u32 v0, v4  }
0x21c: {  	v6 =	vand.u32 $0xFFFFFFFE, v6;
	v19 =	vld.idx.msk [tilespmem:v22+s2+$0x0], $0xffff;
	v7 =	vor.u32 s26, v7;
	v8 =	vshll.u32 v8, $0x4  }
0x21d: {  	v12 =	vand.u32 $0xFFFFFFFE, v58;
	s31 =	simm.s32 $0x200;
	v7 =	vor.u32 v0, v7;
	v8 =	vand.u32 $0x70, v8;
	v3 =	vld.idx.msk [tilespmem:v3+s10+$0x0], $0xffff  }
0x21e: {  	v11 =	vand.u32 $0xFFFFFFFD, v57;
	v9 =	vshll.u32 v9, $0x4;
	v8 =	vor.u32 s31, v8;
	v2 =	vld.idx.msk [tilespmem:v2+s10+$0x0], $0xffff  }
0x21f: {  	v11 =	vbroadcast v11, $0x0;
	v18 =	vld.idx.msk [tilespmem:v18+s2+$0x0], $0xffff;
	s1 =	simm.s32 $0x280;
	v9 =	vand.u32 $0x70, v9;
	v8 =	vor.u32 v0, v8  }
0x220: {  	v16 =	vand.u32 $0xFFFFFFFC, v62;
	v13 =	vshll.u32 v13, $0x4;
	v9 =	vor.u32 s1, v9;
	v4 =	vld.idx.msk [tilespmem:v4+s10+$0x0], $0xffff  }
0x221: {  	v16 =	vbroadcast v16, $0x0;
	v17 =	vld.idx.msk [tilespmem:v17+s2+$0x0], $0xffff;
	s9 =	simm.s32 $0x300;
	v13 =	vand.u32 $0x70, v13;
	v9 =	vor.u32 v0, v9  }
0x222: {  	v15 =	vshll.u32 v15, $0x4;
	v19 =	vshll.u32 v19, $0x4;
	v13 =	vor.u32 s9, v13;
	v7 =	vld.idx.msk [tilespmem:v7+s10+$0x0], $0xffff  }
0x223: {  	s26 =	simm.s32 $0x380;
	v19 =	vand.u32 $0x70, v19;
	v13 =	vor.u32 v0, v13;
	v2 =	vadd.f32 v2, v3  }
0x224: {  	v25 =	vshll.u32 v18, $0x4;
	v15 =	vand.u32 $0x70, v15;
	v23 =	vor.u32 s26, v19;
	v8 =	vld.idx.msk [tilespmem:v8+s10+$0x0], $0xffff  }
0x225: {  	v14 =	vld.idx.msk [tilespmem:v60+s2+$0x0], $0xffff;
	s31 =	simm.s32 $0x400;
	v3 =	vbroadcast v12, $0x0;
	v12 =	vor.u32 v0, v23;
	v2 =	vadd.f32 v4, v2  }
0x226: {  	v5 =	vand.u32 $0xFFFFFFFD, v5;
	v24 =	vor.u32 s31, v15;
	v15 =	vand.u32 $0x70, v25;
	v9 =	vld.idx.msk [tilespmem:v9+s10+$0x0], $0xffff  }
0x227: {  	v16 =	vld.idx.msk [tilespmem:v16+s2+$0x0], $0xffff;
	s1 =	simm.s32 $0x480;
	v10 =	vor.u32 v0, v24;
	v27 =	vshll.u32 v17, $0x4;
	v2 =	vadd.f32 v7, v2  }
0x228: {  	v26 =	vor.u32 s1, v15;
	v15 =	vand.u32 $0x70, v27;
	v4 =	vand.u32 $0xFFFFFFFC, v56;
	v7 =	vld.idx.msk [tilespmem:v13+s10+$0x0], $0xffff  }
0x229: {  	v11 =	vld.idx.msk [tilespmem:v11+s2+$0x0], $0xffff;
	s9 =	simm.s32 $0x500;
	v4 =	vbroadcast v4, $0x0;
	v13 =	vor.u32 v0, v26;
	v2 =	vadd.f32 v8, v2  }
0x22a: {  	v5 =	vbroadcast v5, $0x0;
	v14 =	vshll.u32 v14, $0x4;
	v29 =	vor.u32 s9, v15;
	v28 =	vld.idx.msk [tilespmem:v12+s10+$0x0], $0xffff  }
0x22b: {  	v14 =	vand.u32 $0x70, v14;
	s26 =	simm.s32 $0x580;
	v12 =	vor.u32 v0, v29;
	v3 =	vld.idx.msk [tilespmem:v3+s2+$0x0], $0xffff;
	v2 =	vadd.f32 v9, v2  }
0x22c: {  	v6 =	vbroadcast v6, $0x0;
	v32 =	vshll.u32 v16, $0x4;
	v31 =	vor.u32 s26, v14;
	v30 =	vld.idx.msk [tilespmem:v10+s10+$0x0], $0xffff  }
0x22d: {  	v1 =	vld.idx.msk [tilespmem:v1+s2+$0x0], $0xffff;
	v14 =	vand.u32 $0x70, v32;
	s31 =	simm.s32 $0x600;
	v10 =	vor.u32 v0, v31;
	v2 =	vadd.f32 v7, v2  }
0x22e: {  	v11 =	vshll.u32 v11, $0x4;
	v33 =	vor.u32 s31, v14;
	v7 =	vld.idx.msk [tilespmem:v13+s10+$0x0], $0xffff  }
0x22f: {  	v11 =	vand.u32 $0x70, v11;
	s1 =	simm.s32 $0x153;
	s9 =	simm.s32 $0x680;
	v4 =	vld.idx.msk [tilespmem:v4+s2+$0x0], $0xffff;
	v13 =	vor.u32 v0, v33;
	v2 =	vadd.f32 v28, v2  }
0x230: {  	v34 =	vmov s1;
	v11 =	vor.u32 s9, v11;
	v12 =	vld.idx.msk [tilespmem:v12+s10+$0x0], $0xffff;
	v3 =	vshll.u32 v3, $0x4  }
0x231: {  	v5 =	vld.idx.msk [tilespmem:v5+s2+$0x0], $0xffff;
	s26 =	simm.s32 $0x700;
	v11 =	vor.u32 v0, v11;
	v3 =	vand.u32 $0x70, v3;
	v2 =	vadd.f32 v30, v2  }
0x232: {  	v1 =	vshll.u32 v1, $0x4;
	v35 =	vld.idx.msk [tilespmem:v10+s10+$0x0], $0xffff;
	v3 =	vor.u32 s26, v3  }
0x233: {  	v6 =	vld.idx.msk [tilespmem:v6+s2+$0x0], $0xffff;
	v1 =	vand.u32 $0x70, v1;
	s31 =	simm.s32 $0x780;
	v3 =	vor.u32 v0, v3;
	v2 =	vadd.f32 v7, v2  }
0x234: {  	v1 =	vor.u32 s31, v1;
	v4 =	vshll.u32 v4, $0x4;
	v7 =	vld.idx.msk [tilespmem:v13+s10+$0x0], $0xffff  }
0x235: {  	s1 =	simm.s32 $0x800;
	v1 =	vor.u32 v0, v1;
	v8 =	vld.idx.msk [tilespmem:v34+s2+$0x0], $0xffff;
	v4 =	vand.u32 $0x70, v4;
	v2 =	vadd.f32 v12, v2  }
0x236: {  	v5 =	vshll.u32 v5, $0x4;
	v36 =	vld.idx.msk [tilespmem:v11+s10+$0x0], $0xffff;
	v4 =	vor.u32 s1, v4  }
0x237: {  	v5 =	vand.u32 $0x70, v5;
	s9 =	simm.s32 $0x880;
	v4 =	vor.u32 v0, v4;
	v2 =	vadd.f32 v35, v2  }
0x238: {  	v6 =	vshll.u32 v6, $0x4;
	v5 =	vor.u32 s9, v5;
	v3 =	vld.idx.msk [tilespmem:v3+s10+$0x0], $0xffff  }
0x239: {  	v6 =	vand.u32 $0x70, v6;
	v5 =	vor.u32 v0, v5;
	s26 =	simm.s32 $0x900;
	v2 =	vadd.f32 v7, v2  }
0x23a: {  	v1 =	vld.idx.msk [tilespmem:v1+s10+$0x0], $0xffff;
	v6 =	vor.u32 s26, v6;
	v7 =	vshll.u32 v8, $0x4  }
0x23b: {  	s31 =	simm.s32 $0x980;
	v6 =	vor.u32 v0, v6;
	v7 =	vand.u32 $0x70, v7;
	v2 =	vadd.f32 v36, v2  }
0x23c: {  	v4 =	vld.idx.msk [tilespmem:v4+s10+$0x0], $0xffff;
	v7 =	vor.u32 s31, v7  }
0x23d: {  	v7 =	vor.u32 v0, v7;
	v2 =	vadd.f32 v3, v2  }
0x23e: {  	v3 =	vld.idx.msk [tilespmem:v5+s10+$0x0], $0xffff  }
0x23f: {  	v1 =	vadd.f32 v1, v2  }
0x240: {  	v2 =	vld.idx.msk [tilespmem:v6+s10+$0x0], $0xffff  }
0x241: {  	v1 =	vadd.f32 v4, v1  }
0x242: {  	v4 =	vld.idx.msk [tilespmem:v7+s10+$0x0], $0xffff  }
0x243: {  	s1 =	simm.s32 $0x154;
	v1 =	vadd.f32 v3, v1  }
0x244: {  	s9 =	simm.s32 $0x155;
	v3 =	vmov s1  }
0x245: {  	v5 =	vmov s9;
	v3 =	vand.u32 $0xFFFFFFFC, v3;
	v1 =	vadd.f32 v2, v1  }
0x246: {  	s26 =	simm.s32 $0x156;
	v2 =	vbroadcast v3, $0x0;
	v3 =	vand.u32 $0xFFFFFFFD, v5  }
0x247: {  	v5 =	vmov s26;
	v3 =	vbroadcast v3, $0x0;
	v1 =	vadd.f32 v4, v1  }
0x248: {  	s9 =	simm.s32 $0x166;
	v4 =	vand.u32 $0xFFFFFFFE, v5  }
0x249: {  	s28 =	simm.s32 $0x157;
	v7 =	vmov s9;
	s9 =	simm.s32 $0x159;
	v4 =	vbroadcast v4, $0x0;
	v1 =	vmul.f32 $5.000000070e-02, v1  }
0x24a: {  	v37 =	vmov s28;
	s28 =	simm.s32 $0x15F;
	s31 =	simm.s32 $0x158;
	v38 =	vmov s9;
	s26 =	simm.s32 $0xAD00  }
0x24b: {  	v43 =	vmov s28;
	s9 =	simm.s32 $0x162;
	s1 =	simm.s32 $0x165;
	v9 =	vand.u32 $0xFFFFFFFD, v38;
	v5 =	vmov s31;
	[tilespmem:s26+$0x0] =	vst v1  }
0x24c: {  	v41 =	vmov s9;
	v6 =	vmov s1;
	s31 =	simm.s32 $0x163;
	v5 =	vand.u32 $0xFFFFFFFC, v5;
	v2 =	vld.idx.msk [tilespmem:v2+s2+$0x0], $0xffff  }
0x24d: {  	s9 =	simm.s32 $0x15C;
	s1 =	simm.s32 $0x161;
	v9 =	vbroadcast v9, $0x0;
	v5 =	vbroadcast v5, $0x0;
	v1 =	vmov s31;
	s31 =	simm.s32 $0x164;
	v3 =	vld.idx.msk [tilespmem:v3+s2+$0x0], $0xffff  }
0x24e: {  	v44 =	vmov s9;
	s9 =	simm.s32 $0x15E;
	v40 =	vmov s1;
	v39 =	vmov s31;
	s31 =	simm.s32 $0x15A  }
0x24f: {  	v15 =	vand.u32 $0xFFFFFFFC, v44;
	v46 =	vmov s9;
	s9 =	simm.s32 $0x15B;
	v42 =	vmov s31;
	v4 =	vld.idx.msk [tilespmem:v4+s2+$0x0], $0xffff  }
0x250: {  	v15 =	vbroadcast v15, $0x0;
	v48 =	vmov s9;
	s31 =	simm.s32 $0x160;
	v13 =	vand.u32 $0xFFFFFFFE, v42  }
0x251: {  	v8 =	vld.idx.msk [tilespmem:v37+s2+$0x0], $0xffff;
	v45 =	vmov s31;
	s31 =	simm.s32 $0x15D;
	v13 =	vbroadcast v13, $0x0;
	v2 =	vshll.u32 v2, $0x4  }
0x252: {  	v47 =	vmov s31;
	s31 =	simm.s32 $0xA00;
	v3 =	vshll.u32 v3, $0x4;
	v2 =	vand.u32 $0x70, v2  }
0x253: {  	s1 =	simm.s32 $0xA80;
	v17 =	vand.u32 $0xFFFFFFFE, v46;
	v5 =	vld.idx.msk [tilespmem:v5+s2+$0x0], $0xffff;
	v3 =	vand.u32 $0x70, v3;
	v2 =	vor.u32 s31, v2  }
0x254: {  	v3 =	vor.u32 s1, v3;
	v4 =	vshll.u32 v4, $0x4;
	v2 =	vor.u32 v0, v2  }
0x255: {  	s9 =	simm.s32 $0xB00;
	v17 =	vbroadcast v17, $0x0;
	v9 =	vld.idx.msk [tilespmem:v9+s2+$0x0], $0xffff;
	v3 =	vor.u32 v0, v3;
	v4 =	vand.u32 $0x70, v4  }
0x256: {  	v19 =	vld.idx.msk [tilespmem:v48+s2+$0x0], $0xffff;
	v18 =	vand.u32 $0xFFFFFFFD, v47;
	v8 =	vshll.u32 v8, $0x4;
	v4 =	vor.u32 s9, v4  }
0x257: {  	v18 =	vbroadcast v18, $0x0;
	v8 =	vand.u32 $0x70, v8;
	s31 =	simm.s32 $0xB80;
	v13 =	vld.idx.msk [tilespmem:v13+s2+$0x0], $0xffff;
	v4 =	vor.u32 v0, v4  }
0x258: {  	v7 =	vand.u32 $0xFFFFFFFE, v7;
	v15 =	vld.idx.msk [tilespmem:v15+s2+$0x0], $0xffff;
	v8 =	vor.u32 s31, v8;
	v5 =	vshll.u32 v5, $0x4  }
0x259: {  	v12 =	vand.u32 $0xFFFFFFFE, v41;
	s1 =	simm.s32 $0xC00;
	v8 =	vor.u32 v0, v8;
	v5 =	vand.u32 $0x70, v5;
	v2 =	vld.idx.msk [tilespmem:v2+s10+$0x0], $0xffff  }
0x25a: {  	v11 =	vand.u32 $0xFFFFFFFD, v40;
	v9 =	vshll.u32 v9, $0x4;
	v5 =	vor.u32 s1, v5;
	v3 =	vld.idx.msk [tilespmem:v3+s10+$0x0], $0xffff  }
0x25b: {  	v11 =	vbroadcast v11, $0x0;
	v17 =	vld.idx.msk [tilespmem:v17+s2+$0x0], $0xffff;
	v9 =	vand.u32 $0x70, v9;
	s9 =	simm.s32 $0xC80;
	v5 =	vor.u32 v0, v5  }
0x25c: {  	v16 =	vand.u32 $0xFFFFFFFC, v45;
	v9 =	vor.u32 s9, v9;
	v13 =	vshll.u32 v13, $0x4;
	v4 =	vld.idx.msk [tilespmem:v4+s10+$0x0], $0xffff  }
0x25d: {  	v16 =	vbroadcast v16, $0x0;
	s31 =	simm.s32 $0xD00;
	v18 =	vld.idx.msk [tilespmem:v18+s2+$0x0], $0xffff;
	v9 =	vor.u32 v0, v9;
	v13 =	vand.u32 $0x70, v13  }
0x25e: {  	v19 =	vshll.u32 v19, $0x4;
	v15 =	vshll.u32 v15, $0x4;
	v8 =	vld.idx.msk [tilespmem:v8+s10+$0x0], $0xffff;
	v13 =	vor.u32 s31, v13  }
0x25f: {  	v19 =	vand.u32 $0x70, v19;
	s1 =	simm.s32 $0xD80;
	v13 =	vor.u32 v0, v13;
	v2 =	vadd.f32 v3, v2  }
0x260: {  	v6 =	vand.u32 $0xFFFFFFFD, v6;
	v15 =	vand.u32 $0x70, v15;
	v49 =	vor.u32 s1, v19;
	v5 =	vld.idx.msk [tilespmem:v5+s10+$0x0], $0xffff  }
0x261: {  	v14 =	vld.idx.msk [tilespmem:v43+s2+$0x0], $0xffff;
	s9 =	simm.s32 $0xE00;
	v3 =	vbroadcast v12, $0x0;
	v12 =	vor.u32 v0, v49;
	v2 =	vadd.f32 v4, v2  }
0x262: {  	v54 =	vshll.u32 v17, $0x4;
	v50 =	vor.u32 s9, v15;
	v9 =	vld.idx.msk [tilespmem:v9+s10+$0x0], $0xffff;
	v51 =	vshll.u32 v18, $0x4  }
0x263: {  	v16 =	vld.idx.msk [tilespmem:v16+s2+$0x0], $0xffff;
	v10 =	vor.u32 v0, v50;
	s31 =	simm.s32 $0xE80;
	v15 =	vand.u32 $0x70, v51;
	v2 =	vadd.f32 v8, v2  }
0x264: {  	v53 =	vor.u32 s31, v15;
	v15 =	vand.u32 $0x70, v54;
	v4 =	vand.u32 $0xFFFFFFFC, v39;
	v52 =	vld.idx.msk [tilespmem:v13+s10+$0x0], $0xffff  }
0x265: {  	v11 =	vld.idx.msk [tilespmem:v11+s2+$0x0], $0xffff;
	s1 =	simm.s32 $0xF00;
	v4 =	vbroadcast v4, $0x0;
	v13 =	vor.u32 v0, v53;
	v2 =	vadd.f32 v5, v2  }
0x266: {  	v14 =	vshll.u32 v14, $0x4;
	v55 =	vor.u32 s1, v15;
	v5 =	vbroadcast v6, $0x0;
	v6 =	vld.idx.msk [tilespmem:v12+s10+$0x0], $0xffff  }
0x267: {  	v14 =	vand.u32 $0x70, v14;
	s9 =	simm.s32 $0xF80;
	v3 =	vld.idx.msk [tilespmem:v3+s2+$0x0], $0xffff;
	v12 =	vor.u32 v0, v55;
	v2 =	vadd.f32 v9, v2  }
0x268: {  	v7 =	vbroadcast v7, $0x0;
	v57 =	vor.u32 s9, v14;
	v58 =	vshll.u32 v16, $0x4;
	v56 =	vld.idx.msk [tilespmem:v10+s10+$0x0], $0xffff  }
0x269: {  	v1 =	vld.idx.msk [tilespmem:v1+s2+$0x0], $0xffff;
	v14 =	vand.u32 $0x70, v58;
	v10 =	vor.u32 v0, v57;
	s31 =	simm.s32 $0x1000;
	v2 =	vadd.f32 v52, v2  }
0x26a: {  	v11 =	vshll.u32 v11, $0x4;
	v60 =	vor.u32 s31, v14;
	v59 =	vld.idx.msk [tilespmem:v13+s10+$0x0], $0xffff  }
0x26b: {  	v11 =	vand.u32 $0x70, v11;
	s9 =	simm.s32 $0x1080;
	s1 =	simm.s32 $0x167;
	v4 =	vld.idx.msk [tilespmem:v4+s2+$0x0], $0xffff;
	v13 =	vor.u32 v0, v60;
	v2 =	vadd.f32 v6, v2  }
0x26c: {  	v11 =	vor.u32 s9, v11;
	v12 =	vld.idx.msk [tilespmem:v12+s10+$0x0], $0xffff;
	v3 =	vshll.u32 v3, $0x4;
	v6 =	vmov s1  }
0x26d: {  	v11 =	vor.u32 v0, v11;
	s31 =	simm.s32 $0x1100;
	v5 =	vld.idx.msk [tilespmem:v5+s2+$0x0], $0xffff;
	v3 =	vand.u32 $0x70, v3;
	v2 =	vadd.f32 v56, v2  }
0x26e: {  	v1 =	vshll.u32 v1, $0x4;
	v61 =	vld.idx.msk [tilespmem:v10+s10+$0x0], $0xffff;
	v3 =	vor.u32 s31, v3  }
0x26f: {  	v7 =	vld.idx.msk [tilespmem:v7+s2+$0x0], $0xffff;
	v1 =	vand.u32 $0x70, v1;
	s1 =	simm.s32 $0x1180;
	v3 =	vor.u32 v0, v3;
	v2 =	vadd.f32 v59, v2  }
0x270: {  	v1 =	vor.u32 s1, v1;
	v62 =	vld.idx.msk [tilespmem:v13+s10+$0x0], $0xffff;
	v4 =	vshll.u32 v4, $0x4  }
0x271: {  	s9 =	simm.s32 $0x1200;
	v1 =	vor.u32 v0, v1;
	v4 =	vand.u32 $0x70, v4;
	v6 =	vld.idx.msk [tilespmem:v6+s2+$0x0], $0xffff;
	v2 =	vadd.f32 v12, v2  }
0x272: {  	v63 =	vld.idx.msk [tilespmem:v11+s10+$0x0], $0xffff;
	v4 =	vor.u32 s9, v4;
	v5 =	vshll.u32 v5, $0x4  }
0x273: {  	s31 =	simm.s32 $0x1280;
	v4 =	vor.u32 v0, v4;
	v5 =	vand.u32 $0x70, v5;
	v2 =	vadd.f32 v61, v2  }
0x274: {  	v7 =	vshll.u32 v7, $0x4;
	v3 =	vld.idx.msk [tilespmem:v3+s10+$0x0], $0xffff;
	v5 =	vor.u32 s31, v5  }
0x275: {  	v7 =	vand.u32 $0x70, v7;
	s1 =	simm.s32 $0x1300;
	v5 =	vor.u32 v0, v5;
	v2 =	vadd.f32 v62, v2  }
0x276: {  	v7 =	vor.u32 s1, v7;
	v1 =	vld.idx.msk [tilespmem:v1+s10+$0x0], $0xffff;
	v6 =	vshll.u32 v6, $0x4  }
0x277: {  	v7 =	vor.u32 v0, v7;
	s9 =	simm.s32 $0x1380;
	v6 =	vand.u32 $0x70, v6;
	v2 =	vadd.f32 v63, v2  }
0x278: {  	v4 =	vld.idx.msk [tilespmem:v4+s10+$0x0], $0xffff;
	v6 =	vor.u32 s9, v6  }
0x279: {  	v2 =	vadd.f32 v3, v2;
	v3 =	vor.u32 v0, v6  }
0x27a: {  	v5 =	vld.idx.msk [tilespmem:v5+s10+$0x0], $0xffff  }
0x27b: {  	v1 =	vadd.f32 v1, v2  }
0x27c: {  	v2 =	vld.idx.msk [tilespmem:v7+s10+$0x0], $0xffff  }
0x27d: {  	v4 =	vadd.f32 v4, v1  }
0x27e: {  	v1 =	vld.idx.msk [tilespmem:v3+s10+$0x0], $0xffff  }
0x27f: {  	s31 =	simm.s32 $0x168;
	v3 =	vadd.f32 v5, v4  }
0x280: {  	s30 =	simm.s32 $0x169;
	s28 =	simm.s32 $0x17B;
	s29 =	simm.s32 $0x18F;
	v4 =	vmov s31  }
.LBB2_8:
0x281: {  	p0 =	sne.s32 s29, $0x1DF;
	v4 =	vand.u32 $0xFFFFFFFC, v4;
	v5 =	vmov s30;
	v2 =	vadd.f32 v2, v3  }
0x282: {  	s0 =	sadd.s32 $0xFFFFFFEF, s28;
	v3 =	vbroadcast v4, $0x0;
	v4 =	vand.u32 $0xFFFFFFFD, v5  }
0x283: {  	v5 =	vmov s0;
	v4 =	vbroadcast v4, $0x0;
	v1 =	vadd.f32 v1, v2  }
0x284: {  	v2 =	vand.u32 $0xFFFFFFFE, v5  }
0x285: {  	s26 =	sadd.s32 $0x80, s26;
	v2 =	vbroadcast v2, $0x0;
	v1 =	vmul.f32 $5.000000070e-02, v1  }
0x286: {  	s1 =	sadd.s32 $0xFFFFFFFE, s28;
	s9 =	sadd.s32 $0xFFFFFFFF, s28;
	s0 =	sadd.s32 $0xFFFFFFF1, s28  }
0x287: {  	s30 =	sadd.s32 $0xFFFFFFF0, s28;
	v6 =	vmov s1;
	v7 =	vmov s9;
	v5 =	vmov s0;
	s0 =	sadd.s32 $0xFFFFFFFC, s28;
	[tilespmem:s26+$0x0] =	vst v1  }
0x288: {  	v8 =	vmov s30;
	s1 =	sadd.s32 $0xFFFFFFF2, s28;
	v5 =	vand.u32 $0xFFFFFFFC, v5;
	v1 =	vmov s0;
	s0 =	sadd.s32 $0xFFFFFFFD, s28;
	v3 =	vld.idx.msk [tilespmem:v3+s2+$0x0], $0xffff  }
0x289: {  	s9 =	sadd.s32 $0xFFFFFFFB, s28;
	v9 =	vmov s1;
	s1 =	sadd.s32 $0xFFFFFFFA, s28;
	v5 =	vbroadcast v5, $0x0;
	v10 =	vmov s0;
	v4 =	vld.idx.msk [tilespmem:v4+s2+$0x0], $0xffff  }
0x28a: {  	s30 =	sadd.s32 $0xFFFFFFF8, s28;
	v12 =	vmov s9;
	v9 =	vand.u32 $0xFFFFFFFD, v9;
	v11 =	vmov s1;
	s0 =	sadd.s32 $0xFFFFFFF3, s28  }
0x28b: {  	v14 =	vmov s30;
	s1 =	sadd.s32 $0xFFFFFFF9, s28;
	v9 =	vbroadcast v9, $0x0;
	v13 =	vmov s0;
	s0 =	sadd.s32 $0xFFFFFFF5, s28;
	v2 =	vld.idx.msk [tilespmem:v2+s2+$0x0], $0xffff  }
0x28c: {  	v16 =	vmov s1;
	v13 =	vand.u32 $0xFFFFFFFE, v13;
	v15 =	vmov s0;
	s0 =	sadd.s32 $0xFFFFFFF7, s28  }
0x28d: {  	s1 =	sadd.s32 $0xFFFFFFF6, s28;
	v13 =	vbroadcast v13, $0x0;
	v15 =	vand.u32 $0xFFFFFFFC, v15;
	v17 =	vmov s0;
	v8 =	vld.idx.msk [tilespmem:v8+s2+$0x0], $0xffff  }
0x28e: {  	s30 =	sshll.u32 s28, $0x7;
	v18 =	vmov s1;
	s0 =	sadd.s32 $0xFFFFFFF4, s28;
	v15 =	vbroadcast v15, $0x0;
	v3 =	vshll.u32 v3, $0x4  }
0x28f: {  	s1 =	sadd.s32 $0xFFFF5680, s30;
	v19 =	vmov s0;
	v3 =	vand.u32 $0x70, v3;
	v4 =	vshll.u32 v4, $0x4;
	v5 =	vld.idx.msk [tilespmem:v5+s2+$0x0], $0xffff  }
0x290: {  	v18 =	vand.u32 $0xFFFFFFFD, v18;
	s0 =	sadd.s32 $0xFFFF5700, s30;
	v3 =	vor.u32 s1, v3;
	v4 =	vand.u32 $0x70, v4  }
0x291: {  	v3 =	vor.u32 v0, v3;
	v4 =	vor.u32 s0, v4;
	v2 =	vshll.u32 v2, $0x4;
	v9 =	vld.idx.msk [tilespmem:v9+s2+$0x0], $0xffff  }
0x292: {  	v18 =	vbroadcast v18, $0x0;
	s0 =	sadd.s32 $0xFFFF5780, s30;
	v4 =	vor.u32 v0, v4;
	v2 =	vand.u32 $0x70, v2  }
0x293: {  	v17 =	vand.u32 $0xFFFFFFFE, v17;
	v2 =	vor.u32 s0, v2;
	v8 =	vshll.u32 v8, $0x4;
	v13 =	vld.idx.msk [tilespmem:v13+s2+$0x0], $0xffff  }
0x294: {  	v17 =	vbroadcast v17, $0x0;
	s0 =	sadd.s32 $0xFFFF5800, s30;
	v2 =	vor.u32 v0, v2;
	v8 =	vand.u32 $0x70, v8;
	v15 =	vld.idx.msk [tilespmem:v15+s2+$0x0], $0xffff  }
0x295: {  	v7 =	vand.u32 $0xFFFFFFFE, v7;
	v8 =	vor.u32 s0, v8;
	v5 =	vshll.u32 v5, $0x4;
	v19 =	vld.idx.msk [tilespmem:v19+s2+$0x0], $0xffff  }
0x296: {  	v6 =	vand.u32 $0xFFFFFFFD, v6;
	s0 =	sadd.s32 $0xFFFF5880, s30;
	v8 =	vor.u32 v0, v8;
	v5 =	vand.u32 $0x70, v5;
	v3 =	vld.idx.msk [tilespmem:v3+s10+$0x0], $0xffff  }
0x297: {  	v16 =	vand.u32 $0xFFFFFFFC, v16;
	v5 =	vor.u32 s0, v5;
	v9 =	vshll.u32 v9, $0x4;
	v4 =	vld.idx.msk [tilespmem:v4+s10+$0x0], $0xffff  }
0x298: {  	v16 =	vbroadcast v16, $0x0;
	s0 =	sadd.s32 $0xFFFF5900, s30;
	v5 =	vor.u32 v0, v5;
	v9 =	vand.u32 $0x70, v9;
	v18 =	vld.idx.msk [tilespmem:v18+s2+$0x0], $0xffff  }
0x299: {  	v11 =	vand.u32 $0xFFFFFFFD, v11;
	v9 =	vor.u32 s0, v9;
	v13 =	vshll.u32 v13, $0x4;
	v2 =	vld.idx.msk [tilespmem:v2+s10+$0x0], $0xffff  }
0x29a: {  	v11 =	vbroadcast v11, $0x0;
	s0 =	sadd.s32 $0xFFFF5980, s30;
	v9 =	vor.u32 v0, v9;
	v13 =	vand.u32 $0x70, v13;
	v17 =	vld.idx.msk [tilespmem:v17+s2+$0x0], $0xffff  }
0x29b: {  	v12 =	vand.u32 $0xFFFFFFFE, v12;
	v13 =	vor.u32 s0, v13;
	v19 =	vshll.u32 v19, $0x4;
	v8 =	vld.idx.msk [tilespmem:v8+s10+$0x0], $0xffff  }
0x29c: {  	v12 =	vbroadcast v12, $0x0;
	s0 =	sadd.s32 $0xFFFF5A00, s30;
	v13 =	vor.u32 v0, v13;
	v19 =	vand.u32 $0x70, v19;
	v14 =	vld.idx.msk [tilespmem:v14+s2+$0x0], $0xffff  }
0x29d: {  	v15 =	vshll.u32 v15, $0x4;
	v3 =	vadd.f32 v4, v3;
	v4 =	vld.idx.msk [tilespmem:v5+s10+$0x0], $0xffff;
	v5 =	vor.u32 s0, v19  }
0x29e: {  	v10 =	vand.u32 $0xFFFFFFFC, v10;
	v15 =	vand.u32 $0x70, v15;
	s0 =	sadd.s32 $0xFFFF5A80, s30;
	v5 =	vor.u32 v0, v5;
	v16 =	vld.idx.msk [tilespmem:v16+s2+$0x0], $0xffff  }
0x29f: {  	v2 =	vadd.f32 v2, v3;
	v3 =	vld.idx.msk [tilespmem:v9+s10+$0x0], $0xffff;
	v9 =	vor.u32 s0, v15;
	v15 =	vshll.u32 v18, $0x4  }
0x2a0: {  	v10 =	vbroadcast v10, $0x0;
	s0 =	sadd.s32 $0xFFFF5B00, s30;
	v9 =	vor.u32 v0, v9;
	v15 =	vand.u32 $0x70, v15;
	v11 =	vld.idx.msk [tilespmem:v11+s2+$0x0], $0xffff  }
0x2a1: {  	v2 =	vadd.f32 v8, v2;
	v8 =	vld.idx.msk [tilespmem:v13+s10+$0x0], $0xffff;
	v13 =	vor.u32 s0, v15;
	v15 =	vshll.u32 v17, $0x4  }
0x2a2: {  	v6 =	vbroadcast v6, $0x0;
	s0 =	sadd.s32 $0xFFFF5B80, s30;
	v13 =	vor.u32 v0, v13;
	v15 =	vand.u32 $0x70, v15;
	v12 =	vld.idx.msk [tilespmem:v12+s2+$0x0], $0xffff  }
0x2a3: {  	v14 =	vshll.u32 v14, $0x4;
	v2 =	vadd.f32 v4, v2;
	v4 =	vld.idx.msk [tilespmem:v5+s10+$0x0], $0xffff;
	v5 =	vor.u32 s0, v15  }
0x2a4: {  	v7 =	vbroadcast v7, $0x0;
	v14 =	vand.u32 $0x70, v14;
	s0 =	sadd.s32 $0xFFFF5C00, s30;
	v5 =	vor.u32 v0, v5;
	v1 =	vld.idx.msk [tilespmem:v1+s2+$0x0], $0xffff  }
0x2a5: {  	v2 =	vadd.f32 v3, v2;
	v3 =	vld.idx.msk [tilespmem:v9+s10+$0x0], $0xffff;
	v9 =	vor.u32 s0, v14;
	v14 =	vshll.u32 v16, $0x4  }
0x2a6: {  	v15 =	vmov s28;
	s28 =	smov.u32 s29;
	s0 =	sadd.s32 $0xFFFF5C80, s30;
	v9 =	vor.u32 v0, v9;
	v14 =	vand.u32 $0x70, v14;
	v10 =	vld.idx.msk [tilespmem:v10+s2+$0x0], $0xffff  }
0x2a7: {  	v11 =	vshll.u32 v11, $0x4;
	v2 =	vadd.f32 v8, v2;
	v8 =	vld.idx.msk [tilespmem:v13+s10+$0x0], $0xffff;
	v13 =	vor.u32 s0, v14  }
0x2a8: {  	v11 =	vand.u32 $0x70, v11;
	s0 =	sadd.s32 $0xFFFF5D00, s30;
	v13 =	vor.u32 v0, v13;
	v6 =	vld.idx.msk [tilespmem:v6+s2+$0x0], $0xffff  }
0x2a9: {  	v2 =	vadd.f32 v4, v2;
	v4 =	vld.idx.msk [tilespmem:v5+s10+$0x0], $0xffff;
	v5 =	vor.u32 s0, v11;
	v11 =	vshll.u32 v12, $0x4  }
0x2aa: {  	s0 =	sadd.s32 $0xFFFF5D80, s30;
	v5 =	vor.u32 v0, v5;
	v11 =	vand.u32 $0x70, v11;
	v7 =	vld.idx.msk [tilespmem:v7+s2+$0x0], $0xffff  }
0x2ab: {  	v1 =	vshll.u32 v1, $0x4;
	v2 =	vadd.f32 v3, v2;
	v3 =	vld.idx.msk [tilespmem:v9+s10+$0x0], $0xffff;
	v9 =	vor.u32 s0, v11  }
0x2ac: {  	v1 =	vand.u32 $0x70, v1;
	s0 =	sadd.s32 $0xFFFF5E00, s30;
	v9 =	vor.u32 v0, v9;
	v11 =	vld.idx.msk [tilespmem:v15+s2+$0x0], $0xffff  }
0x2ad: {  	v10 =	vshll.u32 v10, $0x4;
	v2 =	vadd.f32 v8, v2;
	v1 =	vor.u32 s0, v1;
	v8 =	vld.idx.msk [tilespmem:v13+s10+$0x0], $0xffff  }
0x2ae: {  	v10 =	vand.u32 $0x70, v10;
	s0 =	sadd.s32 $0xFFFF5E80, s30;
	v1 =	vor.u32 v0, v1  }
0x2af: {  	v6 =	vshll.u32 v6, $0x4;
	v2 =	vadd.f32 v4, v2;
	v4 =	vld.idx.msk [tilespmem:v5+s10+$0x0], $0xffff;
	v5 =	vor.u32 s0, v10  }
0x2b0: {  	v6 =	vand.u32 $0x70, v6;
	s0 =	sadd.s32 $0xFFFF5F00, s30;
	v5 =	vor.u32 v0, v5  }
0x2b1: {  	v7 =	vshll.u32 v7, $0x4;
	v2 =	vadd.f32 v3, v2;
	v6 =	vor.u32 s0, v6;
	v3 =	vld.idx.msk [tilespmem:v9+s10+$0x0], $0xffff  }
0x2b2: {  	v7 =	vand.u32 $0x70, v7;
	s0 =	sadd.s32 $0xFFFF5F80, s30;
	v6 =	vor.u32 v0, v6  }
0x2b3: {  	v7 =	vor.u32 s0, v7;
	v2 =	vadd.f32 v8, v2;
	v8 =	vshll.u32 v11, $0x4;
	v1 =	vld.idx.msk [tilespmem:v1+s10+$0x0], $0xffff  }
0x2b4: {  	s0 =	sadd.s32 $0xFFFF6000, s30;
	v7 =	vor.u32 v0, v7;
	v8 =	vand.u32 $0x70, v8  }
0x2b5: {  	v2 =	vadd.f32 v4, v2;
	v4 =	vld.idx.msk [tilespmem:v5+s10+$0x0], $0xffff;
	v5 =	vor.u32 s0, v8  }
0x2b6: {  	v5 =	vor.u32 v0, v5  }
0x2b7: {  	v2 =	vadd.f32 v3, v2;
	v3 =	vld.idx.msk [tilespmem:v6+s10+$0x0], $0xffff;
	_ =	sdelay $0x1  }
0x2b8: {  	v1 =	vadd.f32 v1, v2;
	v2 =	vld.idx.msk [tilespmem:v7+s10+$0x0], $0xffff  }
.Ltmp3:
0x2b9: {  	(pc) =	sbr.rel @p0 .LBB2_8-.Ltmp3, $3  }
0x2ba: {  	v4 =	vadd.f32 v4, v1;
	v1 =	vld.idx.msk [tilespmem:v5+s10+$0x0], $0xffff;
	_ =	sdelay $0x1  }
0x2bb: {  	s0 =	sadd.s32 $0xFFFFFFED, s29;
	v3 =	vadd.f32 v3, v4  }
0x2bc: {  	s30 =	sadd.s32 $0xFFFFFFEE, s28;
	s29 =	sadd.s32 $0x14, s29;
	v4 =	vmov s0  }
0x2bd: {  	v4 =	vand.u32 $0xFFFFFFFC, v4;
	v5 =	vmov s30;
	v2 =	vadd.f32 v2, v3  }
0x2be: {  	s0 =	sadd.s32 $0xFFFFFFEF, s28;
	v3 =	vbroadcast v4, $0x0;
	v4 =	vand.u32 $0xFFFFFFFD, v5  }
0x2bf: {  	v5 =	vmov s0;
	v4 =	vbroadcast v4, $0x0;
	v1 =	vadd.f32 v1, v2  }
0x2c0: {  	s31 =	sadd.s32 $0xFFFFFFF1, s28;
	v2 =	vand.u32 $0xFFFFFFFE, v5  }
0x2c1: {  	s1 =	sadd.s32 $0xFFFFFFFE, s28;
	s9 =	sadd.s32 $0xFFFFFFFF, s28;
	s29 =	sadd.s32 $0xFFFFFFF0, s28;
	v2 =	vbroadcast v2, $0x0;
	v1 =	vmul.f32 $5.000000070e-02, v1  }
0x2c2: {  	s26 =	sadd.s32 $0x80, s26;
	v6 =	vmov s1;
	v7 =	vmov s9;
	v8 =	vmov s29;
	s9 =	sadd.s32 $0xFFFFFFF2, s28;
	s1 =	sadd.s32 $0xFFFFFFFA, s28  }
0x2c3: {  	s29 =	sadd.s32 $0xFFFFFFF8, s28;
	v5 =	vmov s31;
	v9 =	vmov s9;
	v11 =	vmov s1;
	[tilespmem:s26+$0x0] =	vst v1  }
0x2c4: {  	s31 =	sadd.s32 $0xFFFFFFFC, s28;
	s9 =	sadd.s32 $0xFFFFFFFB, s28;
	v14 =	vmov s29;
	v5 =	vand.u32 $0xFFFFFFFC, v5;
	v9 =	vand.u32 $0xFFFFFFFD, v9;
	v3 =	vld.idx.msk [tilespmem:v3+s2+$0x0], $0xffff  }
0x2c5: {  	v12 =	vmov s9;
	s9 =	sadd.s32 $0xFFFFFFF5, s28;
	v5 =	vbroadcast v5, $0x0;
	v1 =	vmov s31;
	s31 =	sadd.s32 $0xFFFFFFFD, s28;
	v4 =	vld.idx.msk [tilespmem:v4+s2+$0x0], $0xffff  }
0x2c6: {  	v9 =	vbroadcast v9, $0x0;
	v15 =	vmov s9;
	s9 =	sadd.s32 $0xFFFFFFF7, s28;
	v10 =	vmov s31;
	s31 =	sadd.s32 $0xFFFFFFF3, s28  }
0x2c7: {  	v15 =	vand.u32 $0xFFFFFFFC, v15;
	v17 =	vmov s9;
	s9 =	sadd.s32 $0xFFFFFFF4, s28;
	v13 =	vmov s31;
	v2 =	vld.idx.msk [tilespmem:v2+s2+$0x0], $0xffff  }
0x2c8: {  	v15 =	vbroadcast v15, $0x0;
	v19 =	vmov s9;
	s31 =	sadd.s32 $0xFFFFFFF9, s28;
	v13 =	vand.u32 $0xFFFFFFFE, v13  }
0x2c9: {  	s29 =	sshll.u32 s28, $0x7;
	v8 =	vld.idx.msk [tilespmem:v8+s2+$0x0], $0xffff;
	v16 =	vmov s31;
	s31 =	sadd.s32 $0xFFFFFFF6, s28;
	v13 =	vbroadcast v13, $0x0;
	v3 =	vshll.u32 v3, $0x4  }
0x2ca: {  	v18 =	vmov s31;
	s31 =	sadd.s32 $0xFFFF5680, s29;
	v3 =	vand.u32 $0x70, v3;
	v4 =	vshll.u32 v4, $0x4  }
0x2cb: {  	s9 =	sadd.s32 $0xFFFF5700, s29;
	v5 =	vld.idx.msk [tilespmem:v5+s2+$0x0], $0xffff;
	v18 =	vand.u32 $0xFFFFFFFD, v18;
	v3 =	vor.u32 s31, v3;
	v4 =	vand.u32 $0x70, v4  }
0x2cc: {  	v2 =	vshll.u32 v2, $0x4;
	v3 =	vor.u32 v0, v3;
	v4 =	vor.u32 s9, v4  }
0x2cd: {  	v9 =	vld.idx.msk [tilespmem:v9+s2+$0x0], $0xffff;
	v18 =	vbroadcast v18, $0x0;
	s31 =	sadd.s32 $0xFFFF5780, s29;
	v2 =	vand.u32 $0x70, v2;
	v4 =	vor.u32 v0, v4  }
0x2ce: {  	v17 =	vand.u32 $0xFFFFFFFE, v17;
	v19 =	vld.idx.msk [tilespmem:v19+s2+$0x0], $0xffff;
	v8 =	vshll.u32 v8, $0x4;
	v2 =	vor.u32 s31, v2  }
0x2cf: {  	s1 =	sadd.s32 $0xFFFF5800, s29;
	v17 =	vbroadcast v17, $0x0;
	v8 =	vand.u32 $0x70, v8;
	v13 =	vld.idx.msk [tilespmem:v13+s2+$0x0], $0xffff;
	v2 =	vor.u32 v0, v2  }
0x2d0: {  	v7 =	vand.u32 $0xFFFFFFFE, v7;
	v15 =	vld.idx.msk [tilespmem:v15+s2+$0x0], $0xffff;
	v8 =	vor.u32 s1, v8;
	v5 =	vshll.u32 v5, $0x4  }
0x2d1: {  	v11 =	vand.u32 $0xFFFFFFFD, v11;
	v8 =	vor.u32 v0, v8;
	s9 =	sadd.s32 $0xFFFF5880, s29;
	v5 =	vand.u32 $0x70, v5;
	v3 =	vld.idx.msk [tilespmem:v3+s10+$0x0], $0xffff  }
0x2d2: {  	v11 =	vbroadcast v11, $0x0;
	v9 =	vshll.u32 v9, $0x4;
	v5 =	vor.u32 s9, v5;
	v4 =	vld.idx.msk [tilespmem:v4+s10+$0x0], $0xffff  }
0x2d3: {  	v16 =	vand.u32 $0xFFFFFFFC, v16;
	v9 =	vand.u32 $0x70, v9;
	s31 =	sadd.s32 $0xFFFF5900, s29;
	v5 =	vor.u32 v0, v5;
	v18 =	vld.idx.msk [tilespmem:v18+s2+$0x0], $0xffff  }
0x2d4: {  	v16 =	vbroadcast v16, $0x0;
	v9 =	vor.u32 s31, v9;
	v13 =	vshll.u32 v13, $0x4;
	v2 =	vld.idx.msk [tilespmem:v2+s10+$0x0], $0xffff  }
0x2d5: {  	v17 =	vld.idx.msk [tilespmem:v17+s2+$0x0], $0xffff;
	s1 =	sadd.s32 $0xFFFF5980, s29;
	v19 =	vshll.u32 v19, $0x4;
	v9 =	vor.u32 v0, v9;
	v13 =	vand.u32 $0x70, v13  }
0x2d6: {  	v12 =	vand.u32 $0xFFFFFFFE, v12;
	v19 =	vand.u32 $0x70, v19;
	v8 =	vld.idx.msk [tilespmem:v8+s10+$0x0], $0xffff;
	v13 =	vor.u32 s1, v13  }
0x2d7: {  	s9 =	sadd.s32 $0xFFFF5A00, s29;
	v15 =	vshll.u32 v15, $0x4;
	v13 =	vor.u32 v0, v13;
	v3 =	vadd.f32 v4, v3  }
0x2d8: {  	v39 =	vor.u32 s9, v19;
	v15 =	vand.u32 $0x70, v15;
	v5 =	vld.idx.msk [tilespmem:v5+s10+$0x0], $0xffff;
	v41 =	vshll.u32 v18, $0x4  }
0x2d9: {  	v14 =	vld.idx.msk [tilespmem:v14+s2+$0x0], $0xffff;
	s31 =	sadd.s32 $0xFFFF5A80, s29;
	v4 =	vbroadcast v12, $0x0;
	v12 =	vor.u32 v0, v39;
	v2 =	vadd.f32 v2, v3  }
0x2da: {  	v44 =	vshll.u32 v17, $0x4;
	v40 =	vor.u32 s31, v15;
	v9 =	vld.idx.msk [tilespmem:v9+s10+$0x0], $0xffff;
	v15 =	vand.u32 $0x70, v41  }
0x2db: {  	v16 =	vld.idx.msk [tilespmem:v16+s2+$0x0], $0xffff;
	s1 =	sadd.s32 $0xFFFF5B00, s29;
	v3 =	vand.u32 $0xFFFFFFFC, v10;
	v10 =	vor.u32 v0, v40;
	v2 =	vadd.f32 v8, v2  }
0x2dc: {  	v6 =	vand.u32 $0xFFFFFFFD, v6;
	v43 =	vor.u32 s1, v15;
	v15 =	vand.u32 $0x70, v44;
	v42 =	vld.idx.msk [tilespmem:v13+s10+$0x0], $0xffff  }
0x2dd: {  	v11 =	vld.idx.msk [tilespmem:v11+s2+$0x0], $0xffff;
	s9 =	sadd.s32 $0xFFFF5B80, s29;
	v3 =	vbroadcast v3, $0x0;
	v13 =	vor.u32 v0, v43;
	v2 =	vadd.f32 v5, v2  }
0x2de: {  	v14 =	vshll.u32 v14, $0x4;
	v45 =	vor.u32 s9, v15;
	v5 =	vbroadcast v6, $0x0;
	v6 =	vld.idx.msk [tilespmem:v12+s10+$0x0], $0xffff  }
0x2df: {  	v14 =	vand.u32 $0x70, v14;
	s31 =	sadd.s32 $0xFFFF5C00, s29;
	v4 =	vld.idx.msk [tilespmem:v4+s2+$0x0], $0xffff;
	v12 =	vor.u32 v0, v45;
	v2 =	vadd.f32 v9, v2  }
0x2e0: {  	v7 =	vbroadcast v7, $0x0;
	v47 =	vor.u32 s31, v14;
	v48 =	vshll.u32 v16, $0x4;
	v46 =	vld.idx.msk [tilespmem:v10+s10+$0x0], $0xffff  }
0x2e1: {  	v1 =	vld.idx.msk [tilespmem:v1+s2+$0x0], $0xffff;
	v14 =	vand.u32 $0x70, v48;
	s1 =	sadd.s32 $0xFFFF5C80, s29;
	v10 =	vor.u32 v0, v47;
	v2 =	vadd.f32 v42, v2  }
0x2e2: {  	v11 =	vshll.u32 v11, $0x4;
	v50 =	vor.u32 s1, v14;
	v49 =	vld.idx.msk [tilespmem:v13+s10+$0x0], $0xffff  }
0x2e3: {  	v11 =	vand.u32 $0x70, v11;
	s9 =	sadd.s32 $0xFFFF5D00, s29;
	v13 =	vor.u32 v0, v50;
	v3 =	vld.idx.msk [tilespmem:v3+s2+$0x0], $0xffff;
	v2 =	vadd.f32 v6, v2  }
0x2e4: {  	v11 =	vor.u32 s9, v11;
	v12 =	vld.idx.msk [tilespmem:v12+s10+$0x0], $0xffff;
	v4 =	vshll.u32 v4, $0x4;
	v6 =	vmov s28  }
0x2e5: {  	s31 =	sadd.s32 $0xFFFF5D80, s29;
	v11 =	vor.u32 v0, v11;
	v5 =	vld.idx.msk [tilespmem:v5+s2+$0x0], $0xffff;
	v4 =	vand.u32 $0x70, v4;
	v2 =	vadd.f32 v46, v2  }
0x2e6: {  	v1 =	vshll.u32 v1, $0x4;
	v51 =	vld.idx.msk [tilespmem:v10+s10+$0x0], $0xffff;
	v4 =	vor.u32 s31, v4  }
0x2e7: {  	v7 =	vld.idx.msk [tilespmem:v7+s2+$0x0], $0xffff;
	v1 =	vand.u32 $0x70, v1;
	s1 =	sadd.s32 $0xFFFF5E00, s29;
	v4 =	vor.u32 v0, v4;
	v2 =	vadd.f32 v49, v2  }
0x2e8: {  	v1 =	vor.u32 s1, v1;
	v52 =	vld.idx.msk [tilespmem:v13+s10+$0x0], $0xffff;
	v3 =	vshll.u32 v3, $0x4  }
0x2e9: {  	s9 =	sadd.s32 $0xFFFF5E80, s29;
	v1 =	vor.u32 v0, v1;
	v3 =	vand.u32 $0x70, v3;
	v6 =	vld.idx.msk [tilespmem:v6+s2+$0x0], $0xffff;
	v2 =	vadd.f32 v12, v2  }
0x2ea: {  	v53 =	vld.idx.msk [tilespmem:v11+s10+$0x0], $0xffff;
	v3 =	vor.u32 s9, v3;
	v5 =	vshll.u32 v5, $0x4  }
0x2eb: {  	s31 =	sadd.s32 $0xFFFF5F00, s29;
	v3 =	vor.u32 v0, v3;
	v5 =	vand.u32 $0x70, v5;
	v2 =	vadd.f32 v51, v2  }
0x2ec: {  	v7 =	vshll.u32 v7, $0x4;
	v4 =	vld.idx.msk [tilespmem:v4+s10+$0x0], $0xffff;
	v5 =	vor.u32 s31, v5  }
0x2ed: {  	v7 =	vand.u32 $0x70, v7;
	s1 =	sadd.s32 $0xFFFF5F80, s29;
	v5 =	vor.u32 v0, v5;
	v2 =	vadd.f32 v52, v2  }
0x2ee: {  	v7 =	vor.u32 s1, v7;
	v1 =	vld.idx.msk [tilespmem:v1+s10+$0x0], $0xffff;
	v6 =	vshll.u32 v6, $0x4  }
0x2ef: {  	v7 =	vor.u32 v0, v7;
	s9 =	sadd.s32 $0xFFFF6000, s29;
	v6 =	vand.u32 $0x70, v6;
	v2 =	vadd.f32 v53, v2  }
0x2f0: {  	v3 =	vld.idx.msk [tilespmem:v3+s10+$0x0], $0xffff;
	v6 =	vor.u32 s9, v6  }
0x2f1: {  	v6 =	vor.u32 v0, v6;
	v2 =	vadd.f32 v4, v2  }
0x2f2: {  	v4 =	vld.idx.msk [tilespmem:v5+s10+$0x0], $0xffff  }
0x2f3: {  	v1 =	vadd.f32 v1, v2  }
0x2f4: {  	v2 =	vld.idx.msk [tilespmem:v7+s10+$0x0], $0xffff  }
0x2f5: {  	v1 =	vadd.f32 v3, v1  }
0x2f6: {  	v3 =	vld.idx.msk [tilespmem:v6+s10+$0x0], $0xffff  }
0x2f7: {  	v1 =	vadd.f32 v4, v1;
	_ =	sdelay $0x1  }
0x2f8: {  	v1 =	vadd.f32 v2, v1;
	_ =	sdelay $0x1  }
0x2f9: {  	v1 =	vadd.f32 v3, v1;
	_ =	sdelay $0x1  }
0x2fa: {  	v1 =	vmul.f32 $5.000000070e-02, v1  }
0x2fb: {  	s26 =	sadd.s32 $0x80, s26;
	s31 =	simm.s32 $0x1E0  }
0x2fc: {  	s9 =	simm.s32 $0x1E1;
	[tilespmem:s26+$0x0] =	vst v1;
	v1 =	vmov s31  }
0x2fd: {  	v2 =	vmov s9;
	v1 =	vand.u32 $0xFFFFFFFC, v1  }
0x2fe: {  	s26 =	simm.s32 $0x1E2;
	_ =	swait.ge [sflag:s19], $0x4000;
	v3 =	vbroadcast v1, $0x0;
	v1 =	vand.u32 $0xFFFFFFFD, v2  }
0x2ff: {  	[sflag:s19] =	ssyncset.done $0x0;
	v2 =	vbroadcast v1, $0x0;
	v1 =	vmov s26  }
0x300: {  	s1 =	simm.s32 $0x1F1;
	s9 =	simm.s32 $0x1F2;
	[sflag:s19] =	ssyncadd.s32 $0xFFFFC000;
	v1 =	vand.u32 $0xFFFFFFFE, v1  }
0x301: {  	v5 =	vmov s1;
	s1 =	simm.s32 $0x1ED;
	v6 =	vmov s9;
	s9 =	simm.s32 $0x1EE;
	_ =	swait.ge [sflag:s19], $0x1000;
	v4 =	vbroadcast v1, $0x0  }
0x302: {  	v58 =	vmov s9;
	s9 =	simm.s32 $0x1E8;
	s31 =	simm.s32 $0x1E4;
	[sflag:s19] =	ssyncset.done $0x0  }
0x303: {  	v57 =	vmov s1;
	v61 =	vmov s9;
	s26 =	simm.s32 $0x1E3;
	v1 =	vmov s31;
	[sflag:s19] =	ssyncadd.s32 $0xFFFFF000  }
0x304: {  	s9 =	simm.s32 $0x1E9;
	v15 =	vand.u32 $0xFFFFFFFC, v61;
	v7 =	vmov s26;
	s26 =	simm.s32 $0x1E5;
	v54 =	vand.u32 $0xFFFFFFFC, v1;
	v3 =	vld.idx.msk [tilespmem:v3+s2+$0x0], $0xffff  }
0x305: {  	v21 =	vmov s9;
	v55 =	vmov s26;
	v8 =	vbroadcast v54, $0x0;
	v2 =	vld.idx.msk [tilespmem:v2+s2+$0x0], $0xffff  }
0x306: {  	v15 =	vbroadcast v15, $0x0;
	v18 =	vand.u32 $0xFFFFFFFD, v21;
	s31 =	simm.s32 $0x1EF;
	s26 =	simm.s32 $0x1E6;
	v9 =	vand.u32 $0xFFFFFFFD, v55  }
0x307: {  	v1 =	vmov s31;
	s31 =	simm.s32 $0x1F0;
	v59 =	vmov s26;
	s26 =	simm.s32 $0x1EC;
	v9 =	vbroadcast v9, $0x0;
	v4 =	vld.idx.msk [tilespmem:v4+s2+$0x0], $0xffff  }
0x308: {  	v56 =	vmov s31;
	s31 =	simm.s32 $0x1EB;
	v13 =	vand.u32 $0xFFFFFFFE, v59;
	v62 =	vmov s26  }
0x309: {  	v60 =	vmov s31;
	s31 =	simm.s32 $0x1EA;
	v13 =	vbroadcast v13, $0x0;
	v7 =	vld.idx.msk [tilespmem:v7+s2+$0x0], $0xffff;
	v3 =	vshll.u32 v3, $0x4  }
0x30a: {  	s26 =	simm.s32 $0x1E7;
	v63 =	vmov s31;
	s31 =	simm.s32 $0x0;
	v3 =	vand.u32 $0x70, v3;
	v2 =	vshll.u32 v2, $0x4  }
0x30b: {  	s1 =	simm.s32 $0x80;
	v22 =	vmov s26;
	v8 =	vld.idx.msk [tilespmem:v8+s2+$0x0], $0xffff;
	v3 =	vor.u32 s31, v3;
	v2 =	vand.u32 $0x70, v2  }
0x30c: {  	v3 =	vor.u32 v0, v3;
	v2 =	vor.u32 s1, v2;
	v4 =	vshll.u32 v4, $0x4  }
0x30d: {  	s9 =	simm.s32 $0x100;
	v18 =	vbroadcast v18, $0x0;
	v9 =	vld.idx.msk [tilespmem:v9+s2+$0x0], $0xffff;
	v2 =	vor.u32 v0, v2;
	v4 =	vand.u32 $0x70, v4  }
0x30e: {  	v15 =	vld.idx.msk [tilespmem:v15+s2+$0x0], $0xffff;
	v17 =	vand.u32 $0xFFFFFFFE, v63;
	v7 =	vshll.u32 v7, $0x4;
	v4 =	vor.u32 s9, v4  }
0x30f: {  	s26 =	simm.s32 $0x180;
	v17 =	vbroadcast v17, $0x0;
	v13 =	vld.idx.msk [tilespmem:v13+s2+$0x0], $0xffff;
	v7 =	vand.u32 $0x70, v7;
	v4 =	vor.u32 v0, v4  }
0x310: {  	v5 =	vand.u32 $0xFFFFFFFD, v5;
	v19 =	vld.idx.msk [tilespmem:v22+s2+$0x0], $0xffff;
	v7 =	vor.u32 s26, v7;
	v8 =	vshll.u32 v8, $0x4  }
0x311: {  	v11 =	vand.u32 $0xFFFFFFFD, v57;
	s31 =	simm.s32 $0x200;
	v7 =	vor.u32 v0, v7;
	v8 =	vand.u32 $0x70, v8;
	v3 =	vld.idx.msk [tilespmem:v3+s16+$0x0], $0xffff  }
0x312: {  	v11 =	vbroadcast v11, $0x0;
	v9 =	vshll.u32 v9, $0x4;
	v8 =	vor.u32 s31, v8;
	v2 =	vld.idx.msk [tilespmem:v2+s16+$0x0], $0xffff  }
0x313: {  	v12 =	vand.u32 $0xFFFFFFFE, v58;
	v18 =	vld.idx.msk [tilespmem:v18+s2+$0x0], $0xffff;
	s1 =	simm.s32 $0x280;
	v9 =	vand.u32 $0x70, v9;
	v8 =	vor.u32 v0, v8  }
0x314: {  	v16 =	vand.u32 $0xFFFFFFFC, v62;
	v13 =	vshll.u32 v13, $0x4;
	v9 =	vor.u32 s1, v9;
	v4 =	vld.idx.msk [tilespmem:v4+s16+$0x0], $0xffff  }
0x315: {  	v16 =	vbroadcast v16, $0x0;
	v17 =	vld.idx.msk [tilespmem:v17+s2+$0x0], $0xffff;
	s9 =	simm.s32 $0x300;
	v13 =	vand.u32 $0x70, v13;
	v9 =	vor.u32 v0, v9  }
0x316: {  	v15 =	vshll.u32 v15, $0x4;
	v19 =	vshll.u32 v19, $0x4;
	v13 =	vor.u32 s9, v13;
	v7 =	vld.idx.msk [tilespmem:v7+s16+$0x0], $0xffff  }
0x317: {  	s26 =	simm.s32 $0x380;
	v19 =	vand.u32 $0x70, v19;
	v13 =	vor.u32 v0, v13;
	v2 =	vadd.f32 v2, v3  }
0x318: {  	v25 =	vshll.u32 v18, $0x4;
	v15 =	vand.u32 $0x70, v15;
	v23 =	vor.u32 s26, v19;
	v8 =	vld.idx.msk [tilespmem:v8+s16+$0x0], $0xffff  }
0x319: {  	v14 =	vld.idx.msk [tilespmem:v60+s2+$0x0], $0xffff;
	s31 =	simm.s32 $0x400;
	v3 =	vbroadcast v12, $0x0;
	v12 =	vor.u32 v0, v23;
	v2 =	vadd.f32 v4, v2  }
0x31a: {  	v5 =	vbroadcast v5, $0x0;
	v24 =	vor.u32 s31, v15;
	v15 =	vand.u32 $0x70, v25;
	v9 =	vld.idx.msk [tilespmem:v9+s16+$0x0], $0xffff  }
0x31b: {  	v16 =	vld.idx.msk [tilespmem:v16+s2+$0x0], $0xffff;
	s1 =	simm.s32 $0x480;
	v10 =	vor.u32 v0, v24;
	v27 =	vshll.u32 v17, $0x4;
	v2 =	vadd.f32 v7, v2  }
0x31c: {  	v26 =	vor.u32 s1, v15;
	v15 =	vand.u32 $0x70, v27;
	v4 =	vand.u32 $0xFFFFFFFC, v56;
	v7 =	vld.idx.msk [tilespmem:v13+s16+$0x0], $0xffff  }
0x31d: {  	v11 =	vld.idx.msk [tilespmem:v11+s2+$0x0], $0xffff;
	s9 =	simm.s32 $0x500;
	v4 =	vbroadcast v4, $0x0;
	v13 =	vor.u32 v0, v26;
	v2 =	vadd.f32 v8, v2  }
0x31e: {  	v6 =	vand.u32 $0xFFFFFFFE, v6;
	v14 =	vshll.u32 v14, $0x4;
	v29 =	vor.u32 s9, v15;
	v28 =	vld.idx.msk [tilespmem:v12+s16+$0x0], $0xffff  }
0x31f: {  	v14 =	vand.u32 $0x70, v14;
	s26 =	simm.s32 $0x580;
	v12 =	vor.u32 v0, v29;
	v3 =	vld.idx.msk [tilespmem:v3+s2+$0x0], $0xffff;
	v2 =	vadd.f32 v9, v2  }
0x320: {  	v6 =	vbroadcast v6, $0x0;
	v32 =	vshll.u32 v16, $0x4;
	v31 =	vor.u32 s26, v14;
	v30 =	vld.idx.msk [tilespmem:v10+s16+$0x0], $0xffff  }
0x321: {  	v1 =	vld.idx.msk [tilespmem:v1+s2+$0x0], $0xffff;
	v14 =	vand.u32 $0x70, v32;
	s31 =	simm.s32 $0x600;
	v10 =	vor.u32 v0, v31;
	v2 =	vadd.f32 v7, v2  }
0x322: {  	v11 =	vshll.u32 v11, $0x4;
	v33 =	vor.u32 s31, v14;
	v7 =	vld.idx.msk [tilespmem:v13+s16+$0x0], $0xffff  }
0x323: {  	v11 =	vand.u32 $0x70, v11;
	s1 =	simm.s32 $0x1F3;
	s9 =	simm.s32 $0x680;
	v4 =	vld.idx.msk [tilespmem:v4+s2+$0x0], $0xffff;
	v13 =	vor.u32 v0, v33;
	v2 =	vadd.f32 v28, v2  }
0x324: {  	v34 =	vmov s1;
	v11 =	vor.u32 s9, v11;
	v12 =	vld.idx.msk [tilespmem:v12+s16+$0x0], $0xffff;
	v3 =	vshll.u32 v3, $0x4  }
0x325: {  	v5 =	vld.idx.msk [tilespmem:v5+s2+$0x0], $0xffff;
	s26 =	simm.s32 $0x700;
	v11 =	vor.u32 v0, v11;
	v3 =	vand.u32 $0x70, v3;
	v2 =	vadd.f32 v30, v2  }
0x326: {  	v1 =	vshll.u32 v1, $0x4;
	v35 =	vld.idx.msk [tilespmem:v10+s16+$0x0], $0xffff;
	v3 =	vor.u32 s26, v3  }
0x327: {  	v6 =	vld.idx.msk [tilespmem:v6+s2+$0x0], $0xffff;
	v1 =	vand.u32 $0x70, v1;
	s31 =	simm.s32 $0x780;
	v3 =	vor.u32 v0, v3;
	v2 =	vadd.f32 v7, v2  }
0x328: {  	v1 =	vor.u32 s31, v1;
	v4 =	vshll.u32 v4, $0x4;
	v7 =	vld.idx.msk [tilespmem:v13+s16+$0x0], $0xffff  }
0x329: {  	s1 =	simm.s32 $0x800;
	v1 =	vor.u32 v0, v1;
	v8 =	vld.idx.msk [tilespmem:v34+s2+$0x0], $0xffff;
	v4 =	vand.u32 $0x70, v4;
	v2 =	vadd.f32 v12, v2  }
0x32a: {  	v5 =	vshll.u32 v5, $0x4;
	v36 =	vld.idx.msk [tilespmem:v11+s16+$0x0], $0xffff;
	v4 =	vor.u32 s1, v4  }
0x32b: {  	v5 =	vand.u32 $0x70, v5;
	s9 =	simm.s32 $0x880;
	v4 =	vor.u32 v0, v4;
	v2 =	vadd.f32 v35, v2  }
0x32c: {  	v6 =	vshll.u32 v6, $0x4;
	v5 =	vor.u32 s9, v5;
	v3 =	vld.idx.msk [tilespmem:v3+s16+$0x0], $0xffff  }
0x32d: {  	v6 =	vand.u32 $0x70, v6;
	v5 =	vor.u32 v0, v5;
	s26 =	simm.s32 $0x900;
	v2 =	vadd.f32 v7, v2  }
0x32e: {  	v1 =	vld.idx.msk [tilespmem:v1+s16+$0x0], $0xffff;
	v6 =	vor.u32 s26, v6;
	v7 =	vshll.u32 v8, $0x4  }
0x32f: {  	s31 =	simm.s32 $0x980;
	v6 =	vor.u32 v0, v6;
	v7 =	vand.u32 $0x70, v7;
	v2 =	vadd.f32 v36, v2  }
0x330: {  	v4 =	vld.idx.msk [tilespmem:v4+s16+$0x0], $0xffff;
	v7 =	vor.u32 s31, v7  }
0x331: {  	v7 =	vor.u32 v0, v7;
	v2 =	vadd.f32 v3, v2  }
0x332: {  	v3 =	vld.idx.msk [tilespmem:v5+s16+$0x0], $0xffff  }
0x333: {  	v1 =	vadd.f32 v1, v2  }
0x334: {  	v2 =	vld.idx.msk [tilespmem:v6+s16+$0x0], $0xffff  }
0x335: {  	v1 =	vadd.f32 v4, v1  }
0x336: {  	v4 =	vld.idx.msk [tilespmem:v7+s16+$0x0], $0xffff  }
0x337: {  	s1 =	simm.s32 $0x1F4;
	v1 =	vadd.f32 v3, v1  }
0x338: {  	s9 =	simm.s32 $0x1F5;
	v3 =	vmov s1  }
0x339: {  	v5 =	vmov s9;
	v3 =	vand.u32 $0xFFFFFFFC, v3;
	v1 =	vadd.f32 v2, v1  }
0x33a: {  	s26 =	simm.s32 $0x1F6;
	v2 =	vbroadcast v3, $0x0;
	v3 =	vand.u32 $0xFFFFFFFD, v5  }
0x33b: {  	v5 =	vmov s26;
	v3 =	vbroadcast v3, $0x0;
	v1 =	vadd.f32 v4, v1  }
0x33c: {  	s9 =	simm.s32 $0x206;
	v4 =	vand.u32 $0xFFFFFFFE, v5  }
0x33d: {  	s28 =	simm.s32 $0x1F7;
	v7 =	vmov s9;
	s9 =	simm.s32 $0x1F9;
	v4 =	vbroadcast v4, $0x0;
	v1 =	vmul.f32 $5.000000070e-02, v1  }
0x33e: {  	v37 =	vmov s28;
	s28 =	simm.s32 $0x1FF;
	s31 =	simm.s32 $0x1F8;
	v38 =	vmov s9;
	s26 =	simm.s32 $0xB100  }
0x33f: {  	v43 =	vmov s28;
	s9 =	simm.s32 $0x202;
	s1 =	simm.s32 $0x205;
	v9 =	vand.u32 $0xFFFFFFFD, v38;
	v5 =	vmov s31;
	[tilespmem:s26+$0x0] =	vst v1  }
0x340: {  	v41 =	vmov s9;
	v6 =	vmov s1;
	s31 =	simm.s32 $0x203;
	v5 =	vand.u32 $0xFFFFFFFC, v5;
	v2 =	vld.idx.msk [tilespmem:v2+s2+$0x0], $0xffff  }
0x341: {  	s9 =	simm.s32 $0x1FC;
	s1 =	simm.s32 $0x201;
	v9 =	vbroadcast v9, $0x0;
	v5 =	vbroadcast v5, $0x0;
	v1 =	vmov s31;
	s31 =	simm.s32 $0x204;
	v3 =	vld.idx.msk [tilespmem:v3+s2+$0x0], $0xffff  }
0x342: {  	v44 =	vmov s9;
	s9 =	simm.s32 $0x1FE;
	v40 =	vmov s1;
	v39 =	vmov s31;
	s31 =	simm.s32 $0x1FA  }
0x343: {  	v15 =	vand.u32 $0xFFFFFFFC, v44;
	v46 =	vmov s9;
	s9 =	simm.s32 $0x1FB;
	v42 =	vmov s31;
	v4 =	vld.idx.msk [tilespmem:v4+s2+$0x0], $0xffff  }
0x344: {  	v15 =	vbroadcast v15, $0x0;
	v48 =	vmov s9;
	s31 =	simm.s32 $0x200;
	v13 =	vand.u32 $0xFFFFFFFE, v42  }
0x345: {  	v8 =	vld.idx.msk [tilespmem:v37+s2+$0x0], $0xffff;
	v45 =	vmov s31;
	s31 =	simm.s32 $0x1FD;
	v13 =	vbroadcast v13, $0x0;
	v2 =	vshll.u32 v2, $0x4  }
0x346: {  	v47 =	vmov s31;
	s31 =	simm.s32 $0xA00;
	v3 =	vshll.u32 v3, $0x4;
	v2 =	vand.u32 $0x70, v2  }
0x347: {  	s1 =	simm.s32 $0xA80;
	v17 =	vand.u32 $0xFFFFFFFE, v46;
	v5 =	vld.idx.msk [tilespmem:v5+s2+$0x0], $0xffff;
	v3 =	vand.u32 $0x70, v3;
	v2 =	vor.u32 s31, v2  }
0x348: {  	v3 =	vor.u32 s1, v3;
	v4 =	vshll.u32 v4, $0x4;
	v2 =	vor.u32 v0, v2  }
0x349: {  	s9 =	simm.s32 $0xB00;
	v17 =	vbroadcast v17, $0x0;
	v9 =	vld.idx.msk [tilespmem:v9+s2+$0x0], $0xffff;
	v3 =	vor.u32 v0, v3;
	v4 =	vand.u32 $0x70, v4  }
0x34a: {  	v19 =	vld.idx.msk [tilespmem:v48+s2+$0x0], $0xffff;
	v18 =	vand.u32 $0xFFFFFFFD, v47;
	v8 =	vshll.u32 v8, $0x4;
	v4 =	vor.u32 s9, v4  }
0x34b: {  	v18 =	vbroadcast v18, $0x0;
	v8 =	vand.u32 $0x70, v8;
	s31 =	simm.s32 $0xB80;
	v13 =	vld.idx.msk [tilespmem:v13+s2+$0x0], $0xffff;
	v4 =	vor.u32 v0, v4  }
0x34c: {  	v7 =	vand.u32 $0xFFFFFFFE, v7;
	v15 =	vld.idx.msk [tilespmem:v15+s2+$0x0], $0xffff;
	v8 =	vor.u32 s31, v8;
	v5 =	vshll.u32 v5, $0x4  }
0x34d: {  	v12 =	vand.u32 $0xFFFFFFFE, v41;
	s1 =	simm.s32 $0xC00;
	v8 =	vor.u32 v0, v8;
	v5 =	vand.u32 $0x70, v5;
	v2 =	vld.idx.msk [tilespmem:v2+s16+$0x0], $0xffff  }
0x34e: {  	v11 =	vand.u32 $0xFFFFFFFD, v40;
	v9 =	vshll.u32 v9, $0x4;
	v5 =	vor.u32 s1, v5;
	v3 =	vld.idx.msk [tilespmem:v3+s16+$0x0], $0xffff  }
0x34f: {  	v11 =	vbroadcast v11, $0x0;
	v17 =	vld.idx.msk [tilespmem:v17+s2+$0x0], $0xffff;
	v9 =	vand.u32 $0x70, v9;
	s9 =	simm.s32 $0xC80;
	v5 =	vor.u32 v0, v5  }
0x350: {  	v16 =	vand.u32 $0xFFFFFFFC, v45;
	v9 =	vor.u32 s9, v9;
	v13 =	vshll.u32 v13, $0x4;
	v4 =	vld.idx.msk [tilespmem:v4+s16+$0x0], $0xffff  }
0x351: {  	v16 =	vbroadcast v16, $0x0;
	s31 =	simm.s32 $0xD00;
	v18 =	vld.idx.msk [tilespmem:v18+s2+$0x0], $0xffff;
	v9 =	vor.u32 v0, v9;
	v13 =	vand.u32 $0x70, v13  }
0x352: {  	v19 =	vshll.u32 v19, $0x4;
	v15 =	vshll.u32 v15, $0x4;
	v8 =	vld.idx.msk [tilespmem:v8+s16+$0x0], $0xffff;
	v13 =	vor.u32 s31, v13  }
0x353: {  	v19 =	vand.u32 $0x70, v19;
	s1 =	simm.s32 $0xD80;
	v13 =	vor.u32 v0, v13;
	v2 =	vadd.f32 v3, v2  }
0x354: {  	v6 =	vand.u32 $0xFFFFFFFD, v6;
	v15 =	vand.u32 $0x70, v15;
	v49 =	vor.u32 s1, v19;
	v5 =	vld.idx.msk [tilespmem:v5+s16+$0x0], $0xffff  }
0x355: {  	v14 =	vld.idx.msk [tilespmem:v43+s2+$0x0], $0xffff;
	s9 =	simm.s32 $0xE00;
	v3 =	vbroadcast v12, $0x0;
	v12 =	vor.u32 v0, v49;
	v2 =	vadd.f32 v4, v2  }
0x356: {  	v54 =	vshll.u32 v17, $0x4;
	v50 =	vor.u32 s9, v15;
	v9 =	vld.idx.msk [tilespmem:v9+s16+$0x0], $0xffff;
	v51 =	vshll.u32 v18, $0x4  }
0x357: {  	v16 =	vld.idx.msk [tilespmem:v16+s2+$0x0], $0xffff;
	v10 =	vor.u32 v0, v50;
	s31 =	simm.s32 $0xE80;
	v15 =	vand.u32 $0x70, v51;
	v2 =	vadd.f32 v8, v2  }
0x358: {  	v53 =	vor.u32 s31, v15;
	v15 =	vand.u32 $0x70, v54;
	v4 =	vand.u32 $0xFFFFFFFC, v39;
	v52 =	vld.idx.msk [tilespmem:v13+s16+$0x0], $0xffff  }
0x359: {  	v11 =	vld.idx.msk [tilespmem:v11+s2+$0x0], $0xffff;
	s1 =	simm.s32 $0xF00;
	v4 =	vbroadcast v4, $0x0;
	v13 =	vor.u32 v0, v53;
	v2 =	vadd.f32 v5, v2  }
0x35a: {  	v14 =	vshll.u32 v14, $0x4;
	v55 =	vor.u32 s1, v15;
	v5 =	vbroadcast v6, $0x0;
	v6 =	vld.idx.msk [tilespmem:v12+s16+$0x0], $0xffff  }
0x35b: {  	v14 =	vand.u32 $0x70, v14;
	s9 =	simm.s32 $0xF80;
	v3 =	vld.idx.msk [tilespmem:v3+s2+$0x0], $0xffff;
	v12 =	vor.u32 v0, v55;
	v2 =	vadd.f32 v9, v2  }
0x35c: {  	v7 =	vbroadcast v7, $0x0;
	v57 =	vor.u32 s9, v14;
	v58 =	vshll.u32 v16, $0x4;
	v56 =	vld.idx.msk [tilespmem:v10+s16+$0x0], $0xffff  }
0x35d: {  	v1 =	vld.idx.msk [tilespmem:v1+s2+$0x0], $0xffff;
	v14 =	vand.u32 $0x70, v58;
	v10 =	vor.u32 v0, v57;
	s31 =	simm.s32 $0x1000;
	v2 =	vadd.f32 v52, v2  }
0x35e: {  	v11 =	vshll.u32 v11, $0x4;
	v60 =	vor.u32 s31, v14;
	v59 =	vld.idx.msk [tilespmem:v13+s16+$0x0], $0xffff  }
0x35f: {  	v11 =	vand.u32 $0x70, v11;
	s9 =	simm.s32 $0x1080;
	s1 =	simm.s32 $0x207;
	v4 =	vld.idx.msk [tilespmem:v4+s2+$0x0], $0xffff;
	v13 =	vor.u32 v0, v60;
	v2 =	vadd.f32 v6, v2  }
0x360: {  	v11 =	vor.u32 s9, v11;
	v12 =	vld.idx.msk [tilespmem:v12+s16+$0x0], $0xffff;
	v3 =	vshll.u32 v3, $0x4;
	v6 =	vmov s1  }
0x361: {  	v11 =	vor.u32 v0, v11;
	s31 =	simm.s32 $0x1100;
	v5 =	vld.idx.msk [tilespmem:v5+s2+$0x0], $0xffff;
	v3 =	vand.u32 $0x70, v3;
	v2 =	vadd.f32 v56, v2  }
0x362: {  	v1 =	vshll.u32 v1, $0x4;
	v61 =	vld.idx.msk [tilespmem:v10+s16+$0x0], $0xffff;
	v3 =	vor.u32 s31, v3  }
0x363: {  	v7 =	vld.idx.msk [tilespmem:v7+s2+$0x0], $0xffff;
	v1 =	vand.u32 $0x70, v1;
	s1 =	simm.s32 $0x1180;
	v3 =	vor.u32 v0, v3;
	v2 =	vadd.f32 v59, v2  }
0x364: {  	v1 =	vor.u32 s1, v1;
	v62 =	vld.idx.msk [tilespmem:v13+s16+$0x0], $0xffff;
	v4 =	vshll.u32 v4, $0x4  }
0x365: {  	s9 =	simm.s32 $0x1200;
	v1 =	vor.u32 v0, v1;
	v4 =	vand.u32 $0x70, v4;
	v6 =	vld.idx.msk [tilespmem:v6+s2+$0x0], $0xffff;
	v2 =	vadd.f32 v12, v2  }
0x366: {  	v63 =	vld.idx.msk [tilespmem:v11+s16+$0x0], $0xffff;
	v4 =	vor.u32 s9, v4;
	v5 =	vshll.u32 v5, $0x4  }
0x367: {  	s31 =	simm.s32 $0x1280;
	v4 =	vor.u32 v0, v4;
	v5 =	vand.u32 $0x70, v5;
	v2 =	vadd.f32 v61, v2  }
0x368: {  	v7 =	vshll.u32 v7, $0x4;
	v3 =	vld.idx.msk [tilespmem:v3+s16+$0x0], $0xffff;
	v5 =	vor.u32 s31, v5  }
0x369: {  	v7 =	vand.u32 $0x70, v7;
	s1 =	simm.s32 $0x1300;
	v5 =	vor.u32 v0, v5;
	v2 =	vadd.f32 v62, v2  }
0x36a: {  	v7 =	vor.u32 s1, v7;
	v1 =	vld.idx.msk [tilespmem:v1+s16+$0x0], $0xffff;
	v6 =	vshll.u32 v6, $0x4  }
0x36b: {  	v7 =	vor.u32 v0, v7;
	s9 =	simm.s32 $0x1380;
	v6 =	vand.u32 $0x70, v6;
	v2 =	vadd.f32 v63, v2  }
0x36c: {  	v4 =	vld.idx.msk [tilespmem:v4+s16+$0x0], $0xffff;
	v6 =	vor.u32 s9, v6  }
0x36d: {  	v2 =	vadd.f32 v3, v2;
	v3 =	vor.u32 v0, v6  }
0x36e: {  	v5 =	vld.idx.msk [tilespmem:v5+s16+$0x0], $0xffff  }
0x36f: {  	v1 =	vadd.f32 v1, v2  }
0x370: {  	v2 =	vld.idx.msk [tilespmem:v7+s16+$0x0], $0xffff  }
0x371: {  	v4 =	vadd.f32 v4, v1  }
0x372: {  	v1 =	vld.idx.msk [tilespmem:v3+s16+$0x0], $0xffff  }
0x373: {  	s31 =	simm.s32 $0x208;
	v3 =	vadd.f32 v5, v4  }
0x374: {  	s30 =	simm.s32 $0x209;
	s28 =	simm.s32 $0x21B;
	s29 =	simm.s32 $0x22F;
	v4 =	vmov s31  }
.LBB2_10:
0x375: {  	p0 =	sne.s32 s29, $0x27F;
	v4 =	vand.u32 $0xFFFFFFFC, v4;
	v5 =	vmov s30;
	v2 =	vadd.f32 v2, v3  }
0x376: {  	s0 =	sadd.s32 $0xFFFFFFEF, s28;
	v3 =	vbroadcast v4, $0x0;
	v4 =	vand.u32 $0xFFFFFFFD, v5  }
0x377: {  	v5 =	vmov s0;
	v4 =	vbroadcast v4, $0x0;
	v1 =	vadd.f32 v1, v2  }
0x378: {  	v2 =	vand.u32 $0xFFFFFFFE, v5  }
0x379: {  	s26 =	sadd.s32 $0x80, s26;
	v2 =	vbroadcast v2, $0x0;
	v1 =	vmul.f32 $5.000000070e-02, v1  }
0x37a: {  	s1 =	sadd.s32 $0xFFFFFFFE, s28;
	s9 =	sadd.s32 $0xFFFFFFFF, s28;
	s0 =	sadd.s32 $0xFFFFFFF1, s28  }
0x37b: {  	s30 =	sadd.s32 $0xFFFFFFF0, s28;
	v6 =	vmov s1;
	v7 =	vmov s9;
	v5 =	vmov s0;
	s0 =	sadd.s32 $0xFFFFFFFC, s28;
	[tilespmem:s26+$0x0] =	vst v1  }
0x37c: {  	v8 =	vmov s30;
	s1 =	sadd.s32 $0xFFFFFFF2, s28;
	v5 =	vand.u32 $0xFFFFFFFC, v5;
	v1 =	vmov s0;
	s0 =	sadd.s32 $0xFFFFFFFD, s28;
	v3 =	vld.idx.msk [tilespmem:v3+s2+$0x0], $0xffff  }
0x37d: {  	s9 =	sadd.s32 $0xFFFFFFFB, s28;
	v9 =	vmov s1;
	s1 =	sadd.s32 $0xFFFFFFFA, s28;
	v5 =	vbroadcast v5, $0x0;
	v10 =	vmov s0;
	v4 =	vld.idx.msk [tilespmem:v4+s2+$0x0], $0xffff  }
0x37e: {  	s30 =	sadd.s32 $0xFFFFFFF8, s28;
	v12 =	vmov s9;
	v9 =	vand.u32 $0xFFFFFFFD, v9;
	v11 =	vmov s1;
	s0 =	sadd.s32 $0xFFFFFFF3, s28  }
0x37f: {  	v14 =	vmov s30;
	s1 =	sadd.s32 $0xFFFFFFF9, s28;
	v9 =	vbroadcast v9, $0x0;
	v13 =	vmov s0;
	s0 =	sadd.s32 $0xFFFFFFF5, s28;
	v2 =	vld.idx.msk [tilespmem:v2+s2+$0x0], $0xffff  }
0x380: {  	v16 =	vmov s1;
	v13 =	vand.u32 $0xFFFFFFFE, v13;
	v15 =	vmov s0;
	s0 =	sadd.s32 $0xFFFFFFF7, s28  }
0x381: {  	s1 =	sadd.s32 $0xFFFFFFF6, s28;
	v13 =	vbroadcast v13, $0x0;
	v15 =	vand.u32 $0xFFFFFFFC, v15;
	v17 =	vmov s0;
	v8 =	vld.idx.msk [tilespmem:v8+s2+$0x0], $0xffff  }
0x382: {  	s30 =	sshll.u32 s28, $0x7;
	v18 =	vmov s1;
	s0 =	sadd.s32 $0xFFFFFFF4, s28;
	v15 =	vbroadcast v15, $0x0;
	v3 =	vshll.u32 v3, $0x4  }
0x383: {  	s1 =	sadd.s32 $0xFFFF0680, s30;
	v19 =	vmov s0;
	v3 =	vand.u32 $0x70, v3;
	v4 =	vshll.u32 v4, $0x4;
	v5 =	vld.idx.msk [tilespmem:v5+s2+$0x0], $0xffff  }
0x384: {  	v18 =	vand.u32 $0xFFFFFFFD, v18;
	s0 =	sadd.s32 $0xFFFF0700, s30;
	v3 =	vor.u32 s1, v3;
	v4 =	vand.u32 $0x70, v4  }
0x385: {  	v3 =	vor.u32 v0, v3;
	v4 =	vor.u32 s0, v4;
	v2 =	vshll.u32 v2, $0x4;
	v9 =	vld.idx.msk [tilespmem:v9+s2+$0x0], $0xffff  }
0x386: {  	v18 =	vbroadcast v18, $0x0;
	s0 =	sadd.s32 $0xFFFF0780, s30;
	v4 =	vor.u32 v0, v4;
	v2 =	vand.u32 $0x70, v2  }
0x387: {  	v17 =	vand.u32 $0xFFFFFFFE, v17;
	v2 =	vor.u32 s0, v2;
	v8 =	vshll.u32 v8, $0x4;
	v13 =	vld.idx.msk [tilespmem:v13+s2+$0x0], $0xffff  }
0x388: {  	v17 =	vbroadcast v17, $0x0;
	s0 =	sadd.s32 $0xFFFF0800, s30;
	v2 =	vor.u32 v0, v2;
	v8 =	vand.u32 $0x70, v8;
	v15 =	vld.idx.msk [tilespmem:v15+s2+$0x0], $0xffff  }
0x389: {  	v7 =	vand.u32 $0xFFFFFFFE, v7;
	v8 =	vor.u32 s0, v8;
	v5 =	vshll.u32 v5, $0x4;
	v19 =	vld.idx.msk [tilespmem:v19+s2+$0x0], $0xffff  }
0x38a: {  	v6 =	vand.u32 $0xFFFFFFFD, v6;
	s0 =	sadd.s32 $0xFFFF0880, s30;
	v8 =	vor.u32 v0, v8;
	v5 =	vand.u32 $0x70, v5;
	v3 =	vld.idx.msk [tilespmem:v3+s16+$0x0], $0xffff  }
0x38b: {  	v16 =	vand.u32 $0xFFFFFFFC, v16;
	v5 =	vor.u32 s0, v5;
	v9 =	vshll.u32 v9, $0x4;
	v4 =	vld.idx.msk [tilespmem:v4+s16+$0x0], $0xffff  }
0x38c: {  	v16 =	vbroadcast v16, $0x0;
	s0 =	sadd.s32 $0xFFFF0900, s30;
	v5 =	vor.u32 v0, v5;
	v9 =	vand.u32 $0x70, v9;
	v18 =	vld.idx.msk [tilespmem:v18+s2+$0x0], $0xffff  }
0x38d: {  	v11 =	vand.u32 $0xFFFFFFFD, v11;
	v9 =	vor.u32 s0, v9;
	v13 =	vshll.u32 v13, $0x4;
	v2 =	vld.idx.msk [tilespmem:v2+s16+$0x0], $0xffff  }
0x38e: {  	v11 =	vbroadcast v11, $0x0;
	s0 =	sadd.s32 $0xFFFF0980, s30;
	v9 =	vor.u32 v0, v9;
	v13 =	vand.u32 $0x70, v13;
	v17 =	vld.idx.msk [tilespmem:v17+s2+$0x0], $0xffff  }
0x38f: {  	v12 =	vand.u32 $0xFFFFFFFE, v12;
	v13 =	vor.u32 s0, v13;
	v19 =	vshll.u32 v19, $0x4;
	v8 =	vld.idx.msk [tilespmem:v8+s16+$0x0], $0xffff  }
0x390: {  	v12 =	vbroadcast v12, $0x0;
	s0 =	sadd.s32 $0xFFFF0A00, s30;
	v13 =	vor.u32 v0, v13;
	v19 =	vand.u32 $0x70, v19;
	v14 =	vld.idx.msk [tilespmem:v14+s2+$0x0], $0xffff  }
0x391: {  	v15 =	vshll.u32 v15, $0x4;
	v3 =	vadd.f32 v4, v3;
	v4 =	vld.idx.msk [tilespmem:v5+s16+$0x0], $0xffff;
	v5 =	vor.u32 s0, v19  }
0x392: {  	v10 =	vand.u32 $0xFFFFFFFC, v10;
	v15 =	vand.u32 $0x70, v15;
	s0 =	sadd.s32 $0xFFFF0A80, s30;
	v5 =	vor.u32 v0, v5;
	v16 =	vld.idx.msk [tilespmem:v16+s2+$0x0], $0xffff  }
0x393: {  	v2 =	vadd.f32 v2, v3;
	v3 =	vld.idx.msk [tilespmem:v9+s16+$0x0], $0xffff;
	v9 =	vor.u32 s0, v15;
	v15 =	vshll.u32 v18, $0x4  }
0x394: {  	v10 =	vbroadcast v10, $0x0;
	s0 =	sadd.s32 $0xFFFF0B00, s30;
	v9 =	vor.u32 v0, v9;
	v15 =	vand.u32 $0x70, v15;
	v11 =	vld.idx.msk [tilespmem:v11+s2+$0x0], $0xffff  }
0x395: {  	v2 =	vadd.f32 v8, v2;
	v8 =	vld.idx.msk [tilespmem:v13+s16+$0x0], $0xffff;
	v13 =	vor.u32 s0, v15;
	v15 =	vshll.u32 v17, $0x4  }
0x396: {  	v6 =	vbroadcast v6, $0x0;
	s0 =	sadd.s32 $0xFFFF0B80, s30;
	v13 =	vor.u32 v0, v13;
	v15 =	vand.u32 $0x70, v15;
	v12 =	vld.idx.msk [tilespmem:v12+s2+$0x0], $0xffff  }
0x397: {  	v14 =	vshll.u32 v14, $0x4;
	v2 =	vadd.f32 v4, v2;
	v4 =	vld.idx.msk [tilespmem:v5+s16+$0x0], $0xffff;
	v5 =	vor.u32 s0, v15  }
0x398: {  	v7 =	vbroadcast v7, $0x0;
	v14 =	vand.u32 $0x70, v14;
	s0 =	sadd.s32 $0xFFFF0C00, s30;
	v5 =	vor.u32 v0, v5;
	v1 =	vld.idx.msk [tilespmem:v1+s2+$0x0], $0xffff  }
0x399: {  	v2 =	vadd.f32 v3, v2;
	v3 =	vld.idx.msk [tilespmem:v9+s16+$0x0], $0xffff;
	v9 =	vor.u32 s0, v14;
	v14 =	vshll.u32 v16, $0x4  }
0x39a: {  	v15 =	vmov s28;
	s28 =	smov.u32 s29;
	s0 =	sadd.s32 $0xFFFF0C80, s30;
	v9 =	vor.u32 v0, v9;
	v14 =	vand.u32 $0x70, v14;
	v10 =	vld.idx.msk [tilespmem:v10+s2+$0x0], $0xffff  }
0x39b: {  	v11 =	vshll.u32 v11, $0x4;
	v2 =	vadd.f32 v8, v2;
	v8 =	vld.idx.msk [tilespmem:v13+s16+$0x0], $0xffff;
	v13 =	vor.u32 s0, v14  }
0x39c: {  	v11 =	vand.u32 $0x70, v11;
	s0 =	sadd.s32 $0xFFFF0D00, s30;
	v13 =	vor.u32 v0, v13;
	v6 =	vld.idx.msk [tilespmem:v6+s2+$0x0], $0xffff  }
0x39d: {  	v2 =	vadd.f32 v4, v2;
	v4 =	vld.idx.msk [tilespmem:v5+s16+$0x0], $0xffff;
	v5 =	vor.u32 s0, v11;
	v11 =	vshll.u32 v12, $0x4  }
0x39e: {  	s0 =	sadd.s32 $0xFFFF0D80, s30;
	v5 =	vor.u32 v0, v5;
	v11 =	vand.u32 $0x70, v11;
	v7 =	vld.idx.msk [tilespmem:v7+s2+$0x0], $0xffff  }
0x39f: {  	v1 =	vshll.u32 v1, $0x4;
	v2 =	vadd.f32 v3, v2;
	v3 =	vld.idx.msk [tilespmem:v9+s16+$0x0], $0xffff;
	v9 =	vor.u32 s0, v11  }
0x3a0: {  	v1 =	vand.u32 $0x70, v1;
	s0 =	sadd.s32 $0xFFFF0E00, s30;
	v9 =	vor.u32 v0, v9;
	v11 =	vld.idx.msk [tilespmem:v15+s2+$0x0], $0xffff  }
0x3a1: {  	v10 =	vshll.u32 v10, $0x4;
	v2 =	vadd.f32 v8, v2;
	v1 =	vor.u32 s0, v1;
	v8 =	vld.idx.msk [tilespmem:v13+s16+$0x0], $0xffff  }
0x3a2: {  	v10 =	vand.u32 $0x70, v10;
	s0 =	sadd.s32 $0xFFFF0E80, s30;
	v1 =	vor.u32 v0, v1  }
0x3a3: {  	v6 =	vshll.u32 v6, $0x4;
	v2 =	vadd.f32 v4, v2;
	v4 =	vld.idx.msk [tilespmem:v5+s16+$0x0], $0xffff;
	v5 =	vor.u32 s0, v10  }
0x3a4: {  	v6 =	vand.u32 $0x70, v6;
	s0 =	sadd.s32 $0xFFFF0F00, s30;
	v5 =	vor.u32 v0, v5  }
0x3a5: {  	v7 =	vshll.u32 v7, $0x4;
	v2 =	vadd.f32 v3, v2;
	v6 =	vor.u32 s0, v6;
	v3 =	vld.idx.msk [tilespmem:v9+s16+$0x0], $0xffff  }
0x3a6: {  	v7 =	vand.u32 $0x70, v7;
	s0 =	sadd.s32 $0xFFFF0F80, s30;
	v6 =	vor.u32 v0, v6  }
0x3a7: {  	v7 =	vor.u32 s0, v7;
	v2 =	vadd.f32 v8, v2;
	v8 =	vshll.u32 v11, $0x4;
	v1 =	vld.idx.msk [tilespmem:v1+s16+$0x0], $0xffff  }
0x3a8: {  	s0 =	sadd.s32 $0xFFFF1000, s30;
	v7 =	vor.u32 v0, v7;
	v8 =	vand.u32 $0x70, v8  }
0x3a9: {  	v2 =	vadd.f32 v4, v2;
	v4 =	vld.idx.msk [tilespmem:v5+s16+$0x0], $0xffff;
	v5 =	vor.u32 s0, v8  }
0x3aa: {  	v5 =	vor.u32 v0, v5  }
0x3ab: {  	v2 =	vadd.f32 v3, v2;
	v3 =	vld.idx.msk [tilespmem:v6+s16+$0x0], $0xffff;
	_ =	sdelay $0x1  }
0x3ac: {  	v1 =	vadd.f32 v1, v2;
	v2 =	vld.idx.msk [tilespmem:v7+s16+$0x0], $0xffff  }
.Ltmp4:
0x3ad: {  	(pc) =	sbr.rel @p0 .LBB2_10-.Ltmp4, $3  }
0x3ae: {  	v4 =	vadd.f32 v4, v1;
	v1 =	vld.idx.msk [tilespmem:v5+s16+$0x0], $0xffff;
	_ =	sdelay $0x1  }
0x3af: {  	s0 =	sadd.s32 $0xFFFFFFED, s29;
	v3 =	vadd.f32 v3, v4  }
0x3b0: {  	s30 =	sadd.s32 $0xFFFFFFEE, s28;
	s29 =	sadd.s32 $0x14, s29;
	v4 =	vmov s0  }
0x3b1: {  	v4 =	vand.u32 $0xFFFFFFFC, v4;
	v5 =	vmov s30;
	v2 =	vadd.f32 v2, v3  }
0x3b2: {  	s0 =	sadd.s32 $0xFFFFFFEF, s28;
	v3 =	vbroadcast v4, $0x0;
	v41 =	vand.u32 $0xFFFFFFFD, v5  }
0x3b3: {  	v42 =	vmov s0;
	v4 =	vbroadcast v41, $0x0;
	v1 =	vadd.f32 v1, v2  }
0x3b4: {  	v2 =	vand.u32 $0xFFFFFFFE, v42  }
0x3b5: {  	s30 =	sadd.s32 $0xFFFFFFF1, s28;
	s1 =	sadd.s32 $0xFFFFFFFE, s28;
	s9 =	sadd.s32 $0xFFFFFFFF, s28;
	v2 =	vbroadcast v2, $0x0;
	v1 =	vmul.f32 $5.000000070e-02, v1  }
0x3b6: {  	s26 =	sadd.s32 $0x80, s26;
	s29 =	sadd.s32 $0xFFFFFFF0, s28;
	v43 =	vmov s30;
	v6 =	vmov s1;
	v7 =	vmov s9;
	s9 =	sadd.s32 $0xFFFFFFF2, s28  }
0x3b7: {  	v8 =	vmov s29;
	s29 =	sadd.s32 $0xFFFFFFFD, s28;
	s1 =	sadd.s32 $0xFFFFFFFA, s28;
	s30 =	sadd.s32 $0xFFFFFFF3, s28;
	v5 =	vand.u32 $0xFFFFFFFC, v43;
	v9 =	vmov s9;
	[tilespmem:s26+$0x0] =	vst v1  }
0x3b8: {  	s9 =	sadd.s32 $0xFFFFFFFB, s28;
	v10 =	vmov s29;
	v11 =	vmov s1;
	v13 =	vmov s30;
	v3 =	vld.idx.msk [tilespmem:v3+s2+$0x0], $0xffff  }
0x3b9: {  	s30 =	sadd.s32 $0xFFFFFFF9, s28;
	v5 =	vbroadcast v5, $0x0;
	v9 =	vand.u32 $0xFFFFFFFD, v9;
	v12 =	vmov s9;
	v4 =	vld.idx.msk [tilespmem:v4+s2+$0x0], $0xffff  }
0x3ba: {  	s9 =	sadd.s32 $0xFFFFFFF5, s28;
	v13 =	vand.u32 $0xFFFFFFFE, v13;
	v16 =	vmov s30;
	s30 =	sadd.s32 $0xFFFFFFF4, s28;
	v9 =	vbroadcast v9, $0x0  }
0x3bb: {  	s31 =	sadd.s32 $0xFFFFFFFC, s28;
	v15 =	vmov s9;
	v13 =	vbroadcast v13, $0x0;
	s9 =	sadd.s32 $0xFFFFFFF6, s28;
	v19 =	vmov s30;
	v2 =	vld.idx.msk [tilespmem:v2+s2+$0x0], $0xffff  }
0x3bc: {  	v15 =	vand.u32 $0xFFFFFFFC, v15;
	v18 =	vmov s9;
	v1 =	vmov s31;
	s31 =	sadd.s32 $0xFFFFFFF8, s28  }
0x3bd: {  	s29 =	sshll.u32 s28, $0x7;
	v15 =	vbroadcast v15, $0x0;
	v14 =	vmov s31;
	s31 =	sadd.s32 $0xFFFFFFF7, s28;
	v8 =	vld.idx.msk [tilespmem:v8+s2+$0x0], $0xffff;
	v3 =	vshll.u32 v3, $0x4  }
0x3be: {  	v17 =	vmov s31;
	s31 =	sadd.s32 $0xFFFF0680, s29;
	v3 =	vand.u32 $0x70, v3;
	v4 =	vshll.u32 v4, $0x4  }
0x3bf: {  	s9 =	sadd.s32 $0xFFFF0700, s29;
	v18 =	vand.u32 $0xFFFFFFFD, v18;
	v5 =	vld.idx.msk [tilespmem:v5+s2+$0x0], $0xffff;
	v3 =	vor.u32 s31, v3;
	v4 =	vand.u32 $0x70, v4  }
0x3c0: {  	v2 =	vshll.u32 v2, $0x4;
	v3 =	vor.u32 v0, v3;
	v4 =	vor.u32 s9, v4  }
0x3c1: {  	s30 =	sadd.s32 $0xFFFF0780, s29;
	v18 =	vbroadcast v18, $0x0;
	v9 =	vld.idx.msk [tilespmem:v9+s2+$0x0], $0xffff;
	v2 =	vand.u32 $0x70, v2;
	v4 =	vor.u32 v0, v4  }
0x3c2: {  	v17 =	vand.u32 $0xFFFFFFFE, v17;
	v19 =	vld.idx.msk [tilespmem:v19+s2+$0x0], $0xffff;
	v8 =	vshll.u32 v8, $0x4;
	v2 =	vor.u32 s30, v2  }
0x3c3: {  	v13 =	vld.idx.msk [tilespmem:v13+s2+$0x0], $0xffff;
	v17 =	vbroadcast v17, $0x0;
	v8 =	vand.u32 $0x70, v8;
	s31 =	sadd.s32 $0xFFFF0800, s29;
	v2 =	vor.u32 v0, v2  }
0x3c4: {  	v7 =	vand.u32 $0xFFFFFFFE, v7;
	v15 =	vld.idx.msk [tilespmem:v15+s2+$0x0], $0xffff;
	v5 =	vshll.u32 v5, $0x4;
	v8 =	vor.u32 s31, v8  }
0x3c5: {  	s1 =	sadd.s32 $0xFFFF0880, s29;
	v11 =	vand.u32 $0xFFFFFFFD, v11;
	v5 =	vand.u32 $0x70, v5;
	v8 =	vor.u32 v0, v8;
	v3 =	vld.idx.msk [tilespmem:v3+s16+$0x0], $0xffff  }
0x3c6: {  	v16 =	vand.u32 $0xFFFFFFFC, v16;
	v9 =	vshll.u32 v9, $0x4;
	v5 =	vor.u32 s1, v5;
	v4 =	vld.idx.msk [tilespmem:v4+s16+$0x0], $0xffff  }
0x3c7: {  	v11 =	vbroadcast v11, $0x0;
	v18 =	vld.idx.msk [tilespmem:v18+s2+$0x0], $0xffff;
	s9 =	sadd.s32 $0xFFFF0900, s29;
	v9 =	vand.u32 $0x70, v9;
	v5 =	vor.u32 v0, v5  }
0x3c8: {  	v16 =	vbroadcast v16, $0x0;
	v13 =	vshll.u32 v13, $0x4;
	v9 =	vor.u32 s9, v9;
	v2 =	vld.idx.msk [tilespmem:v2+s16+$0x0], $0xffff  }
0x3c9: {  	v19 =	vshll.u32 v19, $0x4;
	v13 =	vand.u32 $0x70, v13;
	s30 =	sadd.s32 $0xFFFF0980, s29;
	v17 =	vld.idx.msk [tilespmem:v17+s2+$0x0], $0xffff;
	v9 =	vor.u32 v0, v9  }
0x3ca: {  	v12 =	vand.u32 $0xFFFFFFFE, v12;
	v19 =	vand.u32 $0x70, v19;
	s31 =	sadd.s32 $0xFFFF0A00, s29;
	v13 =	vor.u32 s30, v13;
	v8 =	vld.idx.msk [tilespmem:v8+s16+$0x0], $0xffff  }
0x3cb: {  	v45 =	vor.u32 s31, v19;
	v13 =	vor.u32 v0, v13;
	v3 =	vadd.f32 v4, v3  }
0x3cc: {  	v44 =	vbroadcast v12, $0x0;
	v15 =	vshll.u32 v15, $0x4;
	v12 =	vor.u32 v0, v45;
	v5 =	vld.idx.msk [tilespmem:v5+s16+$0x0], $0xffff  }
0x3cd: {  	v14 =	vld.idx.msk [tilespmem:v14+s2+$0x0], $0xffff;
	s1 =	sadd.s32 $0xFFFF0A80, s29;
	v15 =	vand.u32 $0x70, v15;
	v47 =	vshll.u32 v18, $0x4;
	v2 =	vadd.f32 v2, v3  }
0x3ce: {  	v46 =	vor.u32 s1, v15;
	v15 =	vand.u32 $0x70, v47;
	v50 =	vshll.u32 v17, $0x4;
	v9 =	vld.idx.msk [tilespmem:v9+s16+$0x0], $0xffff  }
0x3cf: {  	v16 =	vld.idx.msk [tilespmem:v16+s2+$0x0], $0xffff;
	s9 =	sadd.s32 $0xFFFF0B00, s29;
	v3 =	vand.u32 $0xFFFFFFFC, v10;
	v10 =	vor.u32 v0, v46;
	v2 =	vadd.f32 v8, v2  }
0x3d0: {  	v6 =	vand.u32 $0xFFFFFFFD, v6;
	v49 =	vor.u32 s9, v15;
	v15 =	vand.u32 $0x70, v50;
	v48 =	vld.idx.msk [tilespmem:v13+s16+$0x0], $0xffff  }
0x3d1: {  	v11 =	vld.idx.msk [tilespmem:v11+s2+$0x0], $0xffff;
	s30 =	sadd.s32 $0xFFFF0B80, s29;
	v13 =	vor.u32 v0, v49;
	v3 =	vbroadcast v3, $0x0;
	v2 =	vadd.f32 v5, v2  }
0x3d2: {  	v51 =	vbroadcast v6, $0x0;
	v14 =	vshll.u32 v14, $0x4;
	v52 =	vld.idx.msk [tilespmem:v12+s16+$0x0], $0xffff;
	v53 =	vor.u32 s30, v15  }
0x3d3: {  	s31 =	sadd.s32 $0xFFFF0C00, s29;
	v14 =	vand.u32 $0x70, v14;
	v12 =	vor.u32 v0, v53;
	v4 =	vld.idx.msk [tilespmem:v44+s2+$0x0], $0xffff;
	v2 =	vadd.f32 v9, v2  }
0x3d4: {  	v7 =	vbroadcast v7, $0x0;
	v56 =	vshll.u32 v16, $0x4;
	v55 =	vor.u32 s31, v14;
	v54 =	vld.idx.msk [tilespmem:v10+s16+$0x0], $0xffff  }
0x3d5: {  	v1 =	vld.idx.msk [tilespmem:v1+s2+$0x0], $0xffff;
	v14 =	vand.u32 $0x70, v56;
	s1 =	sadd.s32 $0xFFFF0C80, s29;
	v10 =	vor.u32 v0, v55;
	v2 =	vadd.f32 v48, v2  }
0x3d6: {  	v11 =	vshll.u32 v11, $0x4;
	v58 =	vor.u32 s1, v14;
	v57 =	vld.idx.msk [tilespmem:v13+s16+$0x0], $0xffff  }
0x3d7: {  	v11 =	vand.u32 $0x70, v11;
	s9 =	sadd.s32 $0xFFFF0D00, s29;
	v13 =	vor.u32 v0, v58;
	v3 =	vld.idx.msk [tilespmem:v3+s2+$0x0], $0xffff;
	v2 =	vadd.f32 v52, v2  }
0x3d8: {  	v59 =	vmov s28;
	v11 =	vor.u32 s9, v11;
	v12 =	vld.idx.msk [tilespmem:v12+s16+$0x0], $0xffff;
	v4 =	vshll.u32 v4, $0x4  }
0x3d9: {  	v11 =	vor.u32 v0, v11;
	s30 =	sadd.s32 $0xFFFF0D80, s29;
	v5 =	vld.idx.msk [tilespmem:v51+s2+$0x0], $0xffff;
	v4 =	vand.u32 $0x70, v4;
	v2 =	vadd.f32 v54, v2  }
0x3da: {  	v1 =	vshll.u32 v1, $0x4;
	v4 =	vor.u32 s30, v4;
	v60 =	vld.idx.msk [tilespmem:v10+s16+$0x0], $0xffff  }
0x3db: {  	v7 =	vld.idx.msk [tilespmem:v7+s2+$0x0], $0xffff;
	v1 =	vand.u32 $0x70, v1;
	s31 =	sadd.s32 $0xFFFF0E00, s29;
	v4 =	vor.u32 v0, v4;
	v2 =	vadd.f32 v57, v2  }
0x3dc: {  	v1 =	vor.u32 s31, v1;
	v61 =	vld.idx.msk [tilespmem:v13+s16+$0x0], $0xffff;
	v3 =	vshll.u32 v3, $0x4  }
0x3dd: {  	v6 =	vld.idx.msk [tilespmem:v59+s2+$0x0], $0xffff;
	s1 =	sadd.s32 $0xFFFF0E80, s29;
	v1 =	vor.u32 v0, v1;
	v3 =	vand.u32 $0x70, v3;
	v2 =	vadd.f32 v12, v2  }
0x3de: {  	v62 =	vld.idx.msk [tilespmem:v11+s16+$0x0], $0xffff;
	v5 =	vshll.u32 v5, $0x4;
	v3 =	vor.u32 s1, v3  }
0x3df: {  	s9 =	sadd.s32 $0xFFFF0F00, s29;
	v5 =	vand.u32 $0x70, v5;
	v3 =	vor.u32 v0, v3;
	v2 =	vadd.f32 v60, v2  }
0x3e0: {  	v7 =	vshll.u32 v7, $0x4;
	v4 =	vld.idx.msk [tilespmem:v4+s16+$0x0], $0xffff;
	v5 =	vor.u32 s9, v5  }
0x3e1: {  	s28 =	sadd.s32 $0xFFFF0F80, s29;
	v7 =	vand.u32 $0x70, v7;
	v5 =	vor.u32 v0, v5;
	v2 =	vadd.f32 v61, v2  }
0x3e2: {  	v6 =	vshll.u32 v6, $0x4;
	v7 =	vor.u32 s28, v7;
	v1 =	vld.idx.msk [tilespmem:v1+s16+$0x0], $0xffff  }
0x3e3: {  	v6 =	vand.u32 $0x70, v6;
	v7 =	vor.u32 v0, v7;
	s30 =	sadd.s32 $0xFFFF1000, s29;
	v2 =	vadd.f32 v62, v2  }
0x3e4: {  	v6 =	vor.u32 s30, v6;
	v3 =	vld.idx.msk [tilespmem:v3+s16+$0x0], $0xffff  }
0x3e5: {  	v6 =	vor.u32 v0, v6;
	v2 =	vadd.f32 v4, v2  }
0x3e6: {  	v63 =	vld.idx.msk [tilespmem:v5+s16+$0x0], $0xffff  }
0x3e7: {  	v1 =	vadd.f32 v1, v2  }
0x3e8: {  	v2 =	vld.idx.msk [tilespmem:v7+s16+$0x0], $0xffff  }
0x3e9: {  	v1 =	vadd.f32 v3, v1  }
0x3ea: {  	v3 =	vld.idx.msk [tilespmem:v6+s16+$0x0], $0xffff  }
0x3eb: {  	v1 =	vadd.f32 v63, v1;
	_ =	sdelay $0x1  }
0x3ec: {  	v1 =	vadd.f32 v2, v1;
	_ =	sdelay $0x1  }
0x3ed: {  	v1 =	vadd.f32 v3, v1;
	_ =	sdelay $0x1  }
0x3ee: {  	s25 =	sadd.s32 $0x1, s25;
	v1 =	vmul.f32 $5.000000070e-02, v1  }
0x3ef: {  	p0 =	sne.s32 s25, s6;
	s31 =	sadd.s32 $0x80, s26  }
.Ltmp5:
0x3f0: {  	[tilespmem:s31+$0x0] =	vst v1;
	(pc) =	sbr.rel @p0 .LBB2_1-.Ltmp5, $4  }
0x3f1: {  	[hbm4b:s5+s2] =	stream.linear.scatter [tilespmem:s24], [sflag:$0x3], $0x1000, $0x38;
	[tilespmem:$0xB500] =	vst v63  }
0x3f2: {  	_ =	swait.ge [sflag:s7], $0x1000  }
0x3f3: {  	[sflag:s7] =	ssyncset.done $0x0  }
0x3f4: {  	[sflag:s7] =	ssyncadd.s32 $0xFFFFF000  }
0x3f5: {  	_ =	sfence.sel $0x180000  }
0x3f6: {  	[bflag:$0x0] =	sbarrier.arrive $0xFFFF  }
0x3f7: {  	_ =	strace $0x90000047  }
0x3f8: {  	s0 =	stileid.u32;
	[bflag:$0x2] =	sbarrier.arrive $0xFFFF  }
0x3f9: {  	p0 =	sne.s32 s0, $0x0;
	s0 =	rddreg [dreg:$0x2]  }
0x3fa: {  	s0 =	sadd.s32 @!p0 $0x100000, s0  }
0x3fb: {  	[sflag:s0] =	ssyncadd.tile.s32 @!p0 $0x1;
	_ =	shalt  }
.Lfunc_end2:
_tile_overlayer_lowered:
.L_overlay_start_2:
0x3fc: {  	(tag) =	ssettag $0x2  }
0x3fd: {  	s0 =	rddreg [dreg:$0x0];
	s2 =	stileid.u32  }
0x3fe: {  	s1 =	rddreg [dreg:$0x1];
	p0 =	sne.s32 s2, $0x0  }
0x3ff: {  	s3 =	rddreg [dreg:$0x2];
	[bflag:$0x3] =	sbarrier.arrive $0xFFFF;
	s2 =	simm.s32 @!p0 $0x1C03  }
0x400: {  	[timem:s3], [sflag:s2] =	dma.local @!p0 [hbm:s0], s1  }
0x401: {  	s0 =	simm.s32 @!p0 $0x3  }
0x402: {  	_ =	swait.ge @!p0 [sflag:s0], s1  }
0x403: {  	s1 =	ssub.s32 @!p0 $0x0, s1;
	[sflag:s0] =	ssyncset.done @!p0 $0x0  }
0x404: {  	[sflag:s0] =	ssyncadd.s32 @!p0 s1  }
0x405: {  	[bflag:$0x3] =	sbarrier.arrive $0xFFFF  }
0x406: {  	_ =	shalt  }

</sc_bundles>
